<compile_context>
chip_gen: v7x
topology: tpu7x:2x2x1
jax: 0.10.2.dev20260603
libtpu: 0.0.44.dev20260713+nightly
codegen_flags: <defaults>
</compile_context>

<pallas_src>
import jax
import jax.numpy as jnp
from jax import lax
from jax.experimental import pallas as pl
from jax.experimental.pallas import tpu as pltpu
from jax.experimental.pallas import tpu_sc as plsc

N = 10000
E = 160000
D = 256
DH = 128
BN_EPS = 1e-5

NUM_SC = 2
NUM_TILES = 16
CHUNK = 32
EP = 163840
EDGES_PER_TILE = EP // NUM_TILES
CHUNKS_PER_TILE = EDGES_PER_TILE // CHUNK
SH_ROWS = 10240
ZROWS = SH_ROWS // NUM_TILES
OUT_ROWS = 640
OUT_ROWS_LAST = N - (NUM_TILES - 1) * OUT_ROWS


def _enc_body(attr_ref, w_ref, b_ref, el_ref, er_ref):
    e = jnp.dot(attr_ref[...], w_ref[...],
                preferred_element_type=jnp.float32) + b_ref[...]
    el_ref[...] = e[:, :DH]
    er_ref[...] = e[:, DH:]


def _encode(attr_pad, w_enc8, b_enc):
    BE = 2048
    grid = EP // BE
    return pl.pallas_call(
        _enc_body,
        grid=(grid,),
        in_specs=[
            pl.BlockSpec((BE, 8), lambda i: (i, 0)),
            pl.BlockSpec((8, D), lambda i: (0, 0)),
            pl.BlockSpec((1, D), lambda i: (0, 0)),
        ],
        out_specs=[
            pl.BlockSpec((BE, DH), lambda i: (i, 0)),
            pl.BlockSpec((BE, DH), lambda i: (i, 0)),
        ],
        out_shape=[
            jax.ShapeDtypeStruct((EP, DH), jnp.float32),
            jax.ShapeDtypeStruct((EP, DH), jnp.float32),
        ],
    )(attr_pad, w_enc8, b_enc)


def _sc_body(xl, xr, el, er, sd, zeros_hbm, out,
             sdv, dsc, xbuf, ebuf, mbuf, shared,
             sem_i, sem_x, sem_e, sem_s0, sem_s1):
    cid = lax.axis_index("c")
    tid = lax.axis_index("s")

    pltpu.sync_copy(zeros_hbm, shared.at[pl.ds(pl.multiple_of(tid * ZROWS, 8),
                                               ZROWS)])
    plsc.subcore_barrier()

    def run_half(x_h, e_h):
        def i_desc(k, slot):
            row = tid * CHUNKS_PER_TILE + k
            return pltpu.make_async_copy(sd.at[row], sdv.at[slot], sem_i)

        def g_desc(k, slot):
            return pltpu.make_async_copy(x_h.at[sdv.at[slot, 0]],
                                         xbuf.at[slot], sem_x)

        def e_desc(k, slot):
            base = pl.multiple_of(tid * EDGES_PER_TILE + k * CHUNK, 8)
            return pltpu.make_async_copy(e_h.at[pl.ds(base, CHUNK)],
                                         ebuf.at[slot], sem_e)

        def s_desc(k, slot):
            sem = sem_s0 if slot == 0 else sem_s1
            return pltpu.make_async_copy(mbuf.at[slot],
                                         shared.at[dsc.at[slot]], sem)

        i_desc(0, 0).start()
        i_desc(0, 0).wait()
        g_desc(0, 0).start()
        e_desc(0, 0).start()
        i_desc(1, 1).start()

        def body(i, carry):
            for sub in range(2):
                k = 2 * i + sub
                s = sub
                o = 1 - sub
                g_desc(k, s).wait()
                e_desc(k, s).wait()

                @pl.when(k >= 2)
                def _():
                    s_desc(k - 2, s).wait()

                @pl.when(k + 1 < CHUNKS_PER_TILE)
                def _():
                    i_desc(k + 1, o).wait()
                    g_desc(k + 1, o).start()
                    e_desc(k + 1, o).start()

                for j in range(CHUNK // 16):
                    sl = pl.ds(j * 16, 16)
                    dsc[s, sl] = sdv[s, 1, sl]

                @pl.when(k + 2 < CHUNKS_PER_TILE)
                def _():
                    i_desc(k + 2, s).start()

                def row(r, c2):
                    for j in range(DH // 16):
                        sl = pl.ds(j * 16, 16)
                        mbuf[s, r, sl] = jnp.maximum(
                            xbuf[s, r, sl] + ebuf[s, r, sl], 0.0)
                    return c2

                lax.fori_loop(0, CHUNK, row, 0)
                s_desc(k, s).start(add=True)
            return carry

        lax.fori_loop(0, CHUNKS_PER_TILE // 2, body, 0)
        s_desc(CHUNKS_PER_TILE - 2, 0).wait()
        s_desc(CHUNKS_PER_TILE - 1, 1).wait()

    @pl.when(cid == 0)
    def _():
        run_half(xl, el)

    @pl.when(cid == 1)
    def _():
        run_half(xr, er)

    plsc.subcore_barrier()

    r0 = pl.multiple_of(tid * OUT_ROWS, 8)
    col = pl.multiple_of(cid * DH, DH)

    @pl.when(tid < NUM_TILES - 1)
    def _():
        pltpu.sync_copy(shared.at[pl.ds(r0, OUT_ROWS)],
                        out.at[pl.ds(r0, OUT_ROWS), pl.ds(col, DH)])

    @pl.when(tid == NUM_TILES - 1)
    def _():
        pltpu.sync_copy(shared.at[pl.ds(r0, OUT_ROWS_LAST)],
                        out.at[pl.ds(r0, OUT_ROWS_LAST), pl.ds(col, DH)])


_sc_aggregate = pl.kernel(
    _sc_body,
    out_type=jax.ShapeDtypeStruct((N, D), jnp.float32),
    mesh=plsc.VectorSubcoreMesh(core_axis_name="c", subcore_axis_name="s"),
    scratch_types=[
        pltpu.VMEM((2, 2, CHUNK), jnp.int32),
        pltpu.VMEM((2, CHUNK), jnp.int32),
        pltpu.VMEM((2, CHUNK, DH), jnp.float32),
        pltpu.VMEM((2, CHUNK, DH), jnp.float32),
        pltpu.VMEM((2, CHUNK, DH), jnp.float32),
        pltpu.VMEM_SHARED((SH_ROWS, DH), jnp.float32),
        pltpu.SemaphoreType.DMA,
        pltpu.SemaphoreType.DMA,
        pltpu.SemaphoreType.DMA,
        pltpu.SemaphoreType.DMA,
        pltpu.SemaphoreType.DMA,
    ],
)


_BR = 400
_NB = N // _BR


def _mlp_body(scale_ref, x_ref, aggr_ref, w1_ref, b1_ref, gamma_ref, beta_ref,
              w2_ref, b2_ref, out_ref, h1_scr, sum_scr, sq_scr):
    i = pl.program_id(0)

    @pl.when(i == 0)
    def _():
        sum_scr[...] = jnp.zeros_like(sum_scr)
        sq_scr[...] = jnp.zeros_like(sq_scr)

    @pl.when(i < _NB)
    def _():
        h = scale_ref[0, 0] * x_ref[...] + aggr_ref[...]
        h1 = (jnp.dot(h, w1_ref[...], preferred_element_type=jnp.float32)
              + b1_ref[...])
        h1_scr[pl.ds(i * _BR, _BR), :] = h1
        sum_scr[...] += jnp.sum(h1, axis=0, keepdims=True)
        sq_scr[...] += jnp.sum(h1 * h1, axis=0, keepdims=True)

    @pl.when(i >= _NB)
    def _():
        mu = sum_scr[...] / N
        var = sq_scr[...] / N - mu * mu
        a = gamma_ref[...] * lax.rsqrt(var + BN_EPS)
        c = beta_ref[...] - mu * a
        h1 = h1_scr[pl.ds((i - _NB) * _BR, _BR), :]
        y = jnp.maximum(h1 * a + c, 0.0)
        out_ref[...] = jnp.dot(y, w2_ref[...],
                               preferred_element_type=jnp.float32) + b2_ref[...]


def _mlp(scale, x, aggr, w1, b1, gamma, beta, w2, b2):
    def blk(i):
        return (lax.rem(i, _NB), 0)

    def blk_in(i):
        return (jnp.where(i < _NB, i, 0), 0)

    return pl.pallas_call(
        _mlp_body,
        grid=(2 * _NB,),
        in_specs=[
            pl.BlockSpec(memory_space=pltpu.SMEM),
            pl.BlockSpec((_BR, D), blk_in),
            pl.BlockSpec((_BR, D), blk_in),
            pl.BlockSpec((D, 2 * D), lambda i: (0, 0)),
            pl.BlockSpec((1, 2 * D), lambda i: (0, 0)),
            pl.BlockSpec((1, 2 * D), lambda i: (0, 0)),
            pl.BlockSpec((1, 2 * D), lambda i: (0, 0)),
            pl.BlockSpec((2 * D, D), lambda i: (0, 0)),
            pl.BlockSpec((1, D), lambda i: (0, 0)),
        ],
        out_specs=pl.BlockSpec((_BR, D), blk),
        out_shape=jax.ShapeDtypeStruct((N, D), jnp.float32),
        scratch_shapes=[
            pltpu.VMEM((N, 2 * D), jnp.float32),
            pltpu.VMEM((1, 2 * D), jnp.float32),
            pltpu.VMEM((1, 2 * D), jnp.float32),
        ],
    )(scale, x, aggr, w1, b1, gamma, beta, w2, b2)


def kernel(x, edge_index, edge_attr, W_enc, b_enc, eps, W1, b1, bn_gamma,
           bn_beta, W2, b2):
    src = edge_index[0].astype(jnp.int32)
    dst = edge_index[1].astype(jnp.int32)
    src_p = jnp.pad(src, (0, EP - E)).reshape(EP // CHUNK, CHUNK)
    dst_p = jnp.pad(dst, (0, EP - E), constant_values=N).reshape(
        EP // CHUNK, CHUNK)
    sd = jnp.stack([src_p, dst_p], axis=1)
    attr_p = jnp.pad(edge_attr, ((0, EP - E), (0, 1)))
    w_enc8 = jnp.pad(W_enc, ((0, 1), (0, 0)))
    xl = x[:, :DH]
    xr = x[:, DH:]
    zeros_blk = jnp.zeros((ZROWS, DH), jnp.float32)
    scale = jnp.reshape(1.0 + eps, (1, 1))

    el, er = _encode(attr_p, w_enc8, jnp.reshape(b_enc, (1, D)))

    aggr = _sc_aggregate(xl, xr, el, er, sd, zeros_blk)

    out = _mlp(scale, x, aggr, W1, jnp.reshape(b1, (1, 2 * D)),
               jnp.reshape(bn_gamma, (1, 2 * D)),
               jnp.reshape(bn_beta, (1, 2 * D)), W2, jnp.reshape(b2, (1, D)))
    return out

# --- scband reference (transcript-rebuilt; emitter-appended) ---
"""Pipeline reference for scband-gineconv-custom-38938173505906 (READ-ONLY COPY).

The authoritative reference and input builder live on the scoring server;
editing this copy changes nothing except your own understanding.
"""

import jax, jax.numpy as jnp
import numpy as np

N = 10000
E = 160000
D = 256
BN_EPS = 1e-5

def setup_inputs(seed: int = 0) -> dict:
    key = jax.random.key(seed)
    ks = jax.random.split(key, 12)
    x = jax.random.normal(ks[0], (N, D), dtype=jnp.float32)
    edge_index = jax.random.randint(ks[1], (2, E), 0, N, dtype=jnp.int64)
    edge_attr = jax.random.normal(ks[2], (E, 7), dtype=jnp.float32)
    # edge encoder Linear(7, D)
    W_enc = jax.random.normal(ks[3], (7, D), dtype=jnp.float32) * (1.0 / np.sqrt(7))
    b_enc = jnp.zeros((D,), dtype=jnp.float32)
    # GINE train_eps parameter (init 0.0)
    eps = jnp.zeros((), dtype=jnp.float32)
    # MLP: Linear(D, 2D) -> BN(2D) -> ReLU -> Linear(2D, D)
    W1 = jax.random.normal(ks[4], (D, 2 * D), dtype=jnp.float32) * (1.0 / np.sqrt(D))
    b1 = jnp.zeros((2 * D,), dtype=jnp.float32)
    bn_gamma = jnp.ones((2 * D,), dtype=jnp.float32)
    bn_beta = jnp.zeros((2 * D,), dtype=jnp.float32)
    W2 = jax.random.normal(ks[5], (2 * D, D), dtype=jnp.float32) * (1.0 / np.sqrt(2 * D))
    b2 = jnp.zeros((D,), dtype=jnp.float32)
    return {"x": x, "edge_index": edge_index, "edge_attr": edge_attr,
            "W_enc": W_enc, "b_enc": b_enc, "eps": eps,
            "W1": W1, "b1": b1, "bn_gamma": bn_gamma, "bn_beta": bn_beta,
            "W2": W2, "b2": b2}

def reference(x, edge_index, edge_attr, W_enc, b_enc, eps, W1, b1, bn_gamma, bn_beta, W2, b2):
    # edge encoder
    e = edge_attr @ W_enc + b_enc
    src = edge_index[0]
    dst = edge_index[1]
    # GINEConv message: relu(x_j + edge_emb), aggregate sum at dst
    msg = jax.nn.relu(x[src] + e)
    aggr = jax.ops.segment_sum(msg, dst, num_segments=N)
    h = (1.0 + eps) * x + aggr
    # MLP with BatchNorm (training-mode batch statistics)
    h1 = h @ W1 + b1
    mu = jnp.mean(h1, axis=0)
    var = jnp.mean((h1 - mu) ** 2, axis=0)
    h1n = (h1 - mu) / jnp.sqrt(var + BN_EPS) * bn_gamma + bn_beta
    out = jax.nn.relu(h1n) @ W2 + b2
    return out

if __name__ == "__main__":
    import jax
    _d = setup_inputs()
    print(jax.jit(kernel)(*tuple(_d.values())))

</pallas_src>

<mosaic_0001>
#map = affine_map<(d0, d1) -> (0, 0)>
#map1 = affine_map<(d0, d1) -> (0, 0, 0)>
module attributes {stable_mosaic.version = 14 : i64} {
  func.func @_sc_body(%arg0: i32, %arg1: i32, %arg2: memref<10000x128xf32, #tpu.memory_space<hbm>>, %arg3: memref<10000x128xf32, #tpu.memory_space<hbm>>, %arg4: memref<163840x128xf32, #tpu.memory_space<hbm>>, %arg5: memref<163840x128xf32, #tpu.memory_space<hbm>>, %arg6: memref<5120x2x32xi32, #tpu.memory_space<hbm>>, %arg7: memref<640x128xf32, #tpu.memory_space<hbm>>, %arg8: memref<10000x256xf32, #tpu.memory_space<hbm>>, %arg9: memref<2x2x32xi32, #tpu.memory_space<vmem>>, %arg10: memref<2x32xi32, #tpu.memory_space<vmem>>, %arg11: memref<2x32x128xf32, #tpu.memory_space<vmem>>, %arg12: memref<2x32x128xf32, #tpu.memory_space<vmem>>, %arg13: memref<2x32x128xf32, #tpu.memory_space<vmem>>, %arg14: memref<10240x128xf32, #tpu.memory_space<vmem_shared>>, %arg15: memref<!tpu.dma_semaphore, #tpu.memory_space<semaphore_mem>>, %arg16: memref<!tpu.dma_semaphore, #tpu.memory_space<semaphore_mem>>, %arg17: memref<!tpu.dma_semaphore, #tpu.memory_space<semaphore_mem>>, %arg18: memref<!tpu.dma_semaphore, #tpu.memory_space<semaphore_mem>>, %arg19: memref<!tpu.dma_semaphore, #tpu.memory_space<semaphore_mem>>) attributes {dimension_semantics = [#tpu.dimension_semantics<core_parallel>, #tpu.dimension_semantics<subcore_parallel>], iteration_bounds = array<i64: 2, 16>, scalar_prefetch = 0 : i64, scratch_operands = 11 : i64, tpu.core_type = #tpu.core_type<sc_vector_subcore>, window_params = [{transform_indices = #map}, {transform_indices = #map}, {transform_indices = #map}, {transform_indices = #map}, {transform_indices = #map1}, {transform_indices = #map}, {transform_indices = #map}]} {
    %mul3A = arith.constant 640 : i32
    %mul3A_0 = arith.muli %arg1, %mul3A : i32
    %multiple_of3A = tpu.assume_multiple %mul3A_0, 8 : i32
    "tpu.region"() ({
      %run_scoped3A = tpu.sem_alloc : memref<!tpu.dma_semaphore, #tpu.memory_space<semaphore_mem>>
      %dma_start3A = arith.constant 0 : i32
      %dma_start3A_24 = tpu.memref_slice %arg14[%multiple_of3A, %dma_start3A] : memref<10240x128xf32, #tpu.memory_space<vmem_shared>> -> memref<640x128xf32, #tpu.memory_space<vmem_shared>>
      tpu.enqueue_dma source(%arg7 : memref<640x128xf32, #tpu.memory_space<hbm>>) target(%dma_start3A_24 : memref<640x128xf32, #tpu.memory_space<vmem_shared>>) target_semaphore(%run_scoped3A : memref<!tpu.dma_semaphore, #tpu.memory_space<semaphore_mem>>)
      %dma_wait3A = arith.constant 0 : i32
      %dma_wait3A_25 = tpu.memref_slice %arg14[%multiple_of3A, %dma_wait3A] : memref<10240x128xf32, #tpu.memory_space<vmem_shared>> -> memref<640x128xf32, #tpu.memory_space<vmem_shared>>
      tpu.wait_dma2 semaphore(%run_scoped3A : memref<!tpu.dma_semaphore, #tpu.memory_space<semaphore_mem>>) src(%arg7 : memref<640x128xf32, #tpu.memory_space<hbm>>) dst(%dma_wait3A_25 : memref<640x128xf32, #tpu.memory_space<vmem_shared>>)
      tpu.yield
    }) : () -> ()
    %barrier3A = arith.constant 0 : index
    tpu.barrier barrier_id(%barrier3A)
    %eq3A = arith.constant 0 : i32
    %eq3A_1 = arith.cmpi eq, %arg0, %eq3A : i32
    %convert_element_type3A = arith.extui %eq3A_1 : i1 to i32
    %cond3A = arith.constant 0 : i32
    %cond3A_2 = arith.cmpi ne, %convert_element_type3A, %cond3A : i32
    scf.if %cond3A_2 {
      %mul3A_24 = arith.constant 320 : i32
      %mul3A_25 = arith.muli %arg1, %mul3A_24 : i32
      %add3A = arith.constant 0 : i32
      %add3A_26 = arith.addi %mul3A_25, %add3A : i32
      %dma_start3A = arith.constant 0 : i32
      %dma_start3A_27 = arith.constant 0 : i32
      %dma_start3A_28 = arith.constant 0 : i32
      %dma_start3A_29 = tpu.memref_slice %arg9[%dma_start3A, %dma_start3A_27, %dma_start3A_28] : memref<2x2x32xi32, #tpu.memory_space<vmem>> -> memref<1x2x32xi32, #tpu.memory_space<vmem>>
      %dma_start3A_30 = tpu.memref_squeeze %dma_start3A_29 : memref<1x2x32xi32, #tpu.memory_space<vmem>> -> memref<2x32xi32, #tpu.memory_space<vmem>>
      %dma_start3A_31 = arith.constant 0 : i32
      %dma_start3A_32 = arith.constant 0 : i32
      %dma_start3A_33 = tpu.memref_slice %arg6[%add3A_26, %dma_start3A_31, %dma_start3A_32] : memref<5120x2x32xi32, #tpu.memory_space<hbm>> -> memref<1x2x32xi32, #tpu.memory_space<hbm>>
      %dma_start3A_34 = tpu.memref_squeeze %dma_start3A_33 : memref<1x2x32xi32, #tpu.memory_space<hbm>> -> memref<2x32xi32, #tpu.memory_space<hbm>>
      %dma_start3A_35 = arith.constant 0 : i32
      %dma_start3A_36 = arith.constant 0 : i32
      %dma_start3A_37 = tpu.memref_slice %arg9[%dma_start3A, %dma_start3A_35, %dma_start3A_36] : memref<2x2x32xi32, #tpu.memory_space<vmem>> -> memref<1x2x32xi32, #tpu.memory_space<vmem>>
      %dma_start3A_38 = tpu.memref_squeeze %dma_start3A_37 : memref<1x2x32xi32, #tpu.memory_space<vmem>> -> memref<2x32xi32, #tpu.memory_space<vmem>>
      %dma_start3A_39 = arith.constant 0 : i32
      %dma_start3A_40 = arith.constant 0 : i32
      %dma_start3A_41 = tpu.memref_slice %arg6[%add3A_26, %dma_start3A_39, %dma_start3A_40] : memref<5120x2x32xi32, #tpu.memory_space<hbm>> -> memref<1x2x32xi32, #tpu.memory_space<hbm>>
      %dma_start3A_42 = tpu.memref_squeeze %dma_start3A_41 : memref<1x2x32xi32, #tpu.memory_space<hbm>> -> memref<2x32xi32, #tpu.memory_space<hbm>>
      tpu.enqueue_dma source(%dma_start3A_42 : memref<2x32xi32, #tpu.memory_space<hbm>>) target(%dma_start3A_38 : memref<2x32xi32, #tpu.memory_space<vmem>>) target_semaphore(%arg15 : memref<!tpu.dma_semaphore, #tpu.memory_space<semaphore_mem>>)
      %mul3A_43 = arith.constant 320 : i32
      %mul3A_44 = arith.muli %arg1, %mul3A_43 : i32
      %add3A_45 = arith.constant 0 : i32
      %add3A_46 = arith.addi %mul3A_44, %add3A_45 : i32
      %dma_wait3A = arith.constant 0 : i32
      %dma_wait3A_47 = arith.constant 0 : i32
      %dma_wait3A_48 = arith.constant 0 : i32
      %dma_wait3A_49 = tpu.memref_slice %arg9[%dma_wait3A, %dma_wait3A_47, %dma_wait3A_48] : memref<2x2x32xi32, #tpu.memory_space<vmem>> -> memref<1x2x32xi32, #tpu.memory_space<vmem>>
      %dma_wait3A_50 = tpu.memref_squeeze %dma_wait3A_49 : memref<1x2x32xi32, #tpu.memory_space<vmem>> -> memref<2x32xi32, #tpu.memory_space<vmem>>
      %dma_wait3A_51 = arith.constant 0 : i32
      %dma_wait3A_52 = arith.constant 0 : i32
      %dma_wait3A_53 = tpu.memref_slice %arg6[%add3A_46, %dma_wait3A_51, %dma_wait3A_52] : memref<5120x2x32xi32, #tpu.memory_space<hbm>> -> memref<1x2x32xi32, #tpu.memory_space<hbm>>
      %dma_wait3A_54 = tpu.memref_squeeze %dma_wait3A_53 : memref<1x2x32xi32, #tpu.memory_space<hbm>> -> memref<2x32xi32, #tpu.memory_space<hbm>>
      %dma_wait3A_55 = arith.constant 0 : i32
      %dma_wait3A_56 = arith.constant 0 : i32
      %dma_wait3A_57 = tpu.memref_slice %arg9[%dma_wait3A, %dma_wait3A_55, %dma_wait3A_56] : memref<2x2x32xi32, #tpu.memory_space<vmem>> -> memref<1x2x32xi32, #tpu.memory_space<vmem>>
      %dma_wait3A_58 = tpu.memref_squeeze %dma_wait3A_57 : memref<1x2x32xi32, #tpu.memory_space<vmem>> -> memref<2x32xi32, #tpu.memory_space<vmem>>
      %dma_wait3A_59 = arith.constant 0 : i32
      %dma_wait3A_60 = arith.constant 0 : i32
      %dma_wait3A_61 = tpu.memref_slice %arg6[%add3A_46, %dma_wait3A_59, %dma_wait3A_60] : memref<5120x2x32xi32, #tpu.memory_space<hbm>> -> memref<1x2x32xi32, #tpu.memory_space<hbm>>
      %dma_wait3A_62 = tpu.memref_squeeze %dma_wait3A_61 : memref<1x2x32xi32, #tpu.memory_space<hbm>> -> memref<2x32xi32, #tpu.memory_space<hbm>>
      tpu.wait_dma2 semaphore(%arg15 : memref<!tpu.dma_semaphore, #tpu.memory_space<semaphore_mem>>) src(%dma_wait3A_62 : memref<2x32xi32, #tpu.memory_space<hbm>>) dst(%dma_wait3A_58 : memref<2x32xi32, #tpu.memory_space<vmem>>)
      %dma_start3A_63 = arith.constant 0 : i32
      %dma_start3A_64 = arith.constant 0 : i32
      %dma_start3A_65 = arith.constant 0 : i32
      %dma_start3A_66 = arith.constant 0 : i32
      %dma_start3A_67 = arith.constant 0 : i32
      %dma_start3A_68 = tpu.memref_slice %arg11[%dma_start3A_65, %dma_start3A_66, %dma_start3A_67] : memref<2x32x128xf32, #tpu.memory_space<vmem>> -> memref<1x32x128xf32, #tpu.memory_space<vmem>>
      %dma_start3A_69 = tpu.memref_squeeze %dma_start3A_68 : memref<1x32x128xf32, #tpu.memory_space<vmem>> -> memref<32x128xf32, #tpu.memory_space<vmem>>
      %dma_start3A_70 = arith.constant 0 : i32
      %dma_start3A_71 = tpu.memref_slice %arg9[%dma_start3A_63, %dma_start3A_64, %dma_start3A_70] : memref<2x2x32xi32, #tpu.memory_space<vmem>> -> memref<1x1x32xi32, #tpu.memory_space<vmem>>
      %dma_start3A_72 = tpu.memref_squeeze %dma_start3A_71 : memref<1x1x32xi32, #tpu.memory_space<vmem>> -> memref<32xi32, #tpu.memory_space<vmem>>
      %dma_start3A_73 = arith.constant 0 : i32
      %dma_start3A_74 = arith.constant 0 : i32
      %dma_start3A_75 = tpu.memref_slice %arg2[%dma_start3A_73, %dma_start3A_74] : memref<10000x128xf32, #tpu.memory_space<hbm>> -> memref<10000x128xf32, #tpu.memory_space<hbm>>
      tpu.enqueue_indirect_dma source(%dma_start3A_75 : memref<10000x128xf32, #tpu.memory_space<hbm>>) target(%dma_start3A_69 : memref<32x128xf32, #tpu.memory_space<vmem>>) offsets(%dma_start3A_72 : memref<32xi32, #tpu.memory_space<vmem>>) semaphore(%arg16 : memref<!tpu.dma_semaphore, #tpu.memory_space<semaphore_mem>>)
      %mul3A_76 = arith.constant 10240 : i32
      %mul3A_77 = arith.muli %arg1, %mul3A_76 : i32
      %add3A_78 = arith.constant 0 : i32
      %add3A_79 = arith.addi %mul3A_77, %add3A_78 : i32
      %multiple_of3A_80 = tpu.assume_multiple %add3A_79, 8 : i32
      %dma_start3A_81 = arith.constant 0 : i32
      %dma_start3A_82 = arith.constant 0 : i32
      %dma_start3A_83 = arith.constant 0 : i32
      %dma_start3A_84 = tpu.memref_slice %arg12[%dma_start3A_81, %dma_start3A_82, %dma_start3A_83] : memref<2x32x128xf32, #tpu.memory_space<vmem>> -> memref<1x32x128xf32, #tpu.memory_space<vmem>>
      %dma_start3A_85 = tpu.memref_squeeze %dma_start3A_84 : memref<1x32x128xf32, #tpu.memory_space<vmem>> -> memref<32x128xf32, #tpu.memory_space<vmem>>
      %dma_start3A_86 = arith.constant 0 : i32
      %dma_start3A_87 = tpu.memref_slice %arg4[%multiple_of3A_80, %dma_start3A_86] : memref<163840x128xf32, #tpu.memory_space<hbm>> -> memref<32x128xf32, #tpu.memory_space<hbm>>
      %dma_start3A_88 = arith.constant 0 : i32
      %dma_start3A_89 = arith.constant 0 : i32
      %dma_start3A_90 = tpu.memref_slice %arg12[%dma_start3A_81, %dma_start3A_88, %dma_start3A_89] : memref<2x32x128xf32, #tpu.memory_space<vmem>> -> memref<1x32x128xf32, #tpu.memory_space<vmem>>
      %dma_start3A_91 = tpu.memref_squeeze %dma_start3A_90 : memref<1x32x128xf32, #tpu.memory_space<vmem>> -> memref<32x128xf32, #tpu.memory_space<vmem>>
      %dma_start3A_92 = arith.constant 0 : i32
      %dma_start3A_93 = tpu.memref_slice %arg4[%multiple_of3A_80, %dma_start3A_92] : memref<163840x128xf32, #tpu.memory_space<hbm>> -> memref<32x128xf32, #tpu.memory_space<hbm>>
      tpu.enqueue_dma source(%dma_start3A_93 : memref<32x128xf32, #tpu.memory_space<hbm>>) target(%dma_start3A_91 : memref<32x128xf32, #tpu.memory_space<vmem>>) target_semaphore(%arg17 : memref<!tpu.dma_semaphore, #tpu.memory_space<semaphore_mem>>)
      %mul3A_94 = arith.constant 320 : i32
      %mul3A_95 = arith.muli %arg1, %mul3A_94 : i32
      %add3A_96 = arith.constant 1 : i32
      %add3A_97 = arith.addi %mul3A_95, %add3A_96 : i32
      %dma_start3A_98 = arith.constant 1 : i32
      %dma_start3A_99 = arith.constant 0 : i32
      %dma_start3A_100 = arith.constant 0 : i32
      %dma_start3A_101 = tpu.memref_slice %arg9[%dma_start3A_98, %dma_start3A_99, %dma_start3A_100] : memref<2x2x32xi32, #tpu.memory_space<vmem>> -> memref<1x2x32xi32, #tpu.memory_space<vmem>>
      %dma_start3A_102 = tpu.memref_squeeze %dma_start3A_101 : memref<1x2x32xi32, #tpu.memory_space<vmem>> -> memref<2x32xi32, #tpu.memory_space<vmem>>
      %dma_start3A_103 = arith.constant 0 : i32
      %dma_start3A_104 = arith.constant 0 : i32
      %dma_start3A_105 = tpu.memref_slice %arg6[%add3A_97, %dma_start3A_103, %dma_start3A_104] : memref<5120x2x32xi32, #tpu.memory_space<hbm>> -> memref<1x2x32xi32, #tpu.memory_space<hbm>>
      %dma_start3A_106 = tpu.memref_squeeze %dma_start3A_105 : memref<1x2x32xi32, #tpu.memory_space<hbm>> -> memref<2x32xi32, #tpu.memory_space<hbm>>
      %dma_start3A_107 = arith.constant 0 : i32
      %dma_start3A_108 = arith.constant 0 : i32
      %dma_start3A_109 = tpu.memref_slice %arg9[%dma_start3A_98, %dma_start3A_107, %dma_start3A_108] : memref<2x2x32xi32, #tpu.memory_space<vmem>> -> memref<1x2x32xi32, #tpu.memory_space<vmem>>
      %dma_start3A_110 = tpu.memref_squeeze %dma_start3A_109 : memref<1x2x32xi32, #tpu.memory_space<vmem>> -> memref<2x32xi32, #tpu.memory_space<vmem>>
      %dma_start3A_111 = arith.constant 0 : i32
      %dma_start3A_112 = arith.constant 0 : i32
      %dma_start3A_113 = tpu.memref_slice %arg6[%add3A_97, %dma_start3A_111, %dma_start3A_112] : memref<5120x2x32xi32, #tpu.memory_space<hbm>> -> memref<1x2x32xi32, #tpu.memory_space<hbm>>
      %dma_start3A_114 = tpu.memref_squeeze %dma_start3A_113 : memref<1x2x32xi32, #tpu.memory_space<hbm>> -> memref<2x32xi32, #tpu.memory_space<hbm>>
      tpu.enqueue_dma source(%dma_start3A_114 : memref<2x32xi32, #tpu.memory_space<hbm>>) target(%dma_start3A_110 : memref<2x32xi32, #tpu.memory_space<vmem>>) target_semaphore(%arg15 : memref<!tpu.dma_semaphore, #tpu.memory_space<semaphore_mem>>)
      %scan3A = arith.constant 0 : i32
      %scan3A_115 = arith.constant 0 : i32
      %scan3A_116 = arith.constant 160 : i32
      %scan3A_117 = arith.addi %scan3A_115, %scan3A_116 : i32
      %scan3A_118 = arith.constant 1 : i32
      scf.for %scan3A_144 = %scan3A_115 to %scan3A_117 step %scan3A_118  : i32 {
        %mul3A_145 = arith.constant 2 : i32
        %mul3A_146 = arith.muli %mul3A_145, %scan3A_144 : i32
        %add3A_147 = arith.constant 0 : i32
        %add3A_148 = arith.addi %mul3A_146, %add3A_147 : i32
        %dma_wait3A_149 = arith.constant 0 : i32
        %dma_wait3A_150 = arith.constant 0 : i32
        %dma_wait3A_151 = arith.constant 0 : i32
        %dma_wait3A_152 = arith.constant 0 : i32
        %dma_wait3A_153 = arith.constant 0 : i32
        %dma_wait3A_154 = tpu.memref_slice %arg11[%dma_wait3A_151, %dma_wait3A_152, %dma_wait3A_153] : memref<2x32x128xf32, #tpu.memory_space<vmem>> -> memref<1x32x128xf32, #tpu.memory_space<vmem>>
        %dma_wait3A_155 = tpu.memref_squeeze %dma_wait3A_154 : memref<1x32x128xf32, #tpu.memory_space<vmem>> -> memref<32x128xf32, #tpu.memory_space<vmem>>
        %dma_wait3A_156 = arith.constant 0 : i32
        %dma_wait3A_157 = tpu.memref_slice %arg9[%dma_wait3A_149, %dma_wait3A_150, %dma_wait3A_156] : memref<2x2x32xi32, #tpu.memory_space<vmem>> -> memref<1x1x32xi32, #tpu.memory_space<vmem>>
        %dma_wait3A_158 = tpu.memref_squeeze %dma_wait3A_157 : memref<1x1x32xi32, #tpu.memory_space<vmem>> -> memref<32xi32, #tpu.memory_space<vmem>>
        %dma_wait3A_159 = arith.constant 0 : i32
        %dma_wait3A_160 = arith.constant 0 : i32
        %dma_wait3A_161 = tpu.memref_slice %arg2[%dma_wait3A_159, %dma_wait3A_160] : memref<10000x128xf32, #tpu.memory_space<hbm>> -> memref<10000x128xf32, #tpu.memory_space<hbm>>
        tpu.wait_indirect_dma semaphore(%arg16 : memref<!tpu.dma_semaphore, #tpu.memory_space<semaphore_mem>>) src(%dma_wait3A_161 : memref<10000x128xf32, #tpu.memory_space<hbm>>) dst(%dma_wait3A_155 : memref<32x128xf32, #tpu.memory_space<vmem>>)
        %mul3A_162 = arith.constant 10240 : i32
        %mul3A_163 = arith.muli %arg1, %mul3A_162 : i32
        %mul3A_164 = arith.constant 32 : i32
        %mul3A_165 = arith.muli %add3A_148, %mul3A_164 : i32
        %add3A_166 = arith.addi %mul3A_163, %mul3A_165 : i32
        %multiple_of3A_167 = tpu.assume_multiple %add3A_166, 8 : i32
        %dma_wait3A_168 = arith.constant 0 : i32
        %dma_wait3A_169 = arith.constant 0 : i32
        %dma_wait3A_170 = arith.constant 0 : i32
        %dma_wait3A_171 = tpu.memref_slice %arg12[%dma_wait3A_168, %dma_wait3A_169, %dma_wait3A_170] : memref<2x32x128xf32, #tpu.memory_space<vmem>> -> memref<1x32x128xf32, #tpu.memory_space<vmem>>
        %dma_wait3A_172 = tpu.memref_squeeze %dma_wait3A_171 : memref<1x32x128xf32, #tpu.memory_space<vmem>> -> memref<32x128xf32, #tpu.memory_space<vmem>>
        %dma_wait3A_173 = arith.constant 0 : i32
        %dma_wait3A_174 = tpu.memref_slice %arg4[%multiple_of3A_167, %dma_wait3A_173] : memref<163840x128xf32, #tpu.memory_space<hbm>> -> memref<32x128xf32, #tpu.memory_space<hbm>>
        %dma_wait3A_175 = arith.constant 0 : i32
        %dma_wait3A_176 = arith.constant 0 : i32
        %dma_wait3A_177 = tpu.memref_slice %arg12[%dma_wait3A_168, %dma_wait3A_175, %dma_wait3A_176] : memref<2x32x128xf32, #tpu.memory_space<vmem>> -> memref<1x32x128xf32, #tpu.memory_space<vmem>>
        %dma_wait3A_178 = tpu.memref_squeeze %dma_wait3A_177 : memref<1x32x128xf32, #tpu.memory_space<vmem>> -> memref<32x128xf32, #tpu.memory_space<vmem>>
        %dma_wait3A_179 = arith.constant 0 : i32
        %dma_wait3A_180 = tpu.memref_slice %arg4[%multiple_of3A_167, %dma_wait3A_179] : memref<163840x128xf32, #tpu.memory_space<hbm>> -> memref<32x128xf32, #tpu.memory_space<hbm>>
        tpu.wait_dma2 semaphore(%arg17 : memref<!tpu.dma_semaphore, #tpu.memory_space<semaphore_mem>>) src(%dma_wait3A_180 : memref<32x128xf32, #tpu.memory_space<hbm>>) dst(%dma_wait3A_178 : memref<32x128xf32, #tpu.memory_space<vmem>>)
        %ge3A = arith.constant 2 : i32
        %ge3A_181 = arith.cmpi sge, %add3A_148, %ge3A : i32
        %convert_element_type3A_182 = arith.extui %ge3A_181 : i1 to i32
        %cond3A_183 = arith.constant 0 : i32
        %cond3A_184 = arith.cmpi ne, %convert_element_type3A_182, %cond3A_183 : i32
        scf.if %cond3A_184 {
          %sub3A = arith.constant 2 : i32
          %sub3A_340 = arith.subi %add3A_148, %sub3A : i32
          %dma_wait3A_341 = arith.constant 0 : i32
          %dma_wait3A_342 = arith.constant 0 : i32
          %dma_wait3A_343 = arith.constant 0 : i32
          %dma_wait3A_344 = arith.constant 0 : i32
          %dma_wait3A_345 = tpu.memref_slice %arg13[%dma_wait3A_341, %dma_wait3A_343, %dma_wait3A_344] : memref<2x32x128xf32, #tpu.memory_space<vmem>> -> memref<1x32x128xf32, #tpu.memory_space<vmem>>
          %dma_wait3A_346 = tpu.memref_squeeze %dma_wait3A_345 : memref<1x32x128xf32, #tpu.memory_space<vmem>> -> memref<32x128xf32, #tpu.memory_space<vmem>>
          %dma_wait3A_347 = arith.constant 0 : i32
          %dma_wait3A_348 = tpu.memref_slice %arg10[%dma_wait3A_342, %dma_wait3A_347] : memref<2x32xi32, #tpu.memory_space<vmem>> -> memref<1x32xi32, #tpu.memory_space<vmem>>
          %dma_wait3A_349 = tpu.memref_squeeze %dma_wait3A_348 : memref<1x32xi32, #tpu.memory_space<vmem>> -> memref<32xi32, #tpu.memory_space<vmem>>
          %dma_wait3A_350 = arith.constant 0 : i32
          %dma_wait3A_351 = arith.constant 0 : i32
          %dma_wait3A_352 = tpu.memref_slice %arg14[%dma_wait3A_350, %dma_wait3A_351] : memref<10240x128xf32, #tpu.memory_space<vmem_shared>> -> memref<10240x128xf32, #tpu.memory_space<vmem_shared>>
          tpu.wait_indirect_dma semaphore(%arg18 : memref<!tpu.dma_semaphore, #tpu.memory_space<semaphore_mem>>) src(%dma_wait3A_346 : memref<32x128xf32, #tpu.memory_space<vmem>>) dst(%dma_wait3A_352 : memref<10240x128xf32, #tpu.memory_space<vmem_shared>>)
        } else {
        }
        %add3A_185 = arith.constant 1 : i32
        %add3A_186 = arith.addi %add3A_148, %add3A_185 : i32
        %lt3A_187 = arith.constant 320 : i32
        %lt3A_188 = arith.cmpi slt, %add3A_186, %lt3A_187 : i32
        %convert_element_type3A_189 = arith.extui %lt3A_188 : i1 to i32
        %cond3A_190 = arith.constant 0 : i32
        %cond3A_191 = arith.cmpi ne, %convert_element_type3A_189, %cond3A_190 : i32
        scf.if %cond3A_191 {
          %add3A_340 = arith.constant 1 : i32
          %add3A_341 = arith.addi %add3A_148, %add3A_340 : i32
          %mul3A_342 = arith.constant 320 : i32
          %mul3A_343 = arith.muli %arg1, %mul3A_342 : i32
          %add3A_344 = arith.addi %mul3A_343, %add3A_341 : i32
          %dma_wait3A_345 = arith.constant 1 : i32
          %dma_wait3A_346 = arith.constant 0 : i32
          %dma_wait3A_347 = arith.constant 0 : i32
          %dma_wait3A_348 = tpu.memref_slice %arg9[%dma_wait3A_345, %dma_wait3A_346, %dma_wait3A_347] : memref<2x2x32xi32, #tpu.memory_space<vmem>> -> memref<1x2x32xi32, #tpu.memory_space<vmem>>
          %dma_wait3A_349 = tpu.memref_squeeze %dma_wait3A_348 : memref<1x2x32xi32, #tpu.memory_space<vmem>> -> memref<2x32xi32, #tpu.memory_space<vmem>>
          %dma_wait3A_350 = arith.constant 0 : i32
          %dma_wait3A_351 = arith.constant 0 : i32
          %dma_wait3A_352 = tpu.memref_slice %arg6[%add3A_344, %dma_wait3A_350, %dma_wait3A_351] : memref<5120x2x32xi32, #tpu.memory_space<hbm>> -> memref<1x2x32xi32, #tpu.memory_space<hbm>>
          %dma_wait3A_353 = tpu.memref_squeeze %dma_wait3A_352 : memref<1x2x32xi32, #tpu.memory_space<hbm>> -> memref<2x32xi32, #tpu.memory_space<hbm>>
          %dma_wait3A_354 = arith.constant 0 : i32
          %dma_wait3A_355 = arith.constant 0 : i32
          %dma_wait3A_356 = tpu.memref_slice %arg9[%dma_wait3A_345, %dma_wait3A_354, %dma_wait3A_355] : memref<2x2x32xi32, #tpu.memory_space<vmem>> -> memref<1x2x32xi32, #tpu.memory_space<vmem>>
          %dma_wait3A_357 = tpu.memref_squeeze %dma_wait3A_356 : memref<1x2x32xi32, #tpu.memory_space<vmem>> -> memref<2x32xi32, #tpu.memory_space<vmem>>
          %dma_wait3A_358 = arith.constant 0 : i32
          %dma_wait3A_359 = arith.constant 0 : i32
          %dma_wait3A_360 = tpu.memref_slice %arg6[%add3A_344, %dma_wait3A_358, %dma_wait3A_359] : memref<5120x2x32xi32, #tpu.memory_space<hbm>> -> memref<1x2x32xi32, #tpu.memory_space<hbm>>
          %dma_wait3A_361 = tpu.memref_squeeze %dma_wait3A_360 : memref<1x2x32xi32, #tpu.memory_space<hbm>> -> memref<2x32xi32, #tpu.memory_space<hbm>>
          tpu.wait_dma2 semaphore(%arg15 : memref<!tpu.dma_semaphore, #tpu.memory_space<semaphore_mem>>) src(%dma_wait3A_361 : memref<2x32xi32, #tpu.memory_space<hbm>>) dst(%dma_wait3A_357 : memref<2x32xi32, #tpu.memory_space<vmem>>)
          %add3A_362 = arith.constant 1 : i32
          %add3A_363 = arith.addi %add3A_148, %add3A_362 : i32
          %dma_start3A_364 = arith.constant 1 : i32
          %dma_start3A_365 = arith.constant 0 : i32
          %dma_start3A_366 = arith.constant 1 : i32
          %dma_start3A_367 = arith.constant 0 : i32
          %dma_start3A_368 = arith.constant 0 : i32
          %dma_start3A_369 = tpu.memref_slice %arg11[%dma_start3A_366, %dma_start3A_367, %dma_start3A_368] : memref<2x32x128xf32, #tpu.memory_space<vmem>> -> memref<1x32x128xf32, #tpu.memory_space<vmem>>
          %dma_start3A_370 = tpu.memref_squeeze %dma_start3A_369 : memref<1x32x128xf32, #tpu.memory_space<vmem>> -> memref<32x128xf32, #tpu.memory_space<vmem>>
          %dma_start3A_371 = arith.constant 0 : i32
          %dma_start3A_372 = tpu.memref_slice %arg9[%dma_start3A_364, %dma_start3A_365, %dma_start3A_371] : memref<2x2x32xi32, #tpu.memory_space<vmem>> -> memref<1x1x32xi32, #tpu.memory_space<vmem>>
          %dma_start3A_373 = tpu.memref_squeeze %dma_start3A_372 : memref<1x1x32xi32, #tpu.memory_space<vmem>> -> memref<32xi32, #tpu.memory_space<vmem>>
          %dma_start3A_374 = arith.constant 0 : i32
          %dma_start3A_375 = arith.constant 0 : i32
          %dma_start3A_376 = tpu.memref_slice %arg2[%dma_start3A_374, %dma_start3A_375] : memref<10000x128xf32, #tpu.memory_space<hbm>> -> memref<10000x128xf32, #tpu.memory_space<hbm>>
          tpu.enqueue_indirect_dma source(%dma_start3A_376 : memref<10000x128xf32, #tpu.memory_space<hbm>>) target(%dma_start3A_370 : memref<32x128xf32, #tpu.memory_space<vmem>>) offsets(%dma_start3A_373 : memref<32xi32, #tpu.memory_space<vmem>>) semaphore(%arg16 : memref<!tpu.dma_semaphore, #tpu.memory_space<semaphore_mem>>)
          %add3A_377 = arith.constant 1 : i32
          %add3A_378 = arith.addi %add3A_148, %add3A_377 : i32
          %mul3A_379 = arith.constant 10240 : i32
          %mul3A_380 = arith.muli %arg1, %mul3A_379 : i32
          %mul3A_381 = arith.constant 32 : i32
          %mul3A_382 = arith.muli %add3A_378, %mul3A_381 : i32
          %add3A_383 = arith.addi %mul3A_380, %mul3A_382 : i32
          %multiple_of3A_384 = tpu.assume_multiple %add3A_383, 8 : i32
          %dma_start3A_385 = arith.constant 1 : i32
          %dma_start3A_386 = arith.constant 0 : i32
          %dma_start3A_387 = arith.constant 0 : i32
          %dma_start3A_388 = tpu.memref_slice %arg12[%dma_start3A_385, %dma_start3A_386, %dma_start3A_387] : memref<2x32x128xf32, #tpu.memory_space<vmem>> -> memref<1x32x128xf32, #tpu.memory_space<vmem>>
          %dma_start3A_389 = tpu.memref_squeeze %dma_start3A_388 : memref<1x32x128xf32, #tpu.memory_space<vmem>> -> memref<32x128xf32, #tpu.memory_space<vmem>>
          %dma_start3A_390 = arith.constant 0 : i32
          %dma_start3A_391 = tpu.memref_slice %arg4[%multiple_of3A_384, %dma_start3A_390] : memref<163840x128xf32, #tpu.memory_space<hbm>> -> memref<32x128xf32, #tpu.memory_space<hbm>>
          %dma_start3A_392 = arith.constant 0 : i32
          %dma_start3A_393 = arith.constant 0 : i32
          %dma_start3A_394 = tpu.memref_slice %arg12[%dma_start3A_385, %dma_start3A_392, %dma_start3A_393] : memref<2x32x128xf32, #tpu.memory_space<vmem>> -> memref<1x32x128xf32, #tpu.memory_space<vmem>>
          %dma_start3A_395 = tpu.memref_squeeze %dma_start3A_394 : memref<1x32x128xf32, #tpu.memory_space<vmem>> -> memref<32x128xf32, #tpu.memory_space<vmem>>
          %dma_start3A_396 = arith.constant 0 : i32
          %dma_start3A_397 = tpu.memref_slice %arg4[%multiple_of3A_384, %dma_start3A_396] : memref<163840x128xf32, #tpu.memory_space<hbm>> -> memref<32x128xf32, #tpu.memory_space<hbm>>
          tpu.enqueue_dma source(%dma_start3A_397 : memref<32x128xf32, #tpu.memory_space<hbm>>) target(%dma_start3A_395 : memref<32x128xf32, #tpu.memory_space<vmem>>) target_semaphore(%arg17 : memref<!tpu.dma_semaphore, #tpu.memory_space<semaphore_mem>>)
        } else {
        }
        %get3A = arith.constant 0 : i32
        %get3A_192 = arith.constant 1 : i32
        %get3A_193 = arith.index_cast %get3A : i32 to index
        %get3A_194 = arith.index_cast %get3A_192 : i32 to index
        %get3A_195 = arith.constant 0 : index
        %get3A_196 = tpu.vector_load %arg9[%get3A_193, %get3A_194, %get3A_195] {strides = array<i32>} : memref<2x2x32xi32, #tpu.memory_space<vmem>>, vector<1x1x16xi32>,
        %get3A_197 = vector.shape_cast %get3A_196 : vector<1x1x16xi32> to vector<16xi32>
        %swap3A = arith.constant 0 : i32
        %swap3A_198 = arith.index_cast %swap3A : i32 to index
        %swap3A_199 = arith.constant 0 : index
        %swap3A_200 = tpu.vector_load %arg10[%swap3A_198, %swap3A_199] {strides = array<i32>} : memref<2x32xi32, #tpu.memory_space<vmem>>, vector<1x16xi32>,
        %swap3A_201 = vector.shape_cast %swap3A_200 : vector<1x16xi32> to vector<16xi32>
        %swap3A_202 = vector.shape_cast %get3A_197 : vector<16xi32> to vector<1x16xi32>
        tpu.vector_store %arg10[%swap3A_198, %swap3A_199], %swap3A_202 {strides = array<i32>} : memref<2x32xi32, #tpu.memory_space<vmem>>, vector<1x16xi32>,
        %get3A_203 = arith.constant 0 : i32
        %get3A_204 = arith.constant 1 : i32
        %get3A_205 = arith.index_cast %get3A_203 : i32 to index
        %get3A_206 = arith.index_cast %get3A_204 : i32 to index
        %get3A_207 = arith.constant 16 : index
        %get3A_208 = tpu.vector_load %arg9[%get3A_205, %get3A_206, %get3A_207] {strides = array<i32>} : memref<2x2x32xi32, #tpu.memory_space<vmem>>, vector<1x1x16xi32>,
        %get3A_209 = vector.shape_cast %get3A_208 : vector<1x1x16xi32> to vector<16xi32>
        %swap3A_210 = arith.constant 0 : i32
        %swap3A_211 = arith.index_cast %swap3A_210 : i32 to index
        %swap3A_212 = arith.constant 16 : index
        %swap3A_213 = tpu.vector_load %arg10[%swap3A_211, %swap3A_212] {strides = array<i32>} : memref<2x32xi32, #tpu.memory_space<vmem>>, vector<1x16xi32>,
        %swap3A_214 = vector.shape_cast %swap3A_213 : vector<1x16xi32> to vector<16xi32>
        %swap3A_215 = vector.shape_cast %get3A_209 : vector<16xi32> to vector<1x16xi32>
        tpu.vector_store %arg10[%swap3A_211, %swap3A_212], %swap3A_215 {strides = array<i32>} : memref<2x32xi32, #tpu.memory_space<vmem>>, vector<1x16xi32>,
        %add3A_216 = arith.constant 2 : i32
        %add3A_217 = arith.addi %add3A_148, %add3A_216 : i32
        %lt3A_218 = arith.constant 320 : i32
        %lt3A_219 = arith.cmpi slt, %add3A_217, %lt3A_218 : i32
        %convert_element_type3A_220 = arith.extui %lt3A_219 : i1 to i32
        %cond3A_221 = arith.constant 0 : i32
        %cond3A_222 = arith.cmpi ne, %convert_element_type3A_220, %cond3A_221 : i32
        scf.if %cond3A_222 {
          %add3A_340 = arith.constant 2 : i32
          %add3A_341 = arith.addi %add3A_148, %add3A_340 : i32
          %mul3A_342 = arith.constant 320 : i32
          %mul3A_343 = arith.muli %arg1, %mul3A_342 : i32
          %add3A_344 = arith.addi %mul3A_343, %add3A_341 : i32
          %dma_start3A_345 = arith.constant 0 : i32
          %dma_start3A_346 = arith.constant 0 : i32
          %dma_start3A_347 = arith.constant 0 : i32
          %dma_start3A_348 = tpu.memref_slice %arg9[%dma_start3A_345, %dma_start3A_346, %dma_start3A_347] : memref<2x2x32xi32, #tpu.memory_space<vmem>> -> memref<1x2x32xi32, #tpu.memory_space<vmem>>
          %dma_start3A_349 = tpu.memref_squeeze %dma_start3A_348 : memref<1x2x32xi32, #tpu.memory_space<vmem>> -> memref<2x32xi32, #tpu.memory_space<vmem>>
          %dma_start3A_350 = arith.constant 0 : i32
          %dma_start3A_351 = arith.constant 0 : i32
          %dma_start3A_352 = tpu.memref_slice %arg6[%add3A_344, %dma_start3A_350, %dma_start3A_351] : memref<5120x2x32xi32, #tpu.memory_space<hbm>> -> memref<1x2x32xi32, #tpu.memory_space<hbm>>
          %dma_start3A_353 = tpu.memref_squeeze %dma_start3A_352 : memref<1x2x32xi32, #tpu.memory_space<hbm>> -> memref<2x32xi32, #tpu.memory_space<hbm>>
          %dma_start3A_354 = arith.constant 0 : i32
          %dma_start3A_355 = arith.constant 0 : i32
          %dma_start3A_356 = tpu.memref_slice %arg9[%dma_start3A_345, %dma_start3A_354, %dma_start3A_355] : memref<2x2x32xi32, #tpu.memory_space<vmem>> -> memref<1x2x32xi32, #tpu.memory_space<vmem>>
          %dma_start3A_357 = tpu.memref_squeeze %dma_start3A_356 : memref<1x2x32xi32, #tpu.memory_space<vmem>> -> memref<2x32xi32, #tpu.memory_space<vmem>>
          %dma_start3A_358 = arith.constant 0 : i32
          %dma_start3A_359 = arith.constant 0 : i32
          %dma_start3A_360 = tpu.memref_slice %arg6[%add3A_344, %dma_start3A_358, %dma_start3A_359] : memref<5120x2x32xi32, #tpu.memory_space<hbm>> -> memref<1x2x32xi32, #tpu.memory_space<hbm>>
          %dma_start3A_361 = tpu.memref_squeeze %dma_start3A_360 : memref<1x2x32xi32, #tpu.memory_space<hbm>> -> memref<2x32xi32, #tpu.memory_space<hbm>>
          tpu.enqueue_dma source(%dma_start3A_361 : memref<2x32xi32, #tpu.memory_space<hbm>>) target(%dma_start3A_357 : memref<2x32xi32, #tpu.memory_space<vmem>>) target_semaphore(%arg15 : memref<!tpu.dma_semaphore, #tpu.memory_space<semaphore_mem>>)
        } else {
        }
        %scan3A_223 = arith.constant 0 : i32
        %scan3A_224 = arith.constant 0 : i32
        %scan3A_225 = arith.constant 32 : i32
        %scan3A_226 = arith.addi %scan3A_224, %scan3A_225 : i32
        %scan3A_227 = arith.constant 1 : i32
        scf.for %scan3A_340 = %scan3A_224 to %scan3A_226 step %scan3A_227  : i32 {
          %get3A_341 = arith.constant 0 : i32
          %get3A_342 = arith.index_cast %get3A_341 : i32 to index
          %get3A_343 = arith.index_cast %scan3A_340 : i32 to index
          %get3A_344 = arith.constant 0 : index
          %get3A_345 = tpu.vector_load %arg11[%get3A_342, %get3A_343, %get3A_344] {strides = array<i32>} : memref<2x32x128xf32, #tpu.memory_space<vmem>>, vector<1x1x16xf32>,
          %get3A_346 = vector.shape_cast %get3A_345 : vector<1x1x16xf32> to vector<16xf32>
          %get3A_347 = arith.constant 0 : i32
          %get3A_348 = arith.index_cast %get3A_347 : i32 to index
          %get3A_349 = arith.index_cast %scan3A_340 : i32 to index
          %get3A_350 = arith.constant 0 : index
          %get3A_351 = tpu.vector_load %arg12[%get3A_348, %get3A_349, %get3A_350] {strides = array<i32>} : memref<2x32x128xf32, #tpu.memory_space<vmem>>, vector<1x1x16xf32>,
          %get3A_352 = vector.shape_cast %get3A_351 : vector<1x1x16xf32> to vector<16xf32>
          %add3A_353 = arith.addf %get3A_346, %get3A_352 : vector<16xf32>
          %max3A = arith.constant 0.000000e+00 : f32
          %max3A_354 = vector.broadcast %max3A : f32 to vector<16xf32>
          %max3A_355 = arith.maximumf %add3A_353, %max3A_354 : vector<16xf32>
          %swap3A_356 = arith.constant 0 : i32
          %swap3A_357 = arith.index_cast %swap3A_356 : i32 to index
          %swap3A_358 = arith.index_cast %scan3A_340 : i32 to index
          %swap3A_359 = arith.constant 0 : index
          %swap3A_360 = tpu.vector_load %arg13[%swap3A_357, %swap3A_358, %swap3A_359] {strides = array<i32>} : memref<2x32x128xf32, #tpu.memory_space<vmem>>, vector<1x1x16xf32>,
          %swap3A_361 = vector.shape_cast %swap3A_360 : vector<1x1x16xf32> to vector<16xf32>
          %swap3A_362 = vector.shape_cast %max3A_355 : vector<16xf32> to vector<1x1x16xf32>
          tpu.vector_store %arg13[%swap3A_357, %swap3A_358, %swap3A_359], %swap3A_362 {strides = array<i32>} : memref<2x32x128xf32, #tpu.memory_space<vmem>>, vector<1x1x16xf32>,
          %get3A_363 = arith.constant 0 : i32
          %get3A_364 = arith.index_cast %get3A_363 : i32 to index
          %get3A_365 = arith.index_cast %scan3A_340 : i32 to index
          %get3A_366 = arith.constant 16 : index
          %get3A_367 = tpu.vector_load %arg11[%get3A_364, %get3A_365, %get3A_366] {strides = array<i32>} : memref<2x32x128xf32, #tpu.memory_space<vmem>>, vector<1x1x16xf32>,
          %get3A_368 = vector.shape_cast %get3A_367 : vector<1x1x16xf32> to vector<16xf32>
          %get3A_369 = arith.constant 0 : i32
          %get3A_370 = arith.index_cast %get3A_369 : i32 to index
          %get3A_371 = arith.index_cast %scan3A_340 : i32 to index
          %get3A_372 = arith.constant 16 : index
          %get3A_373 = tpu.vector_load %arg12[%get3A_370, %get3A_371, %get3A_372] {strides = array<i32>} : memref<2x32x128xf32, #tpu.memory_space<vmem>>, vector<1x1x16xf32>,
          %get3A_374 = vector.shape_cast %get3A_373 : vector<1x1x16xf32> to vector<16xf32>
          %add3A_375 = arith.addf %get3A_368, %get3A_374 : vector<16xf32>
          %max3A_376 = arith.constant 0.000000e+00 : f32
          %max3A_377 = vector.broadcast %max3A_376 : f32 to vector<16xf32>
          %max3A_378 = arith.maximumf %add3A_375, %max3A_377 : vector<16xf32>
          %swap3A_379 = arith.constant 0 : i32
          %swap3A_380 = arith.index_cast %swap3A_379 : i32 to index
          %swap3A_381 = arith.index_cast %scan3A_340 : i32 to index
          %swap3A_382 = arith.constant 16 : index
          %swap3A_383 = tpu.vector_load %arg13[%swap3A_380, %swap3A_381, %swap3A_382] {strides = array<i32>} : memref<2x32x128xf32, #tpu.memory_space<vmem>>, vector<1x1x16xf32>,
          %swap3A_384 = vector.shape_cast %swap3A_383 : vector<1x1x16xf32> to vector<16xf32>
          %swap3A_385 = vector.shape_cast %max3A_378 : vector<16xf32> to vector<1x1x16xf32>
          tpu.vector_store %arg13[%swap3A_380, %swap3A_381, %swap3A_382], %swap3A_385 {strides = array<i32>} : memref<2x32x128xf32, #tpu.memory_space<vmem>>, vector<1x1x16xf32>,
          %get3A_386 = arith.constant 0 : i32
          %get3A_387 = arith.index_cast %get3A_386 : i32 to index
          %get3A_388 = arith.index_cast %scan3A_340 : i32 to index
          %get3A_389 = arith.constant 32 : index
          %get3A_390 = tpu.vector_load %arg11[%get3A_387, %get3A_388, %get3A_389] {strides = array<i32>} : memref<2x32x128xf32, #tpu.memory_space<vmem>>, vector<1x1x16xf32>,
          %get3A_391 = vector.shape_cast %get3A_390 : vector<1x1x16xf32> to vector<16xf32>
          %get3A_392 = arith.constant 0 : i32
          %get3A_393 = arith.index_cast %get3A_392 : i32 to index
          %get3A_394 = arith.index_cast %scan3A_340 : i32 to index
          %get3A_395 = arith.constant 32 : index
          %get3A_396 = tpu.vector_load %arg12[%get3A_393, %get3A_394, %get3A_395] {strides = array<i32>} : memref<2x32x128xf32, #tpu.memory_space<vmem>>, vector<1x1x16xf32>,
          %get3A_397 = vector.shape_cast %get3A_396 : vector<1x1x16xf32> to vector<16xf32>
          %add3A_398 = arith.addf %get3A_391, %get3A_397 : vector<16xf32>
          %max3A_399 = arith.constant 0.000000e+00 : f32
          %max3A_400 = vector.broadcast %max3A_399 : f32 to vector<16xf32>
          %max3A_401 = arith.maximumf %add3A_398, %max3A_400 : vector<16xf32>
          %swap3A_402 = arith.constant 0 : i32
          %swap3A_403 = arith.index_cast %swap3A_402 : i32 to index
          %swap3A_404 = arith.index_cast %scan3A_340 : i32 to index
          %swap3A_405 = arith.constant 32 : index
          %swap3A_406 = tpu.vector_load %arg13[%swap3A_403, %swap3A_404, %swap3A_405] {strides = array<i32>} : memref<2x32x128xf32, #tpu.memory_space<vmem>>, vector<1x1x16xf32>,
          %swap3A_407 = vector.shape_cast %swap3A_406 : vector<1x1x16xf32> to vector<16xf32>
          %swap3A_408 = vector.shape_cast %max3A_401 : vector<16xf32> to vector<1x1x16xf32>
          tpu.vector_store %arg13[%swap3A_403, %swap3A_404, %swap3A_405], %swap3A_408 {strides = array<i32>} : memref<2x32x128xf32, #tpu.memory_space<vmem>>, vector<1x1x16xf32>,
          %get3A_409 = arith.constant 0 : i32
          %get3A_410 = arith.index_cast %get3A_409 : i32 to index
          %get3A_411 = arith.index_cast %scan3A_340 : i32 to index
          %get3A_412 = arith.constant 48 : index
          %get3A_413 = tpu.vector_load %arg11[%get3A_410, %get3A_411, %get3A_412] {strides = array<i32>} : memref<2x32x128xf32, #tpu.memory_space<vmem>>, vector<1x1x16xf32>,
          %get3A_414 = vector.shape_cast %get3A_413 : vector<1x1x16xf32> to vector<16xf32>
          %get3A_415 = arith.constant 0 : i32
          %get3A_416 = arith.index_cast %get3A_415 : i32 to index
          %get3A_417 = arith.index_cast %scan3A_340 : i32 to index
          %get3A_418 = arith.constant 48 : index
          %get3A_419 = tpu.vector_load %arg12[%get3A_416, %get3A_417, %get3A_418] {strides = array<i32>} : memref<2x32x128xf32, #tpu.memory_space<vmem>>, vector<1x1x16xf32>,
          %get3A_420 = vector.shape_cast %get3A_419 : vector<1x1x16xf32> to vector<16xf32>
          %add3A_421 = arith.addf %get3A_414, %get3A_420 : vector<16xf32>
          %max3A_422 = arith.constant 0.000000e+00 : f32
          %max3A_423 = vector.broadcast %max3A_422 : f32 to vector<16xf32>
          %max3A_424 = arith.maximumf %add3A_421, %max3A_423 : vector<16xf32>
          %swap3A_425 = arith.constant 0 : i32
          %swap3A_426 = arith.index_cast %swap3A_425 : i32 to index
          %swap3A_427 = arith.index_cast %scan3A_340 : i32 to index
          %swap3A_428 = arith.constant 48 : index
          %swap3A_429 = tpu.vector_load %arg13[%swap3A_426, %swap3A_427, %swap3A_428] {strides = array<i32>} : memref<2x32x128xf32, #tpu.memory_space<vmem>>, vector<1x1x16xf32>,
          %swap3A_430 = vector.shape_cast %swap3A_429 : vector<1x1x16xf32> to vector<16xf32>
          %swap3A_431 = vector.shape_cast %max3A_424 : vector<16xf32> to vector<1x1x16xf32>
          tpu.vector_store %arg13[%swap3A_426, %swap3A_427, %swap3A_428], %swap3A_431 {strides = array<i32>} : memref<2x32x128xf32, #tpu.memory_space<vmem>>, vector<1x1x16xf32>,
          %get3A_432 = arith.constant 0 : i32
          %get3A_433 = arith.index_cast %get3A_432 : i32 to index
          %get3A_434 = arith.index_cast %scan3A_340 : i32 to index
          %get3A_435 = arith.constant 64 : index
          %get3A_436 = tpu.vector_load %arg11[%get3A_433, %get3A_434, %get3A_435] {strides = array<i32>} : memref<2x32x128xf32, #tpu.memory_space<vmem>>, vector<1x1x16xf32>,
          %get3A_437 = vector.shape_cast %get3A_436 : vector<1x1x16xf32> to vector<16xf32>
          %get3A_438 = arith.constant 0 : i32
          %get3A_439 = arith.index_cast %get3A_438 : i32 to index
          %get3A_440 = arith.index_cast %scan3A_340 : i32 to index
          %get3A_441 = arith.constant 64 : index
          %get3A_442 = tpu.vector_load %arg12[%get3A_439, %get3A_440, %get3A_441] {strides = array<i32>} : memref<2x32x128xf32, #tpu.memory_space<vmem>>, vector<1x1x16xf32>,
          %get3A_443 = vector.shape_cast %get3A_442 : vector<1x1x16xf32> to vector<16xf32>
          %add3A_444 = arith.addf %get3A_437, %get3A_443 : vector<16xf32>
          %max3A_445 = arith.constant 0.000000e+00 : f32
          %max3A_446 = vector.broadcast %max3A_445 : f32 to vector<16xf32>
          %max3A_447 = arith.maximumf %add3A_444, %max3A_446 : vector<16xf32>
          %swap3A_448 = arith.constant 0 : i32
          %swap3A_449 = arith.index_cast %swap3A_448 : i32 to index
          %swap3A_450 = arith.index_cast %scan3A_340 : i32 to index
          %swap3A_451 = arith.constant 64 : index
          %swap3A_452 = tpu.vector_load %arg13[%swap3A_449, %swap3A_450, %swap3A_451] {strides = array<i32>} : memref<2x32x128xf32, #tpu.memory_space<vmem>>, vector<1x1x16xf32>,
          %swap3A_453 = vector.shape_cast %swap3A_452 : vector<1x1x16xf32> to vector<16xf32>
          %swap3A_454 = vector.shape_cast %max3A_447 : vector<16xf32> to vector<1x1x16xf32>
          tpu.vector_store %arg13[%swap3A_449, %swap3A_450, %swap3A_451], %swap3A_454 {strides = array<i32>} : memref<2x32x128xf32, #tpu.memory_space<vmem>>, vector<1x1x16xf32>,
          %get3A_455 = arith.constant 0 : i32
          %get3A_456 = arith.index_cast %get3A_455 : i32 to index
          %get3A_457 = arith.index_cast %scan3A_340 : i32 to index
          %get3A_458 = arith.constant 80 : index
          %get3A_459 = tpu.vector_load %arg11[%get3A_456, %get3A_457, %get3A_458] {strides = array<i32>} : memref<2x32x128xf32, #tpu.memory_space<vmem>>, vector<1x1x16xf32>,
          %get3A_460 = vector.shape_cast %get3A_459 : vector<1x1x16xf32> to vector<16xf32>
          %get3A_461 = arith.constant 0 : i32
          %get3A_462 = arith.index_cast %get3A_461 : i32 to index
          %get3A_463 = arith.index_cast %scan3A_340 : i32 to index
          %get3A_464 = arith.constant 80 : index
          %get3A_465 = tpu.vector_load %arg12[%get3A_462, %get3A_463, %get3A_464] {strides = array<i32>} : memref<2x32x128xf32, #tpu.memory_space<vmem>>, vector<1x1x16xf32>,
          %get3A_466 = vector.shape_cast %get3A_465 : vector<1x1x16xf32> to vector<16xf32>
          %add3A_467 = arith.addf %get3A_460, %get3A_466 : vector<16xf32>
          %max3A_468 = arith.constant 0.000000e+00 : f32
          %max3A_469 = vector.broadcast %max3A_468 : f32 to vector<16xf32>
          %max3A_470 = arith.maximumf %add3A_467, %max3A_469 : vector<16xf32>
          %swap3A_471 = arith.constant 0 : i32
          %swap3A_472 = arith.index_cast %swap3A_471 : i32 to index
          %swap3A_473 = arith.index_cast %scan3A_340 : i32 to index
          %swap3A_474 = arith.constant 80 : index
          %swap3A_475 = tpu.vector_load %arg13[%swap3A_472, %swap3A_473, %swap3A_474] {strides = array<i32>} : memref<2x32x128xf32, #tpu.memory_space<vmem>>, vector<1x1x16xf32>,
          %swap3A_476 = vector.shape_cast %swap3A_475 : vector<1x1x16xf32> to vector<16xf32>
          %swap3A_477 = vector.shape_cast %max3A_470 : vector<16xf32> to vector<1x1x16xf32>
          tpu.vector_store %arg13[%swap3A_472, %swap3A_473, %swap3A_474], %swap3A_477 {strides = array<i32>} : memref<2x32x128xf32, #tpu.memory_space<vmem>>, vector<1x1x16xf32>,
          %get3A_478 = arith.constant 0 : i32
          %get3A_479 = arith.index_cast %get3A_478 : i32 to index
          %get3A_480 = arith.index_cast %scan3A_340 : i32 to index
          %get3A_481 = arith.constant 96 : index
          %get3A_482 = tpu.vector_load %arg11[%get3A_479, %get3A_480, %get3A_481] {strides = array<i32>} : memref<2x32x128xf32, #tpu.memory_space<vmem>>, vector<1x1x16xf32>,
          %get3A_483 = vector.shape_cast %get3A_482 : vector<1x1x16xf32> to vector<16xf32>
          %get3A_484 = arith.constant 0 : i32
          %get3A_485 = arith.index_cast %get3A_484 : i32 to index
          %get3A_486 = arith.index_cast %scan3A_340 : i32 to index
          %get3A_487 = arith.constant 96 : index
          %get3A_488 = tpu.vector_load %arg12[%get3A_485, %get3A_486, %get3A_487] {strides = array<i32>} : memref<2x32x128xf32, #tpu.memory_space<vmem>>, vector<1x1x16xf32>,
          %get3A_489 = vector.shape_cast %get3A_488 : vector<1x1x16xf32> to vector<16xf32>
          %add3A_490 = arith.addf %get3A_483, %get3A_489 : vector<16xf32>
          %max3A_491 = arith.constant 0.000000e+00 : f32
          %max3A_492 = vector.broadcast %max3A_491 : f32 to vector<16xf32>
          %max3A_493 = arith.maximumf %add3A_490, %max3A_492 : vector<16xf32>
          %swap3A_494 = arith.constant 0 : i32
          %swap3A_495 = arith.index_cast %swap3A_494 : i32 to index
          %swap3A_496 = arith.index_cast %scan3A_340 : i32 to index
          %swap3A_497 = arith.constant 96 : index
          %swap3A_498 = tpu.vector_load %arg13[%swap3A_495, %swap3A_496, %swap3A_497] {strides = array<i32>} : memref<2x32x128xf32, #tpu.memory_space<vmem>>, vector<1x1x16xf32>,
          %swap3A_499 = vector.shape_cast %swap3A_498 : vector<1x1x16xf32> to vector<16xf32>
          %swap3A_500 = vector.shape_cast %max3A_493 : vector<16xf32> to vector<1x1x16xf32>
          tpu.vector_store %arg13[%swap3A_495, %swap3A_496, %swap3A_497], %swap3A_500 {strides = array<i32>} : memref<2x32x128xf32, #tpu.memory_space<vmem>>, vector<1x1x16xf32>,
          %get3A_501 = arith.constant 0 : i32
          %get3A_502 = arith.index_cast %get3A_501 : i32 to index
          %get3A_503 = arith.index_cast %scan3A_340 : i32 to index
          %get3A_504 = arith.constant 112 : index
          %get3A_505 = tpu.vector_load %arg11[%get3A_502, %get3A_503, %get3A_504] {strides = array<i32>} : memref<2x32x128xf32, #tpu.memory_space<vmem>>, vector<1x1x16xf32>,
          %get3A_506 = vector.shape_cast %get3A_505 : vector<1x1x16xf32> to vector<16xf32>
          %get3A_507 = arith.constant 0 : i32
          %get3A_508 = arith.index_cast %get3A_507 : i32 to index
          %get3A_509 = arith.index_cast %scan3A_340 : i32 to index
          %get3A_510 = arith.constant 112 : index
          %get3A_511 = tpu.vector_load %arg12[%get3A_508, %get3A_509, %get3A_510] {strides = array<i32>} : memref<2x32x128xf32, #tpu.memory_space<vmem>>, vector<1x1x16xf32>,
          %get3A_512 = vector.shape_cast %get3A_511 : vector<1x1x16xf32> to vector<16xf32>
          %add3A_513 = arith.addf %get3A_506, %get3A_512 : vector<16xf32>
          %max3A_514 = arith.constant 0.000000e+00 : f32
          %max3A_515 = vector.broadcast %max3A_514 : f32 to vector<16xf32>
          %max3A_516 = arith.maximumf %add3A_513, %max3A_515 : vector<16xf32>
          %swap3A_517 = arith.constant 0 : i32
          %swap3A_518 = arith.index_cast %swap3A_517 : i32 to index
          %swap3A_519 = arith.index_cast %scan3A_340 : i32 to index
          %swap3A_520 = arith.constant 112 : index
          %swap3A_521 = tpu.vector_load %arg13[%swap3A_518, %swap3A_519, %swap3A_520] {strides = array<i32>} : memref<2x32x128xf32, #tpu.memory_space<vmem>>, vector<1x1x16xf32>,
          %swap3A_522 = vector.shape_cast %swap3A_521 : vector<1x1x16xf32> to vector<16xf32>
          %swap3A_523 = vector.shape_cast %max3A_516 : vector<16xf32> to vector<1x1x16xf32>
          tpu.vector_store %arg13[%swap3A_518, %swap3A_519, %swap3A_520], %swap3A_523 {strides = array<i32>} : memref<2x32x128xf32, #tpu.memory_space<vmem>>, vector<1x1x16xf32>,
        }
        %scan3A_228 = arith.constant 32 : i32
        %dma_start3A_229 = arith.constant 0 : i32
        %dma_start3A_230 = arith.constant 0 : i32
        %dma_start3A_231 = arith.constant 0 : i32
        %dma_start3A_232 = arith.constant 0 : i32
        %dma_start3A_233 = tpu.memref_slice %arg13[%dma_start3A_229, %dma_start3A_231, %dma_start3A_232] : memref<2x32x128xf32, #tpu.memory_space<vmem>> -> memref<1x32x128xf32, #tpu.memory_space<vmem>>
        %dma_start3A_234 = tpu.memref_squeeze %dma_start3A_233 : memref<1x32x128xf32, #tpu.memory_space<vmem>> -> memref<32x128xf32, #tpu.memory_space<vmem>>
        %dma_start3A_235 = arith.constant 0 : i32
        %dma_start3A_236 = tpu.memref_slice %arg10[%dma_start3A_230, %dma_start3A_235] : memref<2x32xi32, #tpu.memory_space<vmem>> -> memref<1x32xi32, #tpu.memory_space<vmem>>
        %dma_start3A_237 = tpu.memref_squeeze %dma_start3A_236 : memref<1x32xi32, #tpu.memory_space<vmem>> -> memref<32xi32, #tpu.memory_space<vmem>>
        %dma_start3A_238 = arith.constant 0 : i32
        %dma_start3A_239 = arith.constant 0 : i32
        %dma_start3A_240 = tpu.memref_slice %arg14[%dma_start3A_238, %dma_start3A_239] : memref<10240x128xf32, #tpu.memory_space<vmem_shared>> -> memref<10240x128xf32, #tpu.memory_space<vmem_shared>>
        tpu.enqueue_indirect_dma source(%dma_start3A_234 : memref<32x128xf32, #tpu.memory_space<vmem>>) target(%dma_start3A_240 : memref<10240x128xf32, #tpu.memory_space<vmem_shared>>) offsets(%dma_start3A_237 : memref<32xi32, #tpu.memory_space<vmem>>) semaphore(%arg18 : memref<!tpu.dma_semaphore, #tpu.memory_space<semaphore_mem>>) {add = true}
        %mul3A_241 = arith.constant 2 : i32
        %mul3A_242 = arith.muli %mul3A_241, %scan3A_144 : i32
        %add3A_243 = arith.constant 1 : i32
        %add3A_244 = arith.addi %mul3A_242, %add3A_243 : i32
        %dma_wait3A_245 = arith.constant 1 : i32
        %dma_wait3A_246 = arith.constant 0 : i32
        %dma_wait3A_247 = arith.constant 1 : i32
        %dma_wait3A_248 = arith.constant 0 : i32
        %dma_wait3A_249 = arith.constant 0 : i32
        %dma_wait3A_250 = tpu.memref_slice %arg11[%dma_wait3A_247, %dma_wait3A_248, %dma_wait3A_249] : memref<2x32x128xf32, #tpu.memory_space<vmem>> -> memref<1x32x128xf32, #tpu.memory_space<vmem>>
        %dma_wait3A_251 = tpu.memref_squeeze %dma_wait3A_250 : memref<1x32x128xf32, #tpu.memory_space<vmem>> -> memref<32x128xf32, #tpu.memory_space<vmem>>
        %dma_wait3A_252 = arith.constant 0 : i32
        %dma_wait3A_253 = tpu.memref_slice %arg9[%dma_wait3A_245, %dma_wait3A_246, %dma_wait3A_252] : memref<2x2x32xi32, #tpu.memory_space<vmem>> -> memref<1x1x32xi32, #tpu.memory_space<vmem>>
        %dma_wait3A_254 = tpu.memref_squeeze %dma_wait3A_253 : memref<1x1x32xi32, #tpu.memory_space<vmem>> -> memref<32xi32, #tpu.memory_space<vmem>>
        %dma_wait3A_255 = arith.constant 0 : i32
        %dma_wait3A_256 = arith.constant 0 : i32
        %dma_wait3A_257 = tpu.memref_slice %arg2[%dma_wait3A_255, %dma_wait3A_256] : memref<10000x128xf32, #tpu.memory_space<hbm>> -> memref<10000x128xf32, #tpu.memory_space<hbm>>
        tpu.wait_indirect_dma semaphore(%arg16 : memref<!tpu.dma_semaphore, #tpu.memory_space<semaphore_mem>>) src(%dma_wait3A_257 : memref<10000x128xf32, #tpu.memory_space<hbm>>) dst(%dma_wait3A_251 : memref<32x128xf32, #tpu.memory_space<vmem>>)
        %mul3A_258 = arith.constant 10240 : i32
        %mul3A_259 = arith.muli %arg1, %mul3A_258 : i32
        %mul3A_260 = arith.constant 32 : i32
        %mul3A_261 = arith.muli %add3A_244, %mul3A_260 : i32
        %add3A_262 = arith.addi %mul3A_259, %mul3A_261 : i32
        %multiple_of3A_263 = tpu.assume_multiple %add3A_262, 8 : i32
        %dma_wait3A_264 = arith.constant 1 : i32
        %dma_wait3A_265 = arith.constant 0 : i32
        %dma_wait3A_266 = arith.constant 0 : i32
        %dma_wait3A_267 = tpu.memref_slice %arg12[%dma_wait3A_264, %dma_wait3A_265, %dma_wait3A_266] : memref<2x32x128xf32, #tpu.memory_space<vmem>> -> memref<1x32x128xf32, #tpu.memory_space<vmem>>
        %dma_wait3A_268 = tpu.memref_squeeze %dma_wait3A_267 : memref<1x32x128xf32, #tpu.memory_space<vmem>> -> memref<32x128xf32, #tpu.memory_space<vmem>>
        %dma_wait3A_269 = arith.constant 0 : i32
        %dma_wait3A_270 = tpu.memref_slice %arg4[%multiple_of3A_263, %dma_wait3A_269] : memref<163840x128xf32, #tpu.memory_space<hbm>> -> memref<32x128xf32, #tpu.memory_space<hbm>>
        %dma_wait3A_271 = arith.constant 0 : i32
        %dma_wait3A_272 = arith.constant 0 : i32
        %dma_wait3A_273 = tpu.memref_slice %arg12[%dma_wait3A_264, %dma_wait3A_271, %dma_wait3A_272] : memref<2x32x128xf32, #tpu.memory_space<vmem>> -> memref<1x32x128xf32, #tpu.memory_space<vmem>>
        %dma_wait3A_274 = tpu.memref_squeeze %dma_wait3A_273 : memref<1x32x128xf32, #tpu.memory_space<vmem>> -> memref<32x128xf32, #tpu.memory_space<vmem>>
        %dma_wait3A_275 = arith.constant 0 : i32
        %dma_wait3A_276 = tpu.memref_slice %arg4[%multiple_of3A_263, %dma_wait3A_275] : memref<163840x128xf32, #tpu.memory_space<hbm>> -> memref<32x128xf32, #tpu.memory_space<hbm>>
        tpu.wait_dma2 semaphore(%arg17 : memref<!tpu.dma_semaphore, #tpu.memory_space<semaphore_mem>>) src(%dma_wait3A_276 : memref<32x128xf32, #tpu.memory_space<hbm>>) dst(%dma_wait3A_274 : memref<32x128xf32, #tpu.memory_space<vmem>>)
        %ge3A_277 = arith.constant 2 : i32
        %ge3A_278 = arith.cmpi sge, %add3A_244, %ge3A_277 : i32
        %convert_element_type3A_279 = arith.extui %ge3A_278 : i1 to i32
        %cond3A_280 = arith.constant 0 : i32
        %cond3A_281 = arith.cmpi ne, %convert_element_type3A_279, %cond3A_280 : i32
        scf.if %cond3A_281 {
          %sub3A = arith.constant 2 : i32
          %sub3A_340 = arith.subi %add3A_244, %sub3A : i32
          %dma_wait3A_341 = arith.constant 1 : i32
          %dma_wait3A_342 = arith.constant 1 : i32
          %dma_wait3A_343 = arith.constant 0 : i32
          %dma_wait3A_344 = arith.constant 0 : i32
          %dma_wait3A_345 = tpu.memref_slice %arg13[%dma_wait3A_341, %dma_wait3A_343, %dma_wait3A_344] : memref<2x32x128xf32, #tpu.memory_space<vmem>> -> memref<1x32x128xf32, #tpu.memory_space<vmem>>
          %dma_wait3A_346 = tpu.memref_squeeze %dma_wait3A_345 : memref<1x32x128xf32, #tpu.memory_space<vmem>> -> memref<32x128xf32, #tpu.memory_space<vmem>>
          %dma_wait3A_347 = arith.constant 0 : i32
          %dma_wait3A_348 = tpu.memref_slice %arg10[%dma_wait3A_342, %dma_wait3A_347] : memref<2x32xi32, #tpu.memory_space<vmem>> -> memref<1x32xi32, #tpu.memory_space<vmem>>
          %dma_wait3A_349 = tpu.memref_squeeze %dma_wait3A_348 : memref<1x32xi32, #tpu.memory_space<vmem>> -> memref<32xi32, #tpu.memory_space<vmem>>
          %dma_wait3A_350 = arith.constant 0 : i32
          %dma_wait3A_351 = arith.constant 0 : i32
          %dma_wait3A_352 = tpu.memref_slice %arg14[%dma_wait3A_350, %dma_wait3A_351] : memref<10240x128xf32, #tpu.memory_space<vmem_shared>> -> memref<10240x128xf32, #tpu.memory_space<vmem_shared>>
          tpu.wait_indirect_dma semaphore(%arg19 : memref<!tpu.dma_semaphore, #tpu.memory_space<semaphore_mem>>) src(%dma_wait3A_346 : memref<32x128xf32, #tpu.memory_space<vmem>>) dst(%dma_wait3A_352 : memref<10240x128xf32, #tpu.memory_space<vmem_shared>>)
        } else {
        }
        %add3A_282 = arith.constant 1 : i32
        %add3A_283 = arith.addi %add3A_244, %add3A_282 : i32
        %lt3A_284 = arith.constant 320 : i32
        %lt3A_285 = arith.cmpi slt, %add3A_283, %lt3A_284 : i32
        %convert_element_type3A_286 = arith.extui %lt3A_285 : i1 to i32
        %cond3A_287 = arith.constant 0 : i32
        %cond3A_288 = arith.cmpi ne, %convert_element_type3A_286, %cond3A_287 : i32
        scf.if %cond3A_288 {
          %add3A_340 = arith.constant 1 : i32
          %add3A_341 = arith.addi %add3A_244, %add3A_340 : i32
          %mul3A_342 = arith.constant 320 : i32
          %mul3A_343 = arith.muli %arg1, %mul3A_342 : i32
          %add3A_344 = arith.addi %mul3A_343, %add3A_341 : i32
          %dma_wait3A_345 = arith.constant 0 : i32
          %dma_wait3A_346 = arith.constant 0 : i32
          %dma_wait3A_347 = arith.constant 0 : i32
          %dma_wait3A_348 = tpu.memref_slice %arg9[%dma_wait3A_345, %dma_wait3A_346, %dma_wait3A_347] : memref<2x2x32xi32, #tpu.memory_space<vmem>> -> memref<1x2x32xi32, #tpu.memory_space<vmem>>
          %dma_wait3A_349 = tpu.memref_squeeze %dma_wait3A_348 : memref<1x2x32xi32, #tpu.memory_space<vmem>> -> memref<2x32xi32, #tpu.memory_space<vmem>>
          %dma_wait3A_350 = arith.constant 0 : i32
          %dma_wait3A_351 = arith.constant 0 : i32
          %dma_wait3A_352 = tpu.memref_slice %arg6[%add3A_344, %dma_wait3A_350, %dma_wait3A_351] : memref<5120x2x32xi32, #tpu.memory_space<hbm>> -> memref<1x2x32xi32, #tpu.memory_space<hbm>>
          %dma_wait3A_353 = tpu.memref_squeeze %dma_wait3A_352 : memref<1x2x32xi32, #tpu.memory_space<hbm>> -> memref<2x32xi32, #tpu.memory_space<hbm>>
          %dma_wait3A_354 = arith.constant 0 : i32
          %dma_wait3A_355 = arith.constant 0 : i32
          %dma_wait3A_356 = tpu.memref_slice %arg9[%dma_wait3A_345, %dma_wait3A_354, %dma_wait3A_355] : memref<2x2x32xi32, #tpu.memory_space<vmem>> -> memref<1x2x32xi32, #tpu.memory_space<vmem>>
          %dma_wait3A_357 = tpu.memref_squeeze %dma_wait3A_356 : memref<1x2x32xi32, #tpu.memory_space<vmem>> -> memref<2x32xi32, #tpu.memory_space<vmem>>
          %dma_wait3A_358 = arith.constant 0 : i32
          %dma_wait3A_359 = arith.constant 0 : i32
          %dma_wait3A_360 = tpu.memref_slice %arg6[%add3A_344, %dma_wait3A_358, %dma_wait3A_359] : memref<5120x2x32xi32, #tpu.memory_space<hbm>> -> memref<1x2x32xi32, #tpu.memory_space<hbm>>
          %dma_wait3A_361 = tpu.memref_squeeze %dma_wait3A_360 : memref<1x2x32xi32, #tpu.memory_space<hbm>> -> memref<2x32xi32, #tpu.memory_space<hbm>>
          tpu.wait_dma2 semaphore(%arg15 : memref<!tpu.dma_semaphore, #tpu.memory_space<semaphore_mem>>) src(%dma_wait3A_361 : memref<2x32xi32, #tpu.memory_space<hbm>>) dst(%dma_wait3A_357 : memref<2x32xi32, #tpu.memory_space<vmem>>)
          %add3A_362 = arith.constant 1 : i32
          %add3A_363 = arith.addi %add3A_244, %add3A_362 : i32
          %dma_start3A_364 = arith.constant 0 : i32
          %dma_start3A_365 = arith.constant 0 : i32
          %dma_start3A_366 = arith.constant 0 : i32
          %dma_start3A_367 = arith.constant 0 : i32
          %dma_start3A_368 = arith.constant 0 : i32
          %dma_start3A_369 = tpu.memref_slice %arg11[%dma_start3A_366, %dma_start3A_367, %dma_start3A_368] : memref<2x32x128xf32, #tpu.memory_space<vmem>> -> memref<1x32x128xf32, #tpu.memory_space<vmem>>
          %dma_start3A_370 = tpu.memref_squeeze %dma_start3A_369 : memref<1x32x128xf32, #tpu.memory_space<vmem>> -> memref<32x128xf32, #tpu.memory_space<vmem>>
          %dma_start3A_371 = arith.constant 0 : i32
          %dma_start3A_372 = tpu.memref_slice %arg9[%dma_start3A_364, %dma_start3A_365, %dma_start3A_371] : memref<2x2x32xi32, #tpu.memory_space<vmem>> -> memref<1x1x32xi32, #tpu.memory_space<vmem>>
          %dma_start3A_373 = tpu.memref_squeeze %dma_start3A_372 : memref<1x1x32xi32, #tpu.memory_space<vmem>> -> memref<32xi32, #tpu.memory_space<vmem>>
          %dma_start3A_374 = arith.constant 0 : i32
          %dma_start3A_375 = arith.constant 0 : i32
          %dma_start3A_376 = tpu.memref_slice %arg2[%dma_start3A_374, %dma_start3A_375] : memref<10000x128xf32, #tpu.memory_space<hbm>> -> memref<10000x128xf32, #tpu.memory_space<hbm>>
          tpu.enqueue_indirect_dma source(%dma_start3A_376 : memref<10000x128xf32, #tpu.memory_space<hbm>>) target(%dma_start3A_370 : memref<32x128xf32, #tpu.memory_space<vmem>>) offsets(%dma_start3A_373 : memref<32xi32, #tpu.memory_space<vmem>>) semaphore(%arg16 : memref<!tpu.dma_semaphore, #tpu.memory_space<semaphore_mem>>)
          %add3A_377 = arith.constant 1 : i32
          %add3A_378 = arith.addi %add3A_244, %add3A_377 : i32
          %mul3A_379 = arith.constant 10240 : i32
          %mul3A_380 = arith.muli %arg1, %mul3A_379 : i32
          %mul3A_381 = arith.constant 32 : i32
          %mul3A_382 = arith.muli %add3A_378, %mul3A_381 : i32
          %add3A_383 = arith.addi %mul3A_380, %mul3A_382 : i32
          %multiple_of3A_384 = tpu.assume_multiple %add3A_383, 8 : i32
          %dma_start3A_385 = arith.constant 0 : i32
          %dma_start3A_386 = arith.constant 0 : i32
          %dma_start3A_387 = arith.constant 0 : i32
          %dma_start3A_388 = tpu.memref_slice %arg12[%dma_start3A_385, %dma_start3A_386, %dma_start3A_387] : memref<2x32x128xf32, #tpu.memory_space<vmem>> -> memref<1x32x128xf32, #tpu.memory_space<vmem>>
          %dma_start3A_389 = tpu.memref_squeeze %dma_start3A_388 : memref<1x32x128xf32, #tpu.memory_space<vmem>> -> memref<32x128xf32, #tpu.memory_space<vmem>>
          %dma_start3A_390 = arith.constant 0 : i32
          %dma_start3A_391 = tpu.memref_slice %arg4[%multiple_of3A_384, %dma_start3A_390] : memref<163840x128xf32, #tpu.memory_space<hbm>> -> memref<32x128xf32, #tpu.memory_space<hbm>>
          %dma_start3A_392 = arith.constant 0 : i32
          %dma_start3A_393 = arith.constant 0 : i32
          %dma_start3A_394 = tpu.memref_slice %arg12[%dma_start3A_385, %dma_start3A_392, %dma_start3A_393] : memref<2x32x128xf32, #tpu.memory_space<vmem>> -> memref<1x32x128xf32, #tpu.memory_space<vmem>>
          %dma_start3A_395 = tpu.memref_squeeze %dma_start3A_394 : memref<1x32x128xf32, #tpu.memory_space<vmem>> -> memref<32x128xf32, #tpu.memory_space<vmem>>
          %dma_start3A_396 = arith.constant 0 : i32
          %dma_start3A_397 = tpu.memref_slice %arg4[%multiple_of3A_384, %dma_start3A_396] : memref<163840x128xf32, #tpu.memory_space<hbm>> -> memref<32x128xf32, #tpu.memory_space<hbm>>
          tpu.enqueue_dma source(%dma_start3A_397 : memref<32x128xf32, #tpu.memory_space<hbm>>) target(%dma_start3A_395 : memref<32x128xf32, #tpu.memory_space<vmem>>) target_semaphore(%arg17 : memref<!tpu.dma_semaphore, #tpu.memory_space<semaphore_mem>>)
        } else {
        }
        %get3A_289 = arith.constant 1 : i32
        %get3A_290 = arith.constant 1 : i32
        %get3A_291 = arith.index_cast %get3A_289 : i32 to index
        %get3A_292 = arith.index_cast %get3A_290 : i32 to index
        %get3A_293 = arith.constant 0 : index
        %get3A_294 = tpu.vector_load %arg9[%get3A_291, %get3A_292, %get3A_293] {strides = array<i32>} : memref<2x2x32xi32, #tpu.memory_space<vmem>>, vector<1x1x16xi32>,
        %get3A_295 = vector.shape_cast %get3A_294 : vector<1x1x16xi32> to vector<16xi32>
        %swap3A_296 = arith.constant 1 : i32
        %swap3A_297 = arith.index_cast %swap3A_296 : i32 to index
        %swap3A_298 = arith.constant 0 : index
        %swap3A_299 = tpu.vector_load %arg10[%swap3A_297, %swap3A_298] {strides = array<i32>} : memref<2x32xi32, #tpu.memory_space<vmem>>, vector<1x16xi32>,
        %swap3A_300 = vector.shape_cast %swap3A_299 : vector<1x16xi32> to vector<16xi32>
        %swap3A_301 = vector.shape_cast %get3A_295 : vector<16xi32> to vector<1x16xi32>
        tpu.vector_store %arg10[%swap3A_297, %swap3A_298], %swap3A_301 {strides = array<i32>} : memref<2x32xi32, #tpu.memory_space<vmem>>, vector<1x16xi32>,
        %get3A_302 = arith.constant 1 : i32
        %get3A_303 = arith.constant 1 : i32
        %get3A_304 = arith.index_cast %get3A_302 : i32 to index
        %get3A_305 = arith.index_cast %get3A_303 : i32 to index
        %get3A_306 = arith.constant 16 : index
        %get3A_307 = tpu.vector_load %arg9[%get3A_304, %get3A_305, %get3A_306] {strides = array<i32>} : memref<2x2x32xi32, #tpu.memory_space<vmem>>, vector<1x1x16xi32>,
        %get3A_308 = vector.shape_cast %get3A_307 : vector<1x1x16xi32> to vector<16xi32>
        %swap3A_309 = arith.constant 1 : i32
        %swap3A_310 = arith.index_cast %swap3A_309 : i32 to index
        %swap3A_311 = arith.constant 16 : index
        %swap3A_312 = tpu.vector_load %arg10[%swap3A_310, %swap3A_311] {strides = array<i32>} : memref<2x32xi32, #tpu.memory_space<vmem>>, vector<1x16xi32>,
        %swap3A_313 = vector.shape_cast %swap3A_312 : vector<1x16xi32> to vector<16xi32>
        %swap3A_314 = vector.shape_cast %get3A_308 : vector<16xi32> to vector<1x16xi32>
        tpu.vector_store %arg10[%swap3A_310, %swap3A_311], %swap3A_314 {strides = array<i32>} : memref<2x32xi32, #tpu.memory_space<vmem>>, vector<1x16xi32>,
        %add3A_315 = arith.constant 2 : i32
        %add3A_316 = arith.addi %add3A_244, %add3A_315 : i32
        %lt3A_317 = arith.constant 320 : i32
        %lt3A_318 = arith.cmpi slt, %add3A_316, %lt3A_317 : i32
        %convert_element_type3A_319 = arith.extui %lt3A_318 : i1 to i32
        %cond3A_320 = arith.constant 0 : i32
        %cond3A_321 = arith.cmpi ne, %convert_element_type3A_319, %cond3A_320 : i32
        scf.if %cond3A_321 {
          %add3A_340 = arith.constant 2 : i32
          %add3A_341 = arith.addi %add3A_244, %add3A_340 : i32
          %mul3A_342 = arith.constant 320 : i32
          %mul3A_343 = arith.muli %arg1, %mul3A_342 : i32
          %add3A_344 = arith.addi %mul3A_343, %add3A_341 : i32
          %dma_start3A_345 = arith.constant 1 : i32
          %dma_start3A_346 = arith.constant 0 : i32
          %dma_start3A_347 = arith.constant 0 : i32
          %dma_start3A_348 = tpu.memref_slice %arg9[%dma_start3A_345, %dma_start3A_346, %dma_start3A_347] : memref<2x2x32xi32, #tpu.memory_space<vmem>> -> memref<1x2x32xi32, #tpu.memory_space<vmem>>
          %dma_start3A_349 = tpu.memref_squeeze %dma_start3A_348 : memref<1x2x32xi32, #tpu.memory_space<vmem>> -> memref<2x32xi32, #tpu.memory_space<vmem>>
          %dma_start3A_350 = arith.constant 0 : i32
          %dma_start3A_351 = arith.constant 0 : i32
          %dma_start3A_352 = tpu.memref_slice %arg6[%add3A_344, %dma_start3A_350, %dma_start3A_351] : memref<5120x2x32xi32, #tpu.memory_space<hbm>> -> memref<1x2x32xi32, #tpu.memory_space<hbm>>
          %dma_start3A_353 = tpu.memref_squeeze %dma_start3A_352 : memref<1x2x32xi32, #tpu.memory_space<hbm>> -> memref<2x32xi32, #tpu.memory_space<hbm>>
          %dma_start3A_354 = arith.constant 0 : i32
          %dma_start3A_355 = arith.constant 0 : i32
          %dma_start3A_356 = tpu.memref_slice %arg9[%dma_start3A_345, %dma_start3A_354, %dma_start3A_355] : memref<2x2x32xi32, #tpu.memory_space<vmem>> -> memref<1x2x32xi32, #tpu.memory_space<vmem>>
          %dma_start3A_357 = tpu.memref_squeeze %dma_start3A_356 : memref<1x2x32xi32, #tpu.memory_space<vmem>> -> memref<2x32xi32, #tpu.memory_space<vmem>>
          %dma_start3A_358 = arith.constant 0 : i32
          %dma_start3A_359 = arith.constant 0 : i32
          %dma_start3A_360 = tpu.memref_slice %arg6[%add3A_344, %dma_start3A_358, %dma_start3A_359] : memref<5120x2x32xi32, #tpu.memory_space<hbm>> -> memref<1x2x32xi32, #tpu.memory_space<hbm>>
          %dma_start3A_361 = tpu.memref_squeeze %dma_start3A_360 : memref<1x2x32xi32, #tpu.memory_space<hbm>> -> memref<2x32xi32, #tpu.memory_space<hbm>>
          tpu.enqueue_dma source(%dma_start3A_361 : memref<2x32xi32, #tpu.memory_space<hbm>>) target(%dma_start3A_357 : memref<2x32xi32, #tpu.memory_space<vmem>>) target_semaphore(%arg15 : memref<!tpu.dma_semaphore, #tpu.memory_space<semaphore_mem>>)
        } else {
        }
        %scan3A_322 = arith.constant 0 : i32
        %scan3A_323 = arith.constant 0 : i32
        %scan3A_324 = arith.constant 32 : i32
        %scan3A_325 = arith.addi %scan3A_323, %scan3A_324 : i32
        %scan3A_326 = arith.constant 1 : i32
        scf.for %scan3A_340 = %scan3A_323 to %scan3A_325 step %scan3A_326  : i32 {
          %get3A_341 = arith.constant 1 : i32
          %get3A_342 = arith.index_cast %get3A_341 : i32 to index
          %get3A_343 = arith.index_cast %scan3A_340 : i32 to index
          %get3A_344 = arith.constant 0 : index
          %get3A_345 = tpu.vector_load %arg11[%get3A_342, %get3A_343, %get3A_344] {strides = array<i32>} : memref<2x32x128xf32, #tpu.memory_space<vmem>>, vector<1x1x16xf32>,
          %get3A_346 = vector.shape_cast %get3A_345 : vector<1x1x16xf32> to vector<16xf32>
          %get3A_347 = arith.constant 1 : i32
          %get3A_348 = arith.index_cast %get3A_347 : i32 to index
          %get3A_349 = arith.index_cast %scan3A_340 : i32 to index
          %get3A_350 = arith.constant 0 : index
          %get3A_351 = tpu.vector_load %arg12[%get3A_348, %get3A_349, %get3A_350] {strides = array<i32>} : memref<2x32x128xf32, #tpu.memory_space<vmem>>, vector<1x1x16xf32>,
          %get3A_352 = vector.shape_cast %get3A_351 : vector<1x1x16xf32> to vector<16xf32>
          %add3A_353 = arith.addf %get3A_346, %get3A_352 : vector<16xf32>
          %max3A = arith.constant 0.000000e+00 : f32
          %max3A_354 = vector.broadcast %max3A : f32 to vector<16xf32>
          %max3A_355 = arith.maximumf %add3A_353, %max3A_354 : vector<16xf32>
          %swap3A_356 = arith.constant 1 : i32
          %swap3A_357 = arith.index_cast %swap3A_356 : i32 to index
          %swap3A_358 = arith.index_cast %scan3A_340 : i32 to index
          %swap3A_359 = arith.constant 0 : index
          %swap3A_360 = tpu.vector_load %arg13[%swap3A_357, %swap3A_358, %swap3A_359] {strides = array<i32>} : memref<2x32x128xf32, #tpu.memory_space<vmem>>, vector<1x1x16xf32>,
          %swap3A_361 = vector.shape_cast %swap3A_360 : vector<1x1x16xf32> to vector<16xf32>
          %swap3A_362 = vector.shape_cast %max3A_355 : vector<16xf32> to vector<1x1x16xf32>
          tpu.vector_store %arg13[%swap3A_357, %swap3A_358, %swap3A_359], %swap3A_362 {strides = array<i32>} : memref<2x32x128xf32, #tpu.memory_space<vmem>>, vector<1x1x16xf32>,
          %get3A_363 = arith.constant 1 : i32
          %get3A_364 = arith.index_cast %get3A_363 : i32 to index
          %get3A_365 = arith.index_cast %scan3A_340 : i32 to index
          %get3A_366 = arith.constant 16 : index
          %get3A_367 = tpu.vector_load %arg11[%get3A_364, %get3A_365, %get3A_366] {strides = array<i32>} : memref<2x32x128xf32, #tpu.memory_space<vmem>>, vector<1x1x16xf32>,
          %get3A_368 = vector.shape_cast %get3A_367 : vector<1x1x16xf32> to vector<16xf32>
          %get3A_369 = arith.constant 1 : i32
          %get3A_370 = arith.index_cast %get3A_369 : i32 to index
          %get3A_371 = arith.index_cast %scan3A_340 : i32 to index
          %get3A_372 = arith.constant 16 : index
          %get3A_373 = tpu.vector_load %arg12[%get3A_370, %get3A_371, %get3A_372] {strides = array<i32>} : memref<2x32x128xf32, #tpu.memory_space<vmem>>, vector<1x1x16xf32>,
          %get3A_374 = vector.shape_cast %get3A_373 : vector<1x1x16xf32> to vector<16xf32>
          %add3A_375 = arith.addf %get3A_368, %get3A_374 : vector<16xf32>
          %max3A_376 = arith.constant 0.000000e+00 : f32
          %max3A_377 = vector.broadcast %max3A_376 : f32 to vector<16xf32>
          %max3A_378 = arith.maximumf %add3A_375, %max3A_377 : vector<16xf32>
          %swap3A_379 = arith.constant 1 : i32
          %swap3A_380 = arith.index_cast %swap3A_379 : i32 to index
          %swap3A_381 = arith.index_cast %scan3A_340 : i32 to index
          %swap3A_382 = arith.constant 16 : index
          %swap3A_383 = tpu.vector_load %arg13[%swap3A_380, %swap3A_381, %swap3A_382] {strides = array<i32>} : memref<2x32x128xf32, #tpu.memory_space<vmem>>, vector<1x1x16xf32>,
          %swap3A_384 = vector.shape_cast %swap3A_383 : vector<1x1x16xf32> to vector<16xf32>
          %swap3A_385 = vector.shape_cast %max3A_378 : vector<16xf32> to vector<1x1x16xf32>
          tpu.vector_store %arg13[%swap3A_380, %swap3A_381, %swap3A_382], %swap3A_385 {strides = array<i32>} : memref<2x32x128xf32, #tpu.memory_space<vmem>>, vector<1x1x16xf32>,
          %get3A_386 = arith.constant 1 : i32
          %get3A_387 = arith.index_cast %get3A_386 : i32 to index
          %get3A_388 = arith.index_cast %scan3A_340 : i32 to index
          %get3A_389 = arith.constant 32 : index
          %get3A_390 = tpu.vector_load %arg11[%get3A_387, %get3A_388, %get3A_389] {strides = array<i32>} : memref<2x32x128xf32, #tpu.memory_space<vmem>>, vector<1x1x16xf32>,
          %get3A_391 = vector.shape_cast %get3A_390 : vector<1x1x16xf32> to vector<16xf32>
          %get3A_392 = arith.constant 1 : i32
          %get3A_393 = arith.index_cast %get3A_392 : i32 to index
          %get3A_394 = arith.index_cast %scan3A_340 : i32 to index
          %get3A_395 = arith.constant 32 : index
          %get3A_396 = tpu.vector_load %arg12[%get3A_393, %get3A_394, %get3A_395] {strides = array<i32>} : memref<2x32x128xf32, #tpu.memory_space<vmem>>, vector<1x1x16xf32>,
          %get3A_397 = vector.shape_cast %get3A_396 : vector<1x1x16xf32> to vector<16xf32>
          %add3A_398 = arith.addf %get3A_391, %get3A_397 : vector<16xf32>
          %max3A_399 = arith.constant 0.000000e+00 : f32
          %max3A_400 = vector.broadcast %max3A_399 : f32 to vector<16xf32>
          %max3A_401 = arith.maximumf %add3A_398, %max3A_400 : vector<16xf32>
          %swap3A_402 = arith.constant 1 : i32
          %swap3A_403 = arith.index_cast %swap3A_402 : i32 to index
          %swap3A_404 = arith.index_cast %scan3A_340 : i32 to index
          %swap3A_405 = arith.constant 32 : index
          %swap3A_406 = tpu.vector_load %arg13[%swap3A_403, %swap3A_404, %swap3A_405] {strides = array<i32>} : memref<2x32x128xf32, #tpu.memory_space<vmem>>, vector<1x1x16xf32>,
          %swap3A_407 = vector.shape_cast %swap3A_406 : vector<1x1x16xf32> to vector<16xf32>
          %swap3A_408 = vector.shape_cast %max3A_401 : vector<16xf32> to vector<1x1x16xf32>
          tpu.vector_store %arg13[%swap3A_403, %swap3A_404, %swap3A_405], %swap3A_408 {strides = array<i32>} : memref<2x32x128xf32, #tpu.memory_space<vmem>>, vector<1x1x16xf32>,
          %get3A_409 = arith.constant 1 : i32
          %get3A_410 = arith.index_cast %get3A_409 : i32 to index
          %get3A_411 = arith.index_cast %scan3A_340 : i32 to index
          %get3A_412 = arith.constant 48 : index
          %get3A_413 = tpu.vector_load %arg11[%get3A_410, %get3A_411, %get3A_412] {strides = array<i32>} : memref<2x32x128xf32, #tpu.memory_space<vmem>>, vector<1x1x16xf32>,
          %get3A_414 = vector.shape_cast %get3A_413 : vector<1x1x16xf32> to vector<16xf32>
          %get3A_415 = arith.constant 1 : i32
          %get3A_416 = arith.index_cast %get3A_415 : i32 to index
          %get3A_417 = arith.index_cast %scan3A_340 : i32 to index
          %get3A_418 = arith.constant 48 : index
          %get3A_419 = tpu.vector_load %arg12[%get3A_416, %get3A_417, %get3A_418] {strides = array<i32>} : memref<2x32x128xf32, #tpu.memory_space<vmem>>, vector<1x1x16xf32>,
          %get3A_420 = vector.shape_cast %get3A_419 : vector<1x1x16xf32> to vector<16xf32>
          %add3A_421 = arith.addf %get3A_414, %get3A_420 : vector<16xf32>
          %max3A_422 = arith.constant 0.000000e+00 : f32
          %max3A_423 = vector.broadcast %max3A_422 : f32 to vector<16xf32>
          %max3A_424 = arith.maximumf %add3A_421, %max3A_423 : vector<16xf32>
          %swap3A_425 = arith.constant 1 : i32
          %swap3A_426 = arith.index_cast %swap3A_425 : i32 to index
          %swap3A_427 = arith.index_cast %scan3A_340 : i32 to index
          %swap3A_428 = arith.constant 48 : index
          %swap3A_429 = tpu.vector_load %arg13[%swap3A_426, %swap3A_427, %swap3A_428] {strides = array<i32>} : memref<2x32x128xf32, #tpu.memory_space<vmem>>, vector<1x1x16xf32>,
          %swap3A_430 = vector.shape_cast %swap3A_429 : vector<1x1x16xf32> to vector<16xf32>
          %swap3A_431 = vector.shape_cast %max3A_424 : vector<16xf32> to vector<1x1x16xf32>
          tpu.vector_store %arg13[%swap3A_426, %swap3A_427, %swap3A_428], %swap3A_431 {strides = array<i32>} : memref<2x32x128xf32, #tpu.memory_space<vmem>>, vector<1x1x16xf32>,
          %get3A_432 = arith.constant 1 : i32
          %get3A_433 = arith.index_cast %get3A_432 : i32 to index
          %get3A_434 = arith.index_cast %scan3A_340 : i32 to index
          %get3A_435 = arith.constant 64 : index
          %get3A_436 = tpu.vector_load %arg11[%get3A_433, %get3A_434, %get3A_435] {strides = array<i32>} : memref<2x32x128xf32, #tpu.memory_space<vmem>>, vector<1x1x16xf32>,
          %get3A_437 = vector.shape_cast %get3A_436 : vector<1x1x16xf32> to vector<16xf32>
          %get3A_438 = arith.constant 1 : i32
          %get3A_439 = arith.index_cast %get3A_438 : i32 to index
          %get3A_440 = arith.index_cast %scan3A_340 : i32 to index
          %get3A_441 = arith.constant 64 : index
          %get3A_442 = tpu.vector_load %arg12[%get3A_439, %get3A_440, %get3A_441] {strides = array<i32>} : memref<2x32x128xf32, #tpu.memory_space<vmem>>, vector<1x1x16xf32>,
          %get3A_443 = vector.shape_cast %get3A_442 : vector<1x1x16xf32> to vector<16xf32>
          %add3A_444 = arith.addf %get3A_437, %get3A_443 : vector<16xf32>
          %max3A_445 = arith.constant 0.000000e+00 : f32
          %max3A_446 = vector.broadcast %max3A_445 : f32 to vector<16xf32>
          %max3A_447 = arith.maximumf %add3A_444, %max3A_446 : vector<16xf32>
          %swap3A_448 = arith.constant 1 : i32
          %swap3A_449 = arith.index_cast %swap3A_448 : i32 to index
          %swap3A_450 = arith.index_cast %scan3A_340 : i32 to index
          %swap3A_451 = arith.constant 64 : index
          %swap3A_452 = tpu.vector_load %arg13[%swap3A_449, %swap3A_450, %swap3A_451] {strides = array<i32>} : memref<2x32x128xf32, #tpu.memory_space<vmem>>, vector<1x1x16xf32>,
          %swap3A_453 = vector.shape_cast %swap3A_452 : vector<1x1x16xf32> to vector<16xf32>
          %swap3A_454 = vector.shape_cast %max3A_447 : vector<16xf32> to vector<1x1x16xf32>
          tpu.vector_store %arg13[%swap3A_449, %swap3A_450, %swap3A_451], %swap3A_454 {strides = array<i32>} : memref<2x32x128xf32, #tpu.memory_space<vmem>>, vector<1x1x16xf32>,
          %get3A_455 = arith.constant 1 : i32
          %get3A_456 = arith.index_cast %get3A_455 : i32 to index
          %get3A_457 = arith.index_cast %scan3A_340 : i32 to index
          %get3A_458 = arith.constant 80 : index
          %get3A_459 = tpu.vector_load %arg11[%get3A_456, %get3A_457, %get3A_458] {strides = array<i32>} : memref<2x32x128xf32, #tpu.memory_space<vmem>>, vector<1x1x16xf32>,
          %get3A_460 = vector.shape_cast %get3A_459 : vector<1x1x16xf32> to vector<16xf32>
          %get3A_461 = arith.constant 1 : i32
          %get3A_462 = arith.index_cast %get3A_461 : i32 to index
          %get3A_463 = arith.index_cast %scan3A_340 : i32 to index
          %get3A_464 = arith.constant 80 : index
          %get3A_465 = tpu.vector_load %arg12[%get3A_462, %get3A_463, %get3A_464] {strides = array<i32>} : memref<2x32x128xf32, #tpu.memory_space<vmem>>, vector<1x1x16xf32>,
          %get3A_466 = vector.shape_cast %get3A_465 : vector<1x1x16xf32> to vector<16xf32>
          %add3A_467 = arith.addf %get3A_460, %get3A_466 : vector<16xf32>
          %max3A_468 = arith.constant 0.000000e+00 : f32
          %max3A_469 = vector.broadcast %max3A_468 : f32 to vector<16xf32>
          %max3A_470 = arith.maximumf %add3A_467, %max3A_469 : vector<16xf32>
          %swap3A_471 = arith.constant 1 : i32
          %swap3A_472 = arith.index_cast %swap3A_471 : i32 to index
          %swap3A_473 = arith.index_cast %scan3A_340 : i32 to index
          %swap3A_474 = arith.constant 80 : index
          %swap3A_475 = tpu.vector_load %arg13[%swap3A_472, %swap3A_473, %swap3A_474] {strides = array<i32>} : memref<2x32x128xf32, #tpu.memory_space<vmem>>, vector<1x1x16xf32>,
          %swap3A_476 = vector.shape_cast %swap3A_475 : vector<1x1x16xf32> to vector<16xf32>
          %swap3A_477 = vector.shape_cast %max3A_470 : vector<16xf32> to vector<1x1x16xf32>
          tpu.vector_store %arg13[%swap3A_472, %swap3A_473, %swap3A_474], %swap3A_477 {strides = array<i32>} : memref<2x32x128xf32, #tpu.memory_space<vmem>>, vector<1x1x16xf32>,
          %get3A_478 = arith.constant 1 : i32
          %get3A_479 = arith.index_cast %get3A_478 : i32 to index
          %get3A_480 = arith.index_cast %scan3A_340 : i32 to index
          %get3A_481 = arith.constant 96 : index
          %get3A_482 = tpu.vector_load %arg11[%get3A_479, %get3A_480, %get3A_481] {strides = array<i32>} : memref<2x32x128xf32, #tpu.memory_space<vmem>>, vector<1x1x16xf32>,
          %get3A_483 = vector.shape_cast %get3A_482 : vector<1x1x16xf32> to vector<16xf32>
          %get3A_484 = arith.constant 1 : i32
          %get3A_485 = arith.index_cast %get3A_484 : i32 to index
          %get3A_486 = arith.index_cast %scan3A_340 : i32 to index
          %get3A_487 = arith.constant 96 : index
          %get3A_488 = tpu.vector_load %arg12[%get3A_485, %get3A_486, %get3A_487] {strides = array<i32>} : memref<2x32x128xf32, #tpu.memory_space<vmem>>, vector<1x1x16xf32>,
          %get3A_489 = vector.shape_cast %get3A_488 : vector<1x1x16xf32> to vector<16xf32>
          %add3A_490 = arith.addf %get3A_483, %get3A_489 : vector<16xf32>
          %max3A_491 = arith.constant 0.000000e+00 : f32
          %max3A_492 = vector.broadcast %max3A_491 : f32 to vector<16xf32>
          %max3A_493 = arith.maximumf %add3A_490, %max3A_492 : vector<16xf32>
          %swap3A_494 = arith.constant 1 : i32
          %swap3A_495 = arith.index_cast %swap3A_494 : i32 to index
          %swap3A_496 = arith.index_cast %scan3A_340 : i32 to index
          %swap3A_497 = arith.constant 96 : index
          %swap3A_498 = tpu.vector_load %arg13[%swap3A_495, %swap3A_496, %swap3A_497] {strides = array<i32>} : memref<2x32x128xf32, #tpu.memory_space<vmem>>, vector<1x1x16xf32>,
          %swap3A_499 = vector.shape_cast %swap3A_498 : vector<1x1x16xf32> to vector<16xf32>
          %swap3A_500 = vector.shape_cast %max3A_493 : vector<16xf32> to vector<1x1x16xf32>
          tpu.vector_store %arg13[%swap3A_495, %swap3A_496, %swap3A_497], %swap3A_500 {strides = array<i32>} : memref<2x32x128xf32, #tpu.memory_space<vmem>>, vector<1x1x16xf32>,
          %get3A_501 = arith.constant 1 : i32
          %get3A_502 = arith.index_cast %get3A_501 : i32 to index
          %get3A_503 = arith.index_cast %scan3A_340 : i32 to index
          %get3A_504 = arith.constant 112 : index
          %get3A_505 = tpu.vector_load %arg11[%get3A_502, %get3A_503, %get3A_504] {strides = array<i32>} : memref<2x32x128xf32, #tpu.memory_space<vmem>>, vector<1x1x16xf32>,
          %get3A_506 = vector.shape_cast %get3A_505 : vector<1x1x16xf32> to vector<16xf32>
          %get3A_507 = arith.constant 1 : i32
          %get3A_508 = arith.index_cast %get3A_507 : i32 to index
          %get3A_509 = arith.index_cast %scan3A_340 : i32 to index
          %get3A_510 = arith.constant 112 : index
          %get3A_511 = tpu.vector_load %arg12[%get3A_508, %get3A_509, %get3A_510] {strides = array<i32>} : memref<2x32x128xf32, #tpu.memory_space<vmem>>, vector<1x1x16xf32>,
          %get3A_512 = vector.shape_cast %get3A_511 : vector<1x1x16xf32> to vector<16xf32>
          %add3A_513 = arith.addf %get3A_506, %get3A_512 : vector<16xf32>
          %max3A_514 = arith.constant 0.000000e+00 : f32
          %max3A_515 = vector.broadcast %max3A_514 : f32 to vector<16xf32>
          %max3A_516 = arith.maximumf %add3A_513, %max3A_515 : vector<16xf32>
          %swap3A_517 = arith.constant 1 : i32
          %swap3A_518 = arith.index_cast %swap3A_517 : i32 to index
          %swap3A_519 = arith.index_cast %scan3A_340 : i32 to index
          %swap3A_520 = arith.constant 112 : index
          %swap3A_521 = tpu.vector_load %arg13[%swap3A_518, %swap3A_519, %swap3A_520] {strides = array<i32>} : memref<2x32x128xf32, #tpu.memory_space<vmem>>, vector<1x1x16xf32>,
          %swap3A_522 = vector.shape_cast %swap3A_521 : vector<1x1x16xf32> to vector<16xf32>
          %swap3A_523 = vector.shape_cast %max3A_516 : vector<16xf32> to vector<1x1x16xf32>
          tpu.vector_store %arg13[%swap3A_518, %swap3A_519, %swap3A_520], %swap3A_523 {strides = array<i32>} : memref<2x32x128xf32, #tpu.memory_space<vmem>>, vector<1x1x16xf32>,
        }
        %scan3A_327 = arith.constant 32 : i32
        %dma_start3A_328 = arith.constant 1 : i32
        %dma_start3A_329 = arith.constant 1 : i32
        %dma_start3A_330 = arith.constant 0 : i32
        %dma_start3A_331 = arith.constant 0 : i32
        %dma_start3A_332 = tpu.memref_slice %arg13[%dma_start3A_328, %dma_start3A_330, %dma_start3A_331] : memref<2x32x128xf32, #tpu.memory_space<vmem>> -> memref<1x32x128xf32, #tpu.memory_space<vmem>>
        %dma_start3A_333 = tpu.memref_squeeze %dma_start3A_332 : memref<1x32x128xf32, #tpu.memory_space<vmem>> -> memref<32x128xf32, #tpu.memory_space<vmem>>
        %dma_start3A_334 = arith.constant 0 : i32
        %dma_start3A_335 = tpu.memref_slice %arg10[%dma_start3A_329, %dma_start3A_334] : memref<2x32xi32, #tpu.memory_space<vmem>> -> memref<1x32xi32, #tpu.memory_space<vmem>>
        %dma_start3A_336 = tpu.memref_squeeze %dma_start3A_335 : memref<1x32xi32, #tpu.memory_space<vmem>> -> memref<32xi32, #tpu.memory_space<vmem>>
        %dma_start3A_337 = arith.constant 0 : i32
        %dma_start3A_338 = arith.constant 0 : i32
        %dma_start3A_339 = tpu.memref_slice %arg14[%dma_start3A_337, %dma_start3A_338] : memref<10240x128xf32, #tpu.memory_space<vmem_shared>> -> memref<10240x128xf32, #tpu.memory_space<vmem_shared>>
        tpu.enqueue_indirect_dma source(%dma_start3A_333 : memref<32x128xf32, #tpu.memory_space<vmem>>) target(%dma_start3A_339 : memref<10240x128xf32, #tpu.memory_space<vmem_shared>>) offsets(%dma_start3A_336 : memref<32xi32, #tpu.memory_space<vmem>>) semaphore(%arg19 : memref<!tpu.dma_semaphore, #tpu.memory_space<semaphore_mem>>) {add = true}
      }
      %scan3A_119 = arith.constant 160 : i32
      %dma_wait3A_120 = arith.constant 0 : i32
      %dma_wait3A_121 = arith.constant 0 : i32
      %dma_wait3A_122 = arith.constant 0 : i32
      %dma_wait3A_123 = arith.constant 0 : i32
      %dma_wait3A_124 = tpu.memref_slice %arg13[%dma_wait3A_120, %dma_wait3A_122, %dma_wait3A_123] : memref<2x32x128xf32, #tpu.memory_space<vmem>> -> memref<1x32x128xf32, #tpu.memory_space<vmem>>
      %dma_wait3A_125 = tpu.memref_squeeze %dma_wait3A_124 : memref<1x32x128xf32, #tpu.memory_space<vmem>> -> memref<32x128xf32, #tpu.memory_space<vmem>>
      %dma_wait3A_126 = arith.constant 0 : i32
      %dma_wait3A_127 = tpu.memref_slice %arg10[%dma_wait3A_121, %dma_wait3A_126] : memref<2x32xi32, #tpu.memory_space<vmem>> -> memref<1x32xi32, #tpu.memory_space<vmem>>
      %dma_wait3A_128 = tpu.memref_squeeze %dma_wait3A_127 : memref<1x32xi32, #tpu.memory_space<vmem>> -> memref<32xi32, #tpu.memory_space<vmem>>
      %dma_wait3A_129 = arith.constant 0 : i32
      %dma_wait3A_130 = arith.constant 0 : i32
      %dma_wait3A_131 = tpu.memref_slice %arg14[%dma_wait3A_129, %dma_wait3A_130] : memref<10240x128xf32, #tpu.memory_space<vmem_shared>> -> memref<10240x128xf32, #tpu.memory_space<vmem_shared>>
      tpu.wait_indirect_dma semaphore(%arg18 : memref<!tpu.dma_semaphore, #tpu.memory_space<semaphore_mem>>) src(%dma_wait3A_125 : memref<32x128xf32, #tpu.memory_space<vmem>>) dst(%dma_wait3A_131 : memref<10240x128xf32, #tpu.memory_space<vmem_shared>>)
      %dma_wait3A_132 = arith.constant 1 : i32
      %dma_wait3A_133 = arith.constant 1 : i32
      %dma_wait3A_134 = arith.constant 0 : i32
      %dma_wait3A_135 = arith.constant 0 : i32
      %dma_wait3A_136 = tpu.memref_slice %arg13[%dma_wait3A_132, %dma_wait3A_134, %dma_wait3A_135] : memref<2x32x128xf32, #tpu.memory_space<vmem>> -> memref<1x32x128xf32, #tpu.memory_space<vmem>>
      %dma_wait3A_137 = tpu.memref_squeeze %dma_wait3A_136 : memref<1x32x128xf32, #tpu.memory_space<vmem>> -> memref<32x128xf32, #tpu.memory_space<vmem>>
      %dma_wait3A_138 = arith.constant 0 : i32
      %dma_wait3A_139 = tpu.memref_slice %arg10[%dma_wait3A_133, %dma_wait3A_138] : memref<2x32xi32, #tpu.memory_space<vmem>> -> memref<1x32xi32, #tpu.memory_space<vmem>>
      %dma_wait3A_140 = tpu.memref_squeeze %dma_wait3A_139 : memref<1x32xi32, #tpu.memory_space<vmem>> -> memref<32xi32, #tpu.memory_space<vmem>>
      %dma_wait3A_141 = arith.constant 0 : i32
      %dma_wait3A_142 = arith.constant 0 : i32
      %dma_wait3A_143 = tpu.memref_slice %arg14[%dma_wait3A_141, %dma_wait3A_142] : memref<10240x128xf32, #tpu.memory_space<vmem_shared>> -> memref<10240x128xf32, #tpu.memory_space<vmem_shared>>
      tpu.wait_indirect_dma semaphore(%arg19 : memref<!tpu.dma_semaphore, #tpu.memory_space<semaphore_mem>>) src(%dma_wait3A_137 : memref<32x128xf32, #tpu.memory_space<vmem>>) dst(%dma_wait3A_143 : memref<10240x128xf32, #tpu.memory_space<vmem_shared>>)
    } else {
    }
    %eq3A_3 = arith.constant 1 : i32
    %eq3A_4 = arith.cmpi eq, %arg0, %eq3A_3 : i32
    %convert_element_type3A_5 = arith.extui %eq3A_4 : i1 to i32
    %cond3A_6 = arith.constant 0 : i32
    %cond3A_7 = arith.cmpi ne, %convert_element_type3A_5, %cond3A_6 : i32
    scf.if %cond3A_7 {
      %mul3A_24 = arith.constant 320 : i32
      %mul3A_25 = arith.muli %arg1, %mul3A_24 : i32
      %add3A = arith.constant 0 : i32
      %add3A_26 = arith.addi %mul3A_25, %add3A : i32
      %dma_start3A = arith.constant 0 : i32
      %dma_start3A_27 = arith.constant 0 : i32
      %dma_start3A_28 = arith.constant 0 : i32
      %dma_start3A_29 = tpu.memref_slice %arg9[%dma_start3A, %dma_start3A_27, %dma_start3A_28] : memref<2x2x32xi32, #tpu.memory_space<vmem>> -> memref<1x2x32xi32, #tpu.memory_space<vmem>>
      %dma_start3A_30 = tpu.memref_squeeze %dma_start3A_29 : memref<1x2x32xi32, #tpu.memory_space<vmem>> -> memref<2x32xi32, #tpu.memory_space<vmem>>
      %dma_start3A_31 = arith.constant 0 : i32
      %dma_start3A_32 = arith.constant 0 : i32
      %dma_start3A_33 = tpu.memref_slice %arg6[%add3A_26, %dma_start3A_31, %dma_start3A_32] : memref<5120x2x32xi32, #tpu.memory_space<hbm>> -> memref<1x2x32xi32, #tpu.memory_space<hbm>>
      %dma_start3A_34 = tpu.memref_squeeze %dma_start3A_33 : memref<1x2x32xi32, #tpu.memory_space<hbm>> -> memref<2x32xi32, #tpu.memory_space<hbm>>
      %dma_start3A_35 = arith.constant 0 : i32
      %dma_start3A_36 = arith.constant 0 : i32
      %dma_start3A_37 = tpu.memref_slice %arg9[%dma_start3A, %dma_start3A_35, %dma_start3A_36] : memref<2x2x32xi32, #tpu.memory_space<vmem>> -> memref<1x2x32xi32, #tpu.memory_space<vmem>>
      %dma_start3A_38 = tpu.memref_squeeze %dma_start3A_37 : memref<1x2x32xi32, #tpu.memory_space<vmem>> -> memref<2x32xi32, #tpu.memory_space<vmem>>
      %dma_start3A_39 = arith.constant 0 : i32
      %dma_start3A_40 = arith.constant 0 : i32
      %dma_start3A_41 = tpu.memref_slice %arg6[%add3A_26, %dma_start3A_39, %dma_start3A_40] : memref<5120x2x32xi32, #tpu.memory_space<hbm>> -> memref<1x2x32xi32, #tpu.memory_space<hbm>>
      %dma_start3A_42 = tpu.memref_squeeze %dma_start3A_41 : memref<1x2x32xi32, #tpu.memory_space<hbm>> -> memref<2x32xi32, #tpu.memory_space<hbm>>
      tpu.enqueue_dma source(%dma_start3A_42 : memref<2x32xi32, #tpu.memory_space<hbm>>) target(%dma_start3A_38 : memref<2x32xi32, #tpu.memory_space<vmem>>) target_semaphore(%arg15 : memref<!tpu.dma_semaphore, #tpu.memory_space<semaphore_mem>>)
      %mul3A_43 = arith.constant 320 : i32
      %mul3A_44 = arith.muli %arg1, %mul3A_43 : i32
      %add3A_45 = arith.constant 0 : i32
      %add3A_46 = arith.addi %mul3A_44, %add3A_45 : i32
      %dma_wait3A = arith.constant 0 : i32
      %dma_wait3A_47 = arith.constant 0 : i32
      %dma_wait3A_48 = arith.constant 0 : i32
      %dma_wait3A_49 = tpu.memref_slice %arg9[%dma_wait3A, %dma_wait3A_47, %dma_wait3A_48] : memref<2x2x32xi32, #tpu.memory_space<vmem>> -> memref<1x2x32xi32, #tpu.memory_space<vmem>>
      %dma_wait3A_50 = tpu.memref_squeeze %dma_wait3A_49 : memref<1x2x32xi32, #tpu.memory_space<vmem>> -> memref<2x32xi32, #tpu.memory_space<vmem>>
      %dma_wait3A_51 = arith.constant 0 : i32
      %dma_wait3A_52 = arith.constant 0 : i32
      %dma_wait3A_53 = tpu.memref_slice %arg6[%add3A_46, %dma_wait3A_51, %dma_wait3A_52] : memref<5120x2x32xi32, #tpu.memory_space<hbm>> -> memref<1x2x32xi32, #tpu.memory_space<hbm>>
      %dma_wait3A_54 = tpu.memref_squeeze %dma_wait3A_53 : memref<1x2x32xi32, #tpu.memory_space<hbm>> -> memref<2x32xi32, #tpu.memory_space<hbm>>
      %dma_wait3A_55 = arith.constant 0 : i32
      %dma_wait3A_56 = arith.constant 0 : i32
      %dma_wait3A_57 = tpu.memref_slice %arg9[%dma_wait3A, %dma_wait3A_55, %dma_wait3A_56] : memref<2x2x32xi32, #tpu.memory_space<vmem>> -> memref<1x2x32xi32, #tpu.memory_space<vmem>>
      %dma_wait3A_58 = tpu.memref_squeeze %dma_wait3A_57 : memref<1x2x32xi32, #tpu.memory_space<vmem>> -> memref<2x32xi32, #tpu.memory_space<vmem>>
      %dma_wait3A_59 = arith.constant 0 : i32
      %dma_wait3A_60 = arith.constant 0 : i32
      %dma_wait3A_61 = tpu.memref_slice %arg6[%add3A_46, %dma_wait3A_59, %dma_wait3A_60] : memref<5120x2x32xi32, #tpu.memory_space<hbm>> -> memref<1x2x32xi32, #tpu.memory_space<hbm>>
      %dma_wait3A_62 = tpu.memref_squeeze %dma_wait3A_61 : memref<1x2x32xi32, #tpu.memory_space<hbm>> -> memref<2x32xi32, #tpu.memory_space<hbm>>
      tpu.wait_dma2 semaphore(%arg15 : memref<!tpu.dma_semaphore, #tpu.memory_space<semaphore_mem>>) src(%dma_wait3A_62 : memref<2x32xi32, #tpu.memory_space<hbm>>) dst(%dma_wait3A_58 : memref<2x32xi32, #tpu.memory_space<vmem>>)
      %dma_start3A_63 = arith.constant 0 : i32
      %dma_start3A_64 = arith.constant 0 : i32
      %dma_start3A_65 = arith.constant 0 : i32
      %dma_start3A_66 = arith.constant 0 : i32
      %dma_start3A_67 = arith.constant 0 : i32
      %dma_start3A_68 = tpu.memref_slice %arg11[%dma_start3A_65, %dma_start3A_66, %dma_start3A_67] : memref<2x32x128xf32, #tpu.memory_space<vmem>> -> memref<1x32x128xf32, #tpu.memory_space<vmem>>
      %dma_start3A_69 = tpu.memref_squeeze %dma_start3A_68 : memref<1x32x128xf32, #tpu.memory_space<vmem>> -> memref<32x128xf32, #tpu.memory_space<vmem>>
      %dma_start3A_70 = arith.constant 0 : i32
      %dma_start3A_71 = tpu.memref_slice %arg9[%dma_start3A_63, %dma_start3A_64, %dma_start3A_70] : memref<2x2x32xi32, #tpu.memory_space<vmem>> -> memref<1x1x32xi32, #tpu.memory_space<vmem>>
      %dma_start3A_72 = tpu.memref_squeeze %dma_start3A_71 : memref<1x1x32xi32, #tpu.memory_space<vmem>> -> memref<32xi32, #tpu.memory_space<vmem>>
      %dma_start3A_73 = arith.constant 0 : i32
      %dma_start3A_74 = arith.constant 0 : i32
      %dma_start3A_75 = tpu.memref_slice %arg3[%dma_start3A_73, %dma_start3A_74] : memref<10000x128xf32, #tpu.memory_space<hbm>> -> memref<10000x128xf32, #tpu.memory_space<hbm>>
      tpu.enqueue_indirect_dma source(%dma_start3A_75 : memref<10000x128xf32, #tpu.memory_space<hbm>>) target(%dma_start3A_69 : memref<32x128xf32, #tpu.memory_space<vmem>>) offsets(%dma_start3A_72 : memref<32xi32, #tpu.memory_space<vmem>>) semaphore(%arg16 : memref<!tpu.dma_semaphore, #tpu.memory_space<semaphore_mem>>)
      %mul3A_76 = arith.constant 10240 : i32
      %mul3A_77 = arith.muli %arg1, %mul3A_76 : i32
      %add3A_78 = arith.constant 0 : i32
      %add3A_79 = arith.addi %mul3A_77, %add3A_78 : i32
      %multiple_of3A_80 = tpu.assume_multiple %add3A_79, 8 : i32
      %dma_start3A_81 = arith.constant 0 : i32
      %dma_start3A_82 = arith.constant 0 : i32
      %dma_start3A_83 = arith.constant 0 : i32
      %dma_start3A_84 = tpu.memref_slice %arg12[%dma_start3A_81, %dma_start3A_82, %dma_start3A_83] : memref<2x32x128xf32, #tpu.memory_space<vmem>> -> memref<1x32x128xf32, #tpu.memory_space<vmem>>
      %dma_start3A_85 = tpu.memref_squeeze %dma_start3A_84 : memref<1x32x128xf32, #tpu.memory_space<vmem>> -> memref<32x128xf32, #tpu.memory_space<vmem>>
      %dma_start3A_86 = arith.constant 0 : i32
      %dma_start3A_87 = tpu.memref_slice %arg5[%multiple_of3A_80, %dma_start3A_86] : memref<163840x128xf32, #tpu.memory_space<hbm>> -> memref<32x128xf32, #tpu.memory_space<hbm>>
      %dma_start3A_88 = arith.constant 0 : i32
      %dma_start3A_89 = arith.constant 0 : i32
      %dma_start3A_90 = tpu.memref_slice %arg12[%dma_start3A_81, %dma_start3A_88, %dma_start3A_89] : memref<2x32x128xf32, #tpu.memory_space<vmem>> -> memref<1x32x128xf32, #tpu.memory_space<vmem>>
      %dma_start3A_91 = tpu.memref_squeeze %dma_start3A_90 : memref<1x32x128xf32, #tpu.memory_space<vmem>> -> memref<32x128xf32, #tpu.memory_space<vmem>>
      %dma_start3A_92 = arith.constant 0 : i32
      %dma_start3A_93 = tpu.memref_slice %arg5[%multiple_of3A_80, %dma_start3A_92] : memref<163840x128xf32, #tpu.memory_space<hbm>> -> memref<32x128xf32, #tpu.memory_space<hbm>>
      tpu.enqueue_dma source(%dma_start3A_93 : memref<32x128xf32, #tpu.memory_space<hbm>>) target(%dma_start3A_91 : memref<32x128xf32, #tpu.memory_space<vmem>>) target_semaphore(%arg17 : memref<!tpu.dma_semaphore, #tpu.memory_space<semaphore_mem>>)
      %mul3A_94 = arith.constant 320 : i32
      %mul3A_95 = arith.muli %arg1, %mul3A_94 : i32
      %add3A_96 = arith.constant 1 : i32
      %add3A_97 = arith.addi %mul3A_95, %add3A_96 : i32
      %dma_start3A_98 = arith.constant 1 : i32
      %dma_start3A_99 = arith.constant 0 : i32
      %dma_start3A_100 = arith.constant 0 : i32
      %dma_start3A_101 = tpu.memref_slice %arg9[%dma_start3A_98, %dma_start3A_99, %dma_start3A_100] : memref<2x2x32xi32, #tpu.memory_space<vmem>> -> memref<1x2x32xi32, #tpu.memory_space<vmem>>
      %dma_start3A_102 = tpu.memref_squeeze %dma_start3A_101 : memref<1x2x32xi32, #tpu.memory_space<vmem>> -> memref<2x32xi32, #tpu.memory_space<vmem>>
      %dma_start3A_103 = arith.constant 0 : i32
      %dma_start3A_104 = arith.constant 0 : i32
      %dma_start3A_105 = tpu.memref_slice %arg6[%add3A_97, %dma_start3A_103, %dma_start3A_104] : memref<5120x2x32xi32, #tpu.memory_space<hbm>> -> memref<1x2x32xi32, #tpu.memory_space<hbm>>
      %dma_start3A_106 = tpu.memref_squeeze %dma_start3A_105 : memref<1x2x32xi32, #tpu.memory_space<hbm>> -> memref<2x32xi32, #tpu.memory_space<hbm>>
      %dma_start3A_107 = arith.constant 0 : i32
      %dma_start3A_108 = arith.constant 0 : i32
      %dma_start3A_109 = tpu.memref_slice %arg9[%dma_start3A_98, %dma_start3A_107, %dma_start3A_108] : memref<2x2x32xi32, #tpu.memory_space<vmem>> -> memref<1x2x32xi32, #tpu.memory_space<vmem>>
      %dma_start3A_110 = tpu.memref_squeeze %dma_start3A_109 : memref<1x2x32xi32, #tpu.memory_space<vmem>> -> memref<2x32xi32, #tpu.memory_space<vmem>>
      %dma_start3A_111 = arith.constant 0 : i32
      %dma_start3A_112 = arith.constant 0 : i32
      %dma_start3A_113 = tpu.memref_slice %arg6[%add3A_97, %dma_start3A_111, %dma_start3A_112] : memref<5120x2x32xi32, #tpu.memory_space<hbm>> -> memref<1x2x32xi32, #tpu.memory_space<hbm>>
      %dma_start3A_114 = tpu.memref_squeeze %dma_start3A_113 : memref<1x2x32xi32, #tpu.memory_space<hbm>> -> memref<2x32xi32, #tpu.memory_space<hbm>>
      tpu.enqueue_dma source(%dma_start3A_114 : memref<2x32xi32, #tpu.memory_space<hbm>>) target(%dma_start3A_110 : memref<2x32xi32, #tpu.memory_space<vmem>>) target_semaphore(%arg15 : memref<!tpu.dma_semaphore, #tpu.memory_space<semaphore_mem>>)
      %scan3A = arith.constant 0 : i32
      %scan3A_115 = arith.constant 0 : i32
      %scan3A_116 = arith.constant 160 : i32
      %scan3A_117 = arith.addi %scan3A_115, %scan3A_116 : i32
      %scan3A_118 = arith.constant 1 : i32
      scf.for %scan3A_144 = %scan3A_115 to %scan3A_117 step %scan3A_118  : i32 {
        %mul3A_145 = arith.constant 2 : i32
        %mul3A_146 = arith.muli %mul3A_145, %scan3A_144 : i32
        %add3A_147 = arith.constant 0 : i32
        %add3A_148 = arith.addi %mul3A_146, %add3A_147 : i32
        %dma_wait3A_149 = arith.constant 0 : i32
        %dma_wait3A_150 = arith.constant 0 : i32
        %dma_wait3A_151 = arith.constant 0 : i32
        %dma_wait3A_152 = arith.constant 0 : i32
        %dma_wait3A_153 = arith.constant 0 : i32
        %dma_wait3A_154 = tpu.memref_slice %arg11[%dma_wait3A_151, %dma_wait3A_152, %dma_wait3A_153] : memref<2x32x128xf32, #tpu.memory_space<vmem>> -> memref<1x32x128xf32, #tpu.memory_space<vmem>>
        %dma_wait3A_155 = tpu.memref_squeeze %dma_wait3A_154 : memref<1x32x128xf32, #tpu.memory_space<vmem>> -> memref<32x128xf32, #tpu.memory_space<vmem>>
        %dma_wait3A_156 = arith.constant 0 : i32
        %dma_wait3A_157 = tpu.memref_slice %arg9[%dma_wait3A_149, %dma_wait3A_150, %dma_wait3A_156] : memref<2x2x32xi32, #tpu.memory_space<vmem>> -> memref<1x1x32xi32, #tpu.memory_space<vmem>>
        %dma_wait3A_158 = tpu.memref_squeeze %dma_wait3A_157 : memref<1x1x32xi32, #tpu.memory_space<vmem>> -> memref<32xi32, #tpu.memory_space<vmem>>
        %dma_wait3A_159 = arith.constant 0 : i32
        %dma_wait3A_160 = arith.constant 0 : i32
        %dma_wait3A_161 = tpu.memref_slice %arg3[%dma_wait3A_159, %dma_wait3A_160] : memref<10000x128xf32, #tpu.memory_space<hbm>> -> memref<10000x128xf32, #tpu.memory_space<hbm>>
        tpu.wait_indirect_dma semaphore(%arg16 : memref<!tpu.dma_semaphore, #tpu.memory_space<semaphore_mem>>) src(%dma_wait3A_161 : memref<10000x128xf32, #tpu.memory_space<hbm>>) dst(%dma_wait3A_155 : memref<32x128xf32, #tpu.memory_space<vmem>>)
        %mul3A_162 = arith.constant 10240 : i32
        %mul3A_163 = arith.muli %arg1, %mul3A_162 : i32
        %mul3A_164 = arith.constant 32 : i32
        %mul3A_165 = arith.muli %add3A_148, %mul3A_164 : i32
        %add3A_166 = arith.addi %mul3A_163, %mul3A_165 : i32
        %multiple_of3A_167 = tpu.assume_multiple %add3A_166, 8 : i32
        %dma_wait3A_168 = arith.constant 0 : i32
        %dma_wait3A_169 = arith.constant 0 : i32
        %dma_wait3A_170 = arith.constant 0 : i32
        %dma_wait3A_171 = tpu.memref_slice %arg12[%dma_wait3A_168, %dma_wait3A_169, %dma_wait3A_170] : memref<2x32x128xf32, #tpu.memory_space<vmem>> -> memref<1x32x128xf32, #tpu.memory_space<vmem>>
        %dma_wait3A_172 = tpu.memref_squeeze %dma_wait3A_171 : memref<1x32x128xf32, #tpu.memory_space<vmem>> -> memref<32x128xf32, #tpu.memory_space<vmem>>
        %dma_wait3A_173 = arith.constant 0 : i32
        %dma_wait3A_174 = tpu.memref_slice %arg5[%multiple_of3A_167, %dma_wait3A_173] : memref<163840x128xf32, #tpu.memory_space<hbm>> -> memref<32x128xf32, #tpu.memory_space<hbm>>
        %dma_wait3A_175 = arith.constant 0 : i32
        %dma_wait3A_176 = arith.constant 0 : i32
        %dma_wait3A_177 = tpu.memref_slice %arg12[%dma_wait3A_168, %dma_wait3A_175, %dma_wait3A_176] : memref<2x32x128xf32, #tpu.memory_space<vmem>> -> memref<1x32x128xf32, #tpu.memory_space<vmem>>
        %dma_wait3A_178 = tpu.memref_squeeze %dma_wait3A_177 : memref<1x32x128xf32, #tpu.memory_space<vmem>> -> memref<32x128xf32, #tpu.memory_space<vmem>>
        %dma_wait3A_179 = arith.constant 0 : i32
        %dma_wait3A_180 = tpu.memref_slice %arg5[%multiple_of3A_167, %dma_wait3A_179] : memref<163840x128xf32, #tpu.memory_space<hbm>> -> memref<32x128xf32, #tpu.memory_space<hbm>>
        tpu.wait_dma2 semaphore(%arg17 : memref<!tpu.dma_semaphore, #tpu.memory_space<semaphore_mem>>) src(%dma_wait3A_180 : memref<32x128xf32, #tpu.memory_space<hbm>>) dst(%dma_wait3A_178 : memref<32x128xf32, #tpu.memory_space<vmem>>)
        %ge3A = arith.constant 2 : i32
        %ge3A_181 = arith.cmpi sge, %add3A_148, %ge3A : i32
        %convert_element_type3A_182 = arith.extui %ge3A_181 : i1 to i32
        %cond3A_183 = arith.constant 0 : i32
        %cond3A_184 = arith.cmpi ne, %convert_element_type3A_182, %cond3A_183 : i32
        scf.if %cond3A_184 {
          %sub3A = arith.constant 2 : i32
          %sub3A_340 = arith.subi %add3A_148, %sub3A : i32
          %dma_wait3A_341 = arith.constant 0 : i32
          %dma_wait3A_342 = arith.constant 0 : i32
          %dma_wait3A_343 = arith.constant 0 : i32
          %dma_wait3A_344 = arith.constant 0 : i32
          %dma_wait3A_345 = tpu.memref_slice %arg13[%dma_wait3A_341, %dma_wait3A_343, %dma_wait3A_344] : memref<2x32x128xf32, #tpu.memory_space<vmem>> -> memref<1x32x128xf32, #tpu.memory_space<vmem>>
          %dma_wait3A_346 = tpu.memref_squeeze %dma_wait3A_345 : memref<1x32x128xf32, #tpu.memory_space<vmem>> -> memref<32x128xf32, #tpu.memory_space<vmem>>
          %dma_wait3A_347 = arith.constant 0 : i32
          %dma_wait3A_348 = tpu.memref_slice %arg10[%dma_wait3A_342, %dma_wait3A_347] : memref<2x32xi32, #tpu.memory_space<vmem>> -> memref<1x32xi32, #tpu.memory_space<vmem>>
          %dma_wait3A_349 = tpu.memref_squeeze %dma_wait3A_348 : memref<1x32xi32, #tpu.memory_space<vmem>> -> memref<32xi32, #tpu.memory_space<vmem>>
          %dma_wait3A_350 = arith.constant 0 : i32
          %dma_wait3A_351 = arith.constant 0 : i32
          %dma_wait3A_352 = tpu.memref_slice %arg14[%dma_wait3A_350, %dma_wait3A_351] : memref<10240x128xf32, #tpu.memory_space<vmem_shared>> -> memref<10240x128xf32, #tpu.memory_space<vmem_shared>>
          tpu.wait_indirect_dma semaphore(%arg18 : memref<!tpu.dma_semaphore, #tpu.memory_space<semaphore_mem>>) src(%dma_wait3A_346 : memref<32x128xf32, #tpu.memory_space<vmem>>) dst(%dma_wait3A_352 : memref<10240x128xf32, #tpu.memory_space<vmem_shared>>)
        } else {
        }
        %add3A_185 = arith.constant 1 : i32
        %add3A_186 = arith.addi %add3A_148, %add3A_185 : i32
        %lt3A_187 = arith.constant 320 : i32
        %lt3A_188 = arith.cmpi slt, %add3A_186, %lt3A_187 : i32
        %convert_element_type3A_189 = arith.extui %lt3A_188 : i1 to i32
        %cond3A_190 = arith.constant 0 : i32
        %cond3A_191 = arith.cmpi ne, %convert_element_type3A_189, %cond3A_190 : i32
        scf.if %cond3A_191 {
          %add3A_340 = arith.constant 1 : i32
          %add3A_341 = arith.addi %add3A_148, %add3A_340 : i32
          %mul3A_342 = arith.constant 320 : i32
          %mul3A_343 = arith.muli %arg1, %mul3A_342 : i32
          %add3A_344 = arith.addi %mul3A_343, %add3A_341 : i32
          %dma_wait3A_345 = arith.constant 1 : i32
          %dma_wait3A_346 = arith.constant 0 : i32
          %dma_wait3A_347 = arith.constant 0 : i32
          %dma_wait3A_348 = tpu.memref_slice %arg9[%dma_wait3A_345, %dma_wait3A_346, %dma_wait3A_347] : memref<2x2x32xi32, #tpu.memory_space<vmem>> -> memref<1x2x32xi32, #tpu.memory_space<vmem>>
          %dma_wait3A_349 = tpu.memref_squeeze %dma_wait3A_348 : memref<1x2x32xi32, #tpu.memory_space<vmem>> -> memref<2x32xi32, #tpu.memory_space<vmem>>
          %dma_wait3A_350 = arith.constant 0 : i32
          %dma_wait3A_351 = arith.constant 0 : i32
          %dma_wait3A_352 = tpu.memref_slice %arg6[%add3A_344, %dma_wait3A_350, %dma_wait3A_351] : memref<5120x2x32xi32, #tpu.memory_space<hbm>> -> memref<1x2x32xi32, #tpu.memory_space<hbm>>
          %dma_wait3A_353 = tpu.memref_squeeze %dma_wait3A_352 : memref<1x2x32xi32, #tpu.memory_space<hbm>> -> memref<2x32xi32, #tpu.memory_space<hbm>>
          %dma_wait3A_354 = arith.constant 0 : i32
          %dma_wait3A_355 = arith.constant 0 : i32
          %dma_wait3A_356 = tpu.memref_slice %arg9[%dma_wait3A_345, %dma_wait3A_354, %dma_wait3A_355] : memref<2x2x32xi32, #tpu.memory_space<vmem>> -> memref<1x2x32xi32, #tpu.memory_space<vmem>>
          %dma_wait3A_357 = tpu.memref_squeeze %dma_wait3A_356 : memref<1x2x32xi32, #tpu.memory_space<vmem>> -> memref<2x32xi32, #tpu.memory_space<vmem>>
          %dma_wait3A_358 = arith.constant 0 : i32
          %dma_wait3A_359 = arith.constant 0 : i32
          %dma_wait3A_360 = tpu.memref_slice %arg6[%add3A_344, %dma_wait3A_358, %dma_wait3A_359] : memref<5120x2x32xi32, #tpu.memory_space<hbm>> -> memref<1x2x32xi32, #tpu.memory_space<hbm>>
          %dma_wait3A_361 = tpu.memref_squeeze %dma_wait3A_360 : memref<1x2x32xi32, #tpu.memory_space<hbm>> -> memref<2x32xi32, #tpu.memory_space<hbm>>
          tpu.wait_dma2 semaphore(%arg15 : memref<!tpu.dma_semaphore, #tpu.memory_space<semaphore_mem>>) src(%dma_wait3A_361 : memref<2x32xi32, #tpu.memory_space<hbm>>) dst(%dma_wait3A_357 : memref<2x32xi32, #tpu.memory_space<vmem>>)
          %add3A_362 = arith.constant 1 : i32
          %add3A_363 = arith.addi %add3A_148, %add3A_362 : i32
          %dma_start3A_364 = arith.constant 1 : i32
          %dma_start3A_365 = arith.constant 0 : i32
          %dma_start3A_366 = arith.constant 1 : i32
          %dma_start3A_367 = arith.constant 0 : i32
          %dma_start3A_368 = arith.constant 0 : i32
          %dma_start3A_369 = tpu.memref_slice %arg11[%dma_start3A_366, %dma_start3A_367, %dma_start3A_368] : memref<2x32x128xf32, #tpu.memory_space<vmem>> -> memref<1x32x128xf32, #tpu.memory_space<vmem>>
          %dma_start3A_370 = tpu.memref_squeeze %dma_start3A_369 : memref<1x32x128xf32, #tpu.memory_space<vmem>> -> memref<32x128xf32, #tpu.memory_space<vmem>>
          %dma_start3A_371 = arith.constant 0 : i32
          %dma_start3A_372 = tpu.memref_slice %arg9[%dma_start3A_364, %dma_start3A_365, %dma_start3A_371] : memref<2x2x32xi32, #tpu.memory_space<vmem>> -> memref<1x1x32xi32, #tpu.memory_space<vmem>>
          %dma_start3A_373 = tpu.memref_squeeze %dma_start3A_372 : memref<1x1x32xi32, #tpu.memory_space<vmem>> -> memref<32xi32, #tpu.memory_space<vmem>>
          %dma_start3A_374 = arith.constant 0 : i32
          %dma_start3A_375 = arith.constant 0 : i32
          %dma_start3A_376 = tpu.memref_slice %arg3[%dma_start3A_374, %dma_start3A_375] : memref<10000x128xf32, #tpu.memory_space<hbm>> -> memref<10000x128xf32, #tpu.memory_space<hbm>>
          tpu.enqueue_indirect_dma source(%dma_start3A_376 : memref<10000x128xf32, #tpu.memory_space<hbm>>) target(%dma_start3A_370 : memref<32x128xf32, #tpu.memory_space<vmem>>) offsets(%dma_start3A_373 : memref<32xi32, #tpu.memory_space<vmem>>) semaphore(%arg16 : memref<!tpu.dma_semaphore, #tpu.memory_space<semaphore_mem>>)
          %add3A_377 = arith.constant 1 : i32
          %add3A_378 = arith.addi %add3A_148, %add3A_377 : i32
          %mul3A_379 = arith.constant 10240 : i32
          %mul3A_380 = arith.muli %arg1, %mul3A_379 : i32
          %mul3A_381 = arith.constant 32 : i32
          %mul3A_382 = arith.muli %add3A_378, %mul3A_381 : i32
          %add3A_383 = arith.addi %mul3A_380, %mul3A_382 : i32
          %multiple_of3A_384 = tpu.assume_multiple %add3A_383, 8 : i32
          %dma_start3A_385 = arith.constant 1 : i32
          %dma_start3A_386 = arith.constant 0 : i32
          %dma_start3A_387 = arith.constant 0 : i32
          %dma_start3A_388 = tpu.memref_slice %arg12[%dma_start3A_385, %dma_start3A_386, %dma_start3A_387] : memref<2x32x128xf32, #tpu.memory_space<vmem>> -> memref<1x32x128xf32, #tpu.memory_space<vmem>>
          %dma_start3A_389 = tpu.memref_squeeze %dma_start3A_388 : memref<1x32x128xf32, #tpu.memory_space<vmem>> -> memref<32x128xf32, #tpu.memory_space<vmem>>
          %dma_start3A_390 = arith.constant 0 : i32
          %dma_start3A_391 = tpu.memref_slice %arg5[%multiple_of3A_384, %dma_start3A_390] : memref<163840x128xf32, #tpu.memory_space<hbm>> -> memref<32x128xf32, #tpu.memory_space<hbm>>
          %dma_start3A_392 = arith.constant 0 : i32
          %dma_start3A_393 = arith.constant 0 : i32
          %dma_start3A_394 = tpu.memref_slice %arg12[%dma_start3A_385, %dma_start3A_392, %dma_start3A_393] : memref<2x32x128xf32, #tpu.memory_space<vmem>> -> memref<1x32x128xf32, #tpu.memory_space<vmem>>
          %dma_start3A_395 = tpu.memref_squeeze %dma_start3A_394 : memref<1x32x128xf32, #tpu.memory_space<vmem>> -> memref<32x128xf32, #tpu.memory_space<vmem>>
          %dma_start3A_396 = arith.constant 0 : i32
          %dma_start3A_397 = tpu.memref_slice %arg5[%multiple_of3A_384, %dma_start3A_396] : memref<163840x128xf32, #tpu.memory_space<hbm>> -> memref<32x128xf32, #tpu.memory_space<hbm>>
          tpu.enqueue_dma source(%dma_start3A_397 : memref<32x128xf32, #tpu.memory_space<hbm>>) target(%dma_start3A_395 : memref<32x128xf32, #tpu.memory_space<vmem>>) target_semaphore(%arg17 : memref<!tpu.dma_semaphore, #tpu.memory_space<semaphore_mem>>)
        } else {
        }
        %get3A = arith.constant 0 : i32
        %get3A_192 = arith.constant 1 : i32
        %get3A_193 = arith.index_cast %get3A : i32 to index
        %get3A_194 = arith.index_cast %get3A_192 : i32 to index
        %get3A_195 = arith.constant 0 : index
        %get3A_196 = tpu.vector_load %arg9[%get3A_193, %get3A_194, %get3A_195] {strides = array<i32>} : memref<2x2x32xi32, #tpu.memory_space<vmem>>, vector<1x1x16xi32>,
        %get3A_197 = vector.shape_cast %get3A_196 : vector<1x1x16xi32> to vector<16xi32>
        %swap3A = arith.constant 0 : i32
        %swap3A_198 = arith.index_cast %swap3A : i32 to index
        %swap3A_199 = arith.constant 0 : index
        %swap3A_200 = tpu.vector_load %arg10[%swap3A_198, %swap3A_199] {strides = array<i32>} : memref<2x32xi32, #tpu.memory_space<vmem>>, vector<1x16xi32>,
        %swap3A_201 = vector.shape_cast %swap3A_200 : vector<1x16xi32> to vector<16xi32>
        %swap3A_202 = vector.shape_cast %get3A_197 : vector<16xi32> to vector<1x16xi32>
        tpu.vector_store %arg10[%swap3A_198, %swap3A_199], %swap3A_202 {strides = array<i32>} : memref<2x32xi32, #tpu.memory_space<vmem>>, vector<1x16xi32>,
        %get3A_203 = arith.constant 0 : i32
        %get3A_204 = arith.constant 1 : i32
        %get3A_205 = arith.index_cast %get3A_203 : i32 to index
        %get3A_206 = arith.index_cast %get3A_204 : i32 to index
        %get3A_207 = arith.constant 16 : index
        %get3A_208 = tpu.vector_load %arg9[%get3A_205, %get3A_206, %get3A_207] {strides = array<i32>} : memref<2x2x32xi32, #tpu.memory_space<vmem>>, vector<1x1x16xi32>,
        %get3A_209 = vector.shape_cast %get3A_208 : vector<1x1x16xi32> to vector<16xi32>
        %swap3A_210 = arith.constant 0 : i32
        %swap3A_211 = arith.index_cast %swap3A_210 : i32 to index
        %swap3A_212 = arith.constant 16 : index
        %swap3A_213 = tpu.vector_load %arg10[%swap3A_211, %swap3A_212] {strides = array<i32>} : memref<2x32xi32, #tpu.memory_space<vmem>>, vector<1x16xi32>,
        %swap3A_214 = vector.shape_cast %swap3A_213 : vector<1x16xi32> to vector<16xi32>
        %swap3A_215 = vector.shape_cast %get3A_209 : vector<16xi32> to vector<1x16xi32>
        tpu.vector_store %arg10[%swap3A_211, %swap3A_212], %swap3A_215 {strides = array<i32>} : memref<2x32xi32, #tpu.memory_space<vmem>>, vector<1x16xi32>,
        %add3A_216 = arith.constant 2 : i32
        %add3A_217 = arith.addi %add3A_148, %add3A_216 : i32
        %lt3A_218 = arith.constant 320 : i32
        %lt3A_219 = arith.cmpi slt, %add3A_217, %lt3A_218 : i32
        %convert_element_type3A_220 = arith.extui %lt3A_219 : i1 to i32
        %cond3A_221 = arith.constant 0 : i32
        %cond3A_222 = arith.cmpi ne, %convert_element_type3A_220, %cond3A_221 : i32
        scf.if %cond3A_222 {
          %add3A_340 = arith.constant 2 : i32
          %add3A_341 = arith.addi %add3A_148, %add3A_340 : i32
          %mul3A_342 = arith.constant 320 : i32
          %mul3A_343 = arith.muli %arg1, %mul3A_342 : i32
          %add3A_344 = arith.addi %mul3A_343, %add3A_341 : i32
          %dma_start3A_345 = arith.constant 0 : i32
          %dma_start3A_346 = arith.constant 0 : i32
          %dma_start3A_347 = arith.constant 0 : i32
          %dma_start3A_348 = tpu.memref_slice %arg9[%dma_start3A_345, %dma_start3A_346, %dma_start3A_347] : memref<2x2x32xi32, #tpu.memory_space<vmem>> -> memref<1x2x32xi32, #tpu.memory_space<vmem>>
          %dma_start3A_349 = tpu.memref_squeeze %dma_start3A_348 : memref<1x2x32xi32, #tpu.memory_space<vmem>> -> memref<2x32xi32, #tpu.memory_space<vmem>>
          %dma_start3A_350 = arith.constant 0 : i32
          %dma_start3A_351 = arith.constant 0 : i32
          %dma_start3A_352 = tpu.memref_slice %arg6[%add3A_344, %dma_start3A_350, %dma_start3A_351] : memref<5120x2x32xi32, #tpu.memory_space<hbm>> -> memref<1x2x32xi32, #tpu.memory_space<hbm>>
          %dma_start3A_353 = tpu.memref_squeeze %dma_start3A_352 : memref<1x2x32xi32, #tpu.memory_space<hbm>> -> memref<2x32xi32, #tpu.memory_space<hbm>>
          %dma_start3A_354 = arith.constant 0 : i32
          %dma_start3A_355 = arith.constant 0 : i32
          %dma_start3A_356 = tpu.memref_slice %arg9[%dma_start3A_345, %dma_start3A_354, %dma_start3A_355] : memref<2x2x32xi32, #tpu.memory_space<vmem>> -> memref<1x2x32xi32, #tpu.memory_space<vmem>>
          %dma_start3A_357 = tpu.memref_squeeze %dma_start3A_356 : memref<1x2x32xi32, #tpu.memory_space<vmem>> -> memref<2x32xi32, #tpu.memory_space<vmem>>
          %dma_start3A_358 = arith.constant 0 : i32
          %dma_start3A_359 = arith.constant 0 : i32
          %dma_start3A_360 = tpu.memref_slice %arg6[%add3A_344, %dma_start3A_358, %dma_start3A_359] : memref<5120x2x32xi32, #tpu.memory_space<hbm>> -> memref<1x2x32xi32, #tpu.memory_space<hbm>>
          %dma_start3A_361 = tpu.memref_squeeze %dma_start3A_360 : memref<1x2x32xi32, #tpu.memory_space<hbm>> -> memref<2x32xi32, #tpu.memory_space<hbm>>
          tpu.enqueue_dma source(%dma_start3A_361 : memref<2x32xi32, #tpu.memory_space<hbm>>) target(%dma_start3A_357 : memref<2x32xi32, #tpu.memory_space<vmem>>) target_semaphore(%arg15 : memref<!tpu.dma_semaphore, #tpu.memory_space<semaphore_mem>>)
        } else {
        }
        %scan3A_223 = arith.constant 0 : i32
        %scan3A_224 = arith.constant 0 : i32
        %scan3A_225 = arith.constant 32 : i32
        %scan3A_226 = arith.addi %scan3A_224, %scan3A_225 : i32
        %scan3A_227 = arith.constant 1 : i32
        scf.for %scan3A_340 = %scan3A_224 to %scan3A_226 step %scan3A_227  : i32 {
          %get3A_341 = arith.constant 0 : i32
          %get3A_342 = arith.index_cast %get3A_341 : i32 to index
          %get3A_343 = arith.index_cast %scan3A_340 : i32 to index
          %get3A_344 = arith.constant 0 : index
          %get3A_345 = tpu.vector_load %arg11[%get3A_342, %get3A_343, %get3A_344] {strides = array<i32>} : memref<2x32x128xf32, #tpu.memory_space<vmem>>, vector<1x1x16xf32>,
          %get3A_346 = vector.shape_cast %get3A_345 : vector<1x1x16xf32> to vector<16xf32>
          %get3A_347 = arith.constant 0 : i32
          %get3A_348 = arith.index_cast %get3A_347 : i32 to index
          %get3A_349 = arith.index_cast %scan3A_340 : i32 to index
          %get3A_350 = arith.constant 0 : index
          %get3A_351 = tpu.vector_load %arg12[%get3A_348, %get3A_349, %get3A_350] {strides = array<i32>} : memref<2x32x128xf32, #tpu.memory_space<vmem>>, vector<1x1x16xf32>,
          %get3A_352 = vector.shape_cast %get3A_351 : vector<1x1x16xf32> to vector<16xf32>
          %add3A_353 = arith.addf %get3A_346, %get3A_352 : vector<16xf32>
          %max3A = arith.constant 0.000000e+00 : f32
          %max3A_354 = vector.broadcast %max3A : f32 to vector<16xf32>
          %max3A_355 = arith.maximumf %add3A_353, %max3A_354 : vector<16xf32>
          %swap3A_356 = arith.constant 0 : i32
          %swap3A_357 = arith.index_cast %swap3A_356 : i32 to index
          %swap3A_358 = arith.index_cast %scan3A_340 : i32 to index
          %swap3A_359 = arith.constant 0 : index
          %swap3A_360 = tpu.vector_load %arg13[%swap3A_357, %swap3A_358, %swap3A_359] {strides = array<i32>} : memref<2x32x128xf32, #tpu.memory_space<vmem>>, vector<1x1x16xf32>,
          %swap3A_361 = vector.shape_cast %swap3A_360 : vector<1x1x16xf32> to vector<16xf32>
          %swap3A_362 = vector.shape_cast %max3A_355 : vector<16xf32> to vector<1x1x16xf32>
          tpu.vector_store %arg13[%swap3A_357, %swap3A_358, %swap3A_359], %swap3A_362 {strides = array<i32>} : memref<2x32x128xf32, #tpu.memory_space<vmem>>, vector<1x1x16xf32>,
          %get3A_363 = arith.constant 0 : i32
          %get3A_364 = arith.index_cast %get3A_363 : i32 to index
          %get3A_365 = arith.index_cast %scan3A_340 : i32 to index
          %get3A_366 = arith.constant 16 : index
          %get3A_367 = tpu.vector_load %arg11[%get3A_364, %get3A_365, %get3A_366] {strides = array<i32>} : memref<2x32x128xf32, #tpu.memory_space<vmem>>, vector<1x1x16xf32>,
          %get3A_368 = vector.shape_cast %get3A_367 : vector<1x1x16xf32> to vector<16xf32>
          %get3A_369 = arith.constant 0 : i32
          %get3A_370 = arith.index_cast %get3A_369 : i32 to index
          %get3A_371 = arith.index_cast %scan3A_340 : i32 to index
          %get3A_372 = arith.constant 16 : index
          %get3A_373 = tpu.vector_load %arg12[%get3A_370, %get3A_371, %get3A_372] {strides = array<i32>} : memref<2x32x128xf32, #tpu.memory_space<vmem>>, vector<1x1x16xf32>,
          %get3A_374 = vector.shape_cast %get3A_373 : vector<1x1x16xf32> to vector<16xf32>
          %add3A_375 = arith.addf %get3A_368, %get3A_374 : vector<16xf32>
          %max3A_376 = arith.constant 0.000000e+00 : f32
          %max3A_377 = vector.broadcast %max3A_376 : f32 to vector<16xf32>
          %max3A_378 = arith.maximumf %add3A_375, %max3A_377 : vector<16xf32>
          %swap3A_379 = arith.constant 0 : i32
          %swap3A_380 = arith.index_cast %swap3A_379 : i32 to index
          %swap3A_381 = arith.index_cast %scan3A_340 : i32 to index
          %swap3A_382 = arith.constant 16 : index
          %swap3A_383 = tpu.vector_load %arg13[%swap3A_380, %swap3A_381, %swap3A_382] {strides = array<i32>} : memref<2x32x128xf32, #tpu.memory_space<vmem>>, vector<1x1x16xf32>,
          %swap3A_384 = vector.shape_cast %swap3A_383 : vector<1x1x16xf32> to vector<16xf32>
          %swap3A_385 = vector.shape_cast %max3A_378 : vector<16xf32> to vector<1x1x16xf32>
          tpu.vector_store %arg13[%swap3A_380, %swap3A_381, %swap3A_382], %swap3A_385 {strides = array<i32>} : memref<2x32x128xf32, #tpu.memory_space<vmem>>, vector<1x1x16xf32>,
          %get3A_386 = arith.constant 0 : i32
          %get3A_387 = arith.index_cast %get3A_386 : i32 to index
          %get3A_388 = arith.index_cast %scan3A_340 : i32 to index
          %get3A_389 = arith.constant 32 : index
          %get3A_390 = tpu.vector_load %arg11[%get3A_387, %get3A_388, %get3A_389] {strides = array<i32>} : memref<2x32x128xf32, #tpu.memory_space<vmem>>, vector<1x1x16xf32>,
          %get3A_391 = vector.shape_cast %get3A_390 : vector<1x1x16xf32> to vector<16xf32>
          %get3A_392 = arith.constant 0 : i32
          %get3A_393 = arith.index_cast %get3A_392 : i32 to index
          %get3A_394 = arith.index_cast %scan3A_340 : i32 to index
          %get3A_395 = arith.constant 32 : index
          %get3A_396 = tpu.vector_load %arg12[%get3A_393, %get3A_394, %get3A_395] {strides = array<i32>} : memref<2x32x128xf32, #tpu.memory_space<vmem>>, vector<1x1x16xf32>,
          %get3A_397 = vector.shape_cast %get3A_396 : vector<1x1x16xf32> to vector<16xf32>
          %add3A_398 = arith.addf %get3A_391, %get3A_397 : vector<16xf32>
          %max3A_399 = arith.constant 0.000000e+00 : f32
          %max3A_400 = vector.broadcast %max3A_399 : f32 to vector<16xf32>
          %max3A_401 = arith.maximumf %add3A_398, %max3A_400 : vector<16xf32>
          %swap3A_402 = arith.constant 0 : i32
          %swap3A_403 = arith.index_cast %swap3A_402 : i32 to index
          %swap3A_404 = arith.index_cast %scan3A_340 : i32 to index
          %swap3A_405 = arith.constant 32 : index
          %swap3A_406 = tpu.vector_load %arg13[%swap3A_403, %swap3A_404, %swap3A_405] {strides = array<i32>} : memref<2x32x128xf32, #tpu.memory_space<vmem>>, vector<1x1x16xf32>,
          %swap3A_407 = vector.shape_cast %swap3A_406 : vector<1x1x16xf32> to vector<16xf32>
          %swap3A_408 = vector.shape_cast %max3A_401 : vector<16xf32> to vector<1x1x16xf32>
          tpu.vector_store %arg13[%swap3A_403, %swap3A_404, %swap3A_405], %swap3A_408 {strides = array<i32>} : memref<2x32x128xf32, #tpu.memory_space<vmem>>, vector<1x1x16xf32>,
          %get3A_409 = arith.constant 0 : i32
          %get3A_410 = arith.index_cast %get3A_409 : i32 to index
          %get3A_411 = arith.index_cast %scan3A_340 : i32 to index
          %get3A_412 = arith.constant 48 : index
          %get3A_413 = tpu.vector_load %arg11[%get3A_410, %get3A_411, %get3A_412] {strides = array<i32>} : memref<2x32x128xf32, #tpu.memory_space<vmem>>, vector<1x1x16xf32>,
          %get3A_414 = vector.shape_cast %get3A_413 : vector<1x1x16xf32> to vector<16xf32>
          %get3A_415 = arith.constant 0 : i32
          %get3A_416 = arith.index_cast %get3A_415 : i32 to index
          %get3A_417 = arith.index_cast %scan3A_340 : i32 to index
          %get3A_418 = arith.constant 48 : index
          %get3A_419 = tpu.vector_load %arg12[%get3A_416, %get3A_417, %get3A_418] {strides = array<i32>} : memref<2x32x128xf32, #tpu.memory_space<vmem>>, vector<1x1x16xf32>,
          %get3A_420 = vector.shape_cast %get3A_419 : vector<1x1x16xf32> to vector<16xf32>
          %add3A_421 = arith.addf %get3A_414, %get3A_420 : vector<16xf32>
          %max3A_422 = arith.constant 0.000000e+00 : f32
          %max3A_423 = vector.broadcast %max3A_422 : f32 to vector<16xf32>
          %max3A_424 = arith.maximumf %add3A_421, %max3A_423 : vector<16xf32>
          %swap3A_425 = arith.constant 0 : i32
          %swap3A_426 = arith.index_cast %swap3A_425 : i32 to index
          %swap3A_427 = arith.index_cast %scan3A_340 : i32 to index
          %swap3A_428 = arith.constant 48 : index
          %swap3A_429 = tpu.vector_load %arg13[%swap3A_426, %swap3A_427, %swap3A_428] {strides = array<i32>} : memref<2x32x128xf32, #tpu.memory_space<vmem>>, vector<1x1x16xf32>,
          %swap3A_430 = vector.shape_cast %swap3A_429 : vector<1x1x16xf32> to vector<16xf32>
          %swap3A_431 = vector.shape_cast %max3A_424 : vector<16xf32> to vector<1x1x16xf32>
          tpu.vector_store %arg13[%swap3A_426, %swap3A_427, %swap3A_428], %swap3A_431 {strides = array<i32>} : memref<2x32x128xf32, #tpu.memory_space<vmem>>, vector<1x1x16xf32>,
          %get3A_432 = arith.constant 0 : i32
          %get3A_433 = arith.index_cast %get3A_432 : i32 to index
          %get3A_434 = arith.index_cast %scan3A_340 : i32 to index
          %get3A_435 = arith.constant 64 : index
          %get3A_436 = tpu.vector_load %arg11[%get3A_433, %get3A_434, %get3A_435] {strides = array<i32>} : memref<2x32x128xf32, #tpu.memory_space<vmem>>, vector<1x1x16xf32>,
          %get3A_437 = vector.shape_cast %get3A_436 : vector<1x1x16xf32> to vector<16xf32>
          %get3A_438 = arith.constant 0 : i32
          %get3A_439 = arith.index_cast %get3A_438 : i32 to index
          %get3A_440 = arith.index_cast %scan3A_340 : i32 to index
          %get3A_441 = arith.constant 64 : index
          %get3A_442 = tpu.vector_load %arg12[%get3A_439, %get3A_440, %get3A_441] {strides = array<i32>} : memref<2x32x128xf32, #tpu.memory_space<vmem>>, vector<1x1x16xf32>,
          %get3A_443 = vector.shape_cast %get3A_442 : vector<1x1x16xf32> to vector<16xf32>
          %add3A_444 = arith.addf %get3A_437, %get3A_443 : vector<16xf32>
          %max3A_445 = arith.constant 0.000000e+00 : f32
          %max3A_446 = vector.broadcast %max3A_445 : f32 to vector<16xf32>
          %max3A_447 = arith.maximumf %add3A_444, %max3A_446 : vector<16xf32>
          %swap3A_448 = arith.constant 0 : i32
          %swap3A_449 = arith.index_cast %swap3A_448 : i32 to index
          %swap3A_450 = arith.index_cast %scan3A_340 : i32 to index
          %swap3A_451 = arith.constant 64 : index
          %swap3A_452 = tpu.vector_load %arg13[%swap3A_449, %swap3A_450, %swap3A_451] {strides = array<i32>} : memref<2x32x128xf32, #tpu.memory_space<vmem>>, vector<1x1x16xf32>,
          %swap3A_453 = vector.shape_cast %swap3A_452 : vector<1x1x16xf32> to vector<16xf32>
          %swap3A_454 = vector.shape_cast %max3A_447 : vector<16xf32> to vector<1x1x16xf32>
          tpu.vector_store %arg13[%swap3A_449, %swap3A_450, %swap3A_451], %swap3A_454 {strides = array<i32>} : memref<2x32x128xf32, #tpu.memory_space<vmem>>, vector<1x1x16xf32>,
          %get3A_455 = arith.constant 0 : i32
          %get3A_456 = arith.index_cast %get3A_455 : i32 to index
          %get3A_457 = arith.index_cast %scan3A_340 : i32 to index
          %get3A_458 = arith.constant 80 : index
          %get3A_459 = tpu.vector_load %arg11[%get3A_456, %get3A_457, %get3A_458] {strides = array<i32>} : memref<2x32x128xf32, #tpu.memory_space<vmem>>, vector<1x1x16xf32>,
          %get3A_460 = vector.shape_cast %get3A_459 : vector<1x1x16xf32> to vector<16xf32>
          %get3A_461 = arith.constant 0 : i32
          %get3A_462 = arith.index_cast %get3A_461 : i32 to index
          %get3A_463 = arith.index_cast %scan3A_340 : i32 to index
          %get3A_464 = arith.constant 80 : index
          %get3A_465 = tpu.vector_load %arg12[%get3A_462, %get3A_463, %get3A_464] {strides = array<i32>} : memref<2x32x128xf32, #tpu.memory_space<vmem>>, vector<1x1x16xf32>,
          %get3A_466 = vector.shape_cast %get3A_465 : vector<1x1x16xf32> to vector<16xf32>
          %add3A_467 = arith.addf %get3A_460, %get3A_466 : vector<16xf32>
          %max3A_468 = arith.constant 0.000000e+00 : f32
          %max3A_469 = vector.broadcast %max3A_468 : f32 to vector<16xf32>
          %max3A_470 = arith.maximumf %add3A_467, %max3A_469 : vector<16xf32>
          %swap3A_471 = arith.constant 0 : i32
          %swap3A_472 = arith.index_cast %swap3A_471 : i32 to index
          %swap3A_473 = arith.index_cast %scan3A_340 : i32 to index
          %swap3A_474 = arith.constant 80 : index
          %swap3A_475 = tpu.vector_load %arg13[%swap3A_472, %swap3A_473, %swap3A_474] {strides = array<i32>} : memref<2x32x128xf32, #tpu.memory_space<vmem>>, vector<1x1x16xf32>,
          %swap3A_476 = vector.shape_cast %swap3A_475 : vector<1x1x16xf32> to vector<16xf32>
          %swap3A_477 = vector.shape_cast %max3A_470 : vector<16xf32> to vector<1x1x16xf32>
          tpu.vector_store %arg13[%swap3A_472, %swap3A_473, %swap3A_474], %swap3A_477 {strides = array<i32>} : memref<2x32x128xf32, #tpu.memory_space<vmem>>, vector<1x1x16xf32>,
          %get3A_478 = arith.constant 0 : i32
          %get3A_479 = arith.index_cast %get3A_478 : i32 to index
          %get3A_480 = arith.index_cast %scan3A_340 : i32 to index
          %get3A_481 = arith.constant 96 : index
          %get3A_482 = tpu.vector_load %arg11[%get3A_479, %get3A_480, %get3A_481] {strides = array<i32>} : memref<2x32x128xf32, #tpu.memory_space<vmem>>, vector<1x1x16xf32>,
          %get3A_483 = vector.shape_cast %get3A_482 : vector<1x1x16xf32> to vector<16xf32>
          %get3A_484 = arith.constant 0 : i32
          %get3A_485 = arith.index_cast %get3A_484 : i32 to index
          %get3A_486 = arith.index_cast %scan3A_340 : i32 to index
          %get3A_487 = arith.constant 96 : index
          %get3A_488 = tpu.vector_load %arg12[%get3A_485, %get3A_486, %get3A_487] {strides = array<i32>} : memref<2x32x128xf32, #tpu.memory_space<vmem>>, vector<1x1x16xf32>,
          %get3A_489 = vector.shape_cast %get3A_488 : vector<1x1x16xf32> to vector<16xf32>
          %add3A_490 = arith.addf %get3A_483, %get3A_489 : vector<16xf32>
          %max3A_491 = arith.constant 0.000000e+00 : f32
          %max3A_492 = vector.broadcast %max3A_491 : f32 to vector<16xf32>
          %max3A_493 = arith.maximumf %add3A_490, %max3A_492 : vector<16xf32>
          %swap3A_494 = arith.constant 0 : i32
          %swap3A_495 = arith.index_cast %swap3A_494 : i32 to index
          %swap3A_496 = arith.index_cast %scan3A_340 : i32 to index
          %swap3A_497 = arith.constant 96 : index
          %swap3A_498 = tpu.vector_load %arg13[%swap3A_495, %swap3A_496, %swap3A_497] {strides = array<i32>} : memref<2x32x128xf32, #tpu.memory_space<vmem>>, vector<1x1x16xf32>,
          %swap3A_499 = vector.shape_cast %swap3A_498 : vector<1x1x16xf32> to vector<16xf32>
          %swap3A_500 = vector.shape_cast %max3A_493 : vector<16xf32> to vector<1x1x16xf32>
          tpu.vector_store %arg13[%swap3A_495, %swap3A_496, %swap3A_497], %swap3A_500 {strides = array<i32>} : memref<2x32x128xf32, #tpu.memory_space<vmem>>, vector<1x1x16xf32>,
          %get3A_501 = arith.constant 0 : i32
          %get3A_502 = arith.index_cast %get3A_501 : i32 to index
          %get3A_503 = arith.index_cast %scan3A_340 : i32 to index
          %get3A_504 = arith.constant 112 : index
          %get3A_505 = tpu.vector_load %arg11[%get3A_502, %get3A_503, %get3A_504] {strides = array<i32>} : memref<2x32x128xf32, #tpu.memory_space<vmem>>, vector<1x1x16xf32>,
          %get3A_506 = vector.shape_cast %get3A_505 : vector<1x1x16xf32> to vector<16xf32>
          %get3A_507 = arith.constant 0 : i32
          %get3A_508 = arith.index_cast %get3A_507 : i32 to index
          %get3A_509 = arith.index_cast %scan3A_340 : i32 to index
          %get3A_510 = arith.constant 112 : index
          %get3A_511 = tpu.vector_load %arg12[%get3A_508, %get3A_509, %get3A_510] {strides = array<i32>} : memref<2x32x128xf32, #tpu.memory_space<vmem>>, vector<1x1x16xf32>,
          %get3A_512 = vector.shape_cast %get3A_511 : vector<1x1x16xf32> to vector<16xf32>
          %add3A_513 = arith.addf %get3A_506, %get3A_512 : vector<16xf32>
          %max3A_514 = arith.constant 0.000000e+00 : f32
          %max3A_515 = vector.broadcast %max3A_514 : f32 to vector<16xf32>
          %max3A_516 = arith.maximumf %add3A_513, %max3A_515 : vector<16xf32>
          %swap3A_517 = arith.constant 0 : i32
          %swap3A_518 = arith.index_cast %swap3A_517 : i32 to index
          %swap3A_519 = arith.index_cast %scan3A_340 : i32 to index
          %swap3A_520 = arith.constant 112 : index
          %swap3A_521 = tpu.vector_load %arg13[%swap3A_518, %swap3A_519, %swap3A_520] {strides = array<i32>} : memref<2x32x128xf32, #tpu.memory_space<vmem>>, vector<1x1x16xf32>,
          %swap3A_522 = vector.shape_cast %swap3A_521 : vector<1x1x16xf32> to vector<16xf32>
          %swap3A_523 = vector.shape_cast %max3A_516 : vector<16xf32> to vector<1x1x16xf32>
          tpu.vector_store %arg13[%swap3A_518, %swap3A_519, %swap3A_520], %swap3A_523 {strides = array<i32>} : memref<2x32x128xf32, #tpu.memory_space<vmem>>, vector<1x1x16xf32>,
        }
        %scan3A_228 = arith.constant 32 : i32
        %dma_start3A_229 = arith.constant 0 : i32
        %dma_start3A_230 = arith.constant 0 : i32
        %dma_start3A_231 = arith.constant 0 : i32
        %dma_start3A_232 = arith.constant 0 : i32
        %dma_start3A_233 = tpu.memref_slice %arg13[%dma_start3A_229, %dma_start3A_231, %dma_start3A_232] : memref<2x32x128xf32, #tpu.memory_space<vmem>> -> memref<1x32x128xf32, #tpu.memory_space<vmem>>
        %dma_start3A_234 = tpu.memref_squeeze %dma_start3A_233 : memref<1x32x128xf32, #tpu.memory_space<vmem>> -> memref<32x128xf32, #tpu.memory_space<vmem>>
        %dma_start3A_235 = arith.constant 0 : i32
        %dma_start3A_236 = tpu.memref_slice %arg10[%dma_start3A_230, %dma_start3A_235] : memref<2x32xi32, #tpu.memory_space<vmem>> -> memref<1x32xi32, #tpu.memory_space<vmem>>
        %dma_start3A_237 = tpu.memref_squeeze %dma_start3A_236 : memref<1x32xi32, #tpu.memory_space<vmem>> -> memref<32xi32, #tpu.memory_space<vmem>>
        %dma_start3A_238 = arith.constant 0 : i32
        %dma_start3A_239 = arith.constant 0 : i32
        %dma_start3A_240 = tpu.memref_slice %arg14[%dma_start3A_238, %dma_start3A_239] : memref<10240x128xf32, #tpu.memory_space<vmem_shared>> -> memref<10240x128xf32, #tpu.memory_space<vmem_shared>>
        tpu.enqueue_indirect_dma source(%dma_start3A_234 : memref<32x128xf32, #tpu.memory_space<vmem>>) target(%dma_start3A_240 : memref<10240x128xf32, #tpu.memory_space<vmem_shared>>) offsets(%dma_start3A_237 : memref<32xi32, #tpu.memory_space<vmem>>) semaphore(%arg18 : memref<!tpu.dma_semaphore, #tpu.memory_space<semaphore_mem>>) {add = true}
        %mul3A_241 = arith.constant 2 : i32
        %mul3A_242 = arith.muli %mul3A_241, %scan3A_144 : i32
        %add3A_243 = arith.constant 1 : i32
        %add3A_244 = arith.addi %mul3A_242, %add3A_243 : i32
        %dma_wait3A_245 = arith.constant 1 : i32
        %dma_wait3A_246 = arith.constant 0 : i32
        %dma_wait3A_247 = arith.constant 1 : i32
        %dma_wait3A_248 = arith.constant 0 : i32
        %dma_wait3A_249 = arith.constant 0 : i32
        %dma_wait3A_250 = tpu.memref_slice %arg11[%dma_wait3A_247, %dma_wait3A_248, %dma_wait3A_249] : memref<2x32x128xf32, #tpu.memory_space<vmem>> -> memref<1x32x128xf32, #tpu.memory_space<vmem>>
        %dma_wait3A_251 = tpu.memref_squeeze %dma_wait3A_250 : memref<1x32x128xf32, #tpu.memory_space<vmem>> -> memref<32x128xf32, #tpu.memory_space<vmem>>
        %dma_wait3A_252 = arith.constant 0 : i32
        %dma_wait3A_253 = tpu.memref_slice %arg9[%dma_wait3A_245, %dma_wait3A_246, %dma_wait3A_252] : memref<2x2x32xi32, #tpu.memory_space<vmem>> -> memref<1x1x32xi32, #tpu.memory_space<vmem>>
        %dma_wait3A_254 = tpu.memref_squeeze %dma_wait3A_253 : memref<1x1x32xi32, #tpu.memory_space<vmem>> -> memref<32xi32, #tpu.memory_space<vmem>>
        %dma_wait3A_255 = arith.constant 0 : i32
        %dma_wait3A_256 = arith.constant 0 : i32
        %dma_wait3A_257 = tpu.memref_slice %arg3[%dma_wait3A_255, %dma_wait3A_256] : memref<10000x128xf32, #tpu.memory_space<hbm>> -> memref<10000x128xf32, #tpu.memory_space<hbm>>
        tpu.wait_indirect_dma semaphore(%arg16 : memref<!tpu.dma_semaphore, #tpu.memory_space<semaphore_mem>>) src(%dma_wait3A_257 : memref<10000x128xf32, #tpu.memory_space<hbm>>) dst(%dma_wait3A_251 : memref<32x128xf32, #tpu.memory_space<vmem>>)
        %mul3A_258 = arith.constant 10240 : i32
        %mul3A_259 = arith.muli %arg1, %mul3A_258 : i32
        %mul3A_260 = arith.constant 32 : i32
        %mul3A_261 = arith.muli %add3A_244, %mul3A_260 : i32
        %add3A_262 = arith.addi %mul3A_259, %mul3A_261 : i32
        %multiple_of3A_263 = tpu.assume_multiple %add3A_262, 8 : i32
        %dma_wait3A_264 = arith.constant 1 : i32
        %dma_wait3A_265 = arith.constant 0 : i32
        %dma_wait3A_266 = arith.constant 0 : i32
        %dma_wait3A_267 = tpu.memref_slice %arg12[%dma_wait3A_264, %dma_wait3A_265, %dma_wait3A_266] : memref<2x32x128xf32, #tpu.memory_space<vmem>> -> memref<1x32x128xf32, #tpu.memory_space<vmem>>
        %dma_wait3A_268 = tpu.memref_squeeze %dma_wait3A_267 : memref<1x32x128xf32, #tpu.memory_space<vmem>> -> memref<32x128xf32, #tpu.memory_space<vmem>>
        %dma_wait3A_269 = arith.constant 0 : i32
        %dma_wait3A_270 = tpu.memref_slice %arg5[%multiple_of3A_263, %dma_wait3A_269] : memref<163840x128xf32, #tpu.memory_space<hbm>> -> memref<32x128xf32, #tpu.memory_space<hbm>>
        %dma_wait3A_271 = arith.constant 0 : i32
        %dma_wait3A_272 = arith.constant 0 : i32
        %dma_wait3A_273 = tpu.memref_slice %arg12[%dma_wait3A_264, %dma_wait3A_271, %dma_wait3A_272] : memref<2x32x128xf32, #tpu.memory_space<vmem>> -> memref<1x32x128xf32, #tpu.memory_space<vmem>>
        %dma_wait3A_274 = tpu.memref_squeeze %dma_wait3A_273 : memref<1x32x128xf32, #tpu.memory_space<vmem>> -> memref<32x128xf32, #tpu.memory_space<vmem>>
        %dma_wait3A_275 = arith.constant 0 : i32
        %dma_wait3A_276 = tpu.memref_slice %arg5[%multiple_of3A_263, %dma_wait3A_275] : memref<163840x128xf32, #tpu.memory_space<hbm>> -> memref<32x128xf32, #tpu.memory_space<hbm>>
        tpu.wait_dma2 semaphore(%arg17 : memref<!tpu.dma_semaphore, #tpu.memory_space<semaphore_mem>>) src(%dma_wait3A_276 : memref<32x128xf32, #tpu.memory_space<hbm>>) dst(%dma_wait3A_274 : memref<32x128xf32, #tpu.memory_space<vmem>>)
        %ge3A_277 = arith.constant 2 : i32
        %ge3A_278 = arith.cmpi sge, %add3A_244, %ge3A_277 : i32
        %convert_element_type3A_279 = arith.extui %ge3A_278 : i1 to i32
        %cond3A_280 = arith.constant 0 : i32
        %cond3A_281 = arith.cmpi ne, %convert_element_type3A_279, %cond3A_280 : i32
        scf.if %cond3A_281 {
          %sub3A = arith.constant 2 : i32
          %sub3A_340 = arith.subi %add3A_244, %sub3A : i32
          %dma_wait3A_341 = arith.constant 1 : i32
          %dma_wait3A_342 = arith.constant 1 : i32
          %dma_wait3A_343 = arith.constant 0 : i32
          %dma_wait3A_344 = arith.constant 0 : i32
          %dma_wait3A_345 = tpu.memref_slice %arg13[%dma_wait3A_341, %dma_wait3A_343, %dma_wait3A_344] : memref<2x32x128xf32, #tpu.memory_space<vmem>> -> memref<1x32x128xf32, #tpu.memory_space<vmem>>
          %dma_wait3A_346 = tpu.memref_squeeze %dma_wait3A_345 : memref<1x32x128xf32, #tpu.memory_space<vmem>> -> memref<32x128xf32, #tpu.memory_space<vmem>>
          %dma_wait3A_347 = arith.constant 0 : i32
          %dma_wait3A_348 = tpu.memref_slice %arg10[%dma_wait3A_342, %dma_wait3A_347] : memref<2x32xi32, #tpu.memory_space<vmem>> -> memref<1x32xi32, #tpu.memory_space<vmem>>
          %dma_wait3A_349 = tpu.memref_squeeze %dma_wait3A_348 : memref<1x32xi32, #tpu.memory_space<vmem>> -> memref<32xi32, #tpu.memory_space<vmem>>
          %dma_wait3A_350 = arith.constant 0 : i32
          %dma_wait3A_351 = arith.constant 0 : i32
          %dma_wait3A_352 = tpu.memref_slice %arg14[%dma_wait3A_350, %dma_wait3A_351] : memref<10240x128xf32, #tpu.memory_space<vmem_shared>> -> memref<10240x128xf32, #tpu.memory_space<vmem_shared>>
          tpu.wait_indirect_dma semaphore(%arg19 : memref<!tpu.dma_semaphore, #tpu.memory_space<semaphore_mem>>) src(%dma_wait3A_346 : memref<32x128xf32, #tpu.memory_space<vmem>>) dst(%dma_wait3A_352 : memref<10240x128xf32, #tpu.memory_space<vmem_shared>>)
        } else {
        }
        %add3A_282 = arith.constant 1 : i32
        %add3A_283 = arith.addi %add3A_244, %add3A_282 : i32
        %lt3A_284 = arith.constant 320 : i32
        %lt3A_285 = arith.cmpi slt, %add3A_283, %lt3A_284 : i32
        %convert_element_type3A_286 = arith.extui %lt3A_285 : i1 to i32
        %cond3A_287 = arith.constant 0 : i32
        %cond3A_288 = arith.cmpi ne, %convert_element_type3A_286, %cond3A_287 : i32
        scf.if %cond3A_288 {
          %add3A_340 = arith.constant 1 : i32
          %add3A_341 = arith.addi %add3A_244, %add3A_340 : i32
          %mul3A_342 = arith.constant 320 : i32
          %mul3A_343 = arith.muli %arg1, %mul3A_342 : i32
          %add3A_344 = arith.addi %mul3A_343, %add3A_341 : i32
          %dma_wait3A_345 = arith.constant 0 : i32
          %dma_wait3A_346 = arith.constant 0 : i32
          %dma_wait3A_347 = arith.constant 0 : i32
          %dma_wait3A_348 = tpu.memref_slice %arg9[%dma_wait3A_345, %dma_wait3A_346, %dma_wait3A_347] : memref<2x2x32xi32, #tpu.memory_space<vmem>> -> memref<1x2x32xi32, #tpu.memory_space<vmem>>
          %dma_wait3A_349 = tpu.memref_squeeze %dma_wait3A_348 : memref<1x2x32xi32, #tpu.memory_space<vmem>> -> memref<2x32xi32, #tpu.memory_space<vmem>>
          %dma_wait3A_350 = arith.constant 0 : i32
          %dma_wait3A_351 = arith.constant 0 : i32
          %dma_wait3A_352 = tpu.memref_slice %arg6[%add3A_344, %dma_wait3A_350, %dma_wait3A_351] : memref<5120x2x32xi32, #tpu.memory_space<hbm>> -> memref<1x2x32xi32, #tpu.memory_space<hbm>>
          %dma_wait3A_353 = tpu.memref_squeeze %dma_wait3A_352 : memref<1x2x32xi32, #tpu.memory_space<hbm>> -> memref<2x32xi32, #tpu.memory_space<hbm>>
          %dma_wait3A_354 = arith.constant 0 : i32
          %dma_wait3A_355 = arith.constant 0 : i32
          %dma_wait3A_356 = tpu.memref_slice %arg9[%dma_wait3A_345, %dma_wait3A_354, %dma_wait3A_355] : memref<2x2x32xi32, #tpu.memory_space<vmem>> -> memref<1x2x32xi32, #tpu.memory_space<vmem>>
          %dma_wait3A_357 = tpu.memref_squeeze %dma_wait3A_356 : memref<1x2x32xi32, #tpu.memory_space<vmem>> -> memref<2x32xi32, #tpu.memory_space<vmem>>
          %dma_wait3A_358 = arith.constant 0 : i32
          %dma_wait3A_359 = arith.constant 0 : i32
          %dma_wait3A_360 = tpu.memref_slice %arg6[%add3A_344, %dma_wait3A_358, %dma_wait3A_359] : memref<5120x2x32xi32, #tpu.memory_space<hbm>> -> memref<1x2x32xi32, #tpu.memory_space<hbm>>
          %dma_wait3A_361 = tpu.memref_squeeze %dma_wait3A_360 : memref<1x2x32xi32, #tpu.memory_space<hbm>> -> memref<2x32xi32, #tpu.memory_space<hbm>>
          tpu.wait_dma2 semaphore(%arg15 : memref<!tpu.dma_semaphore, #tpu.memory_space<semaphore_mem>>) src(%dma_wait3A_361 : memref<2x32xi32, #tpu.memory_space<hbm>>) dst(%dma_wait3A_357 : memref<2x32xi32, #tpu.memory_space<vmem>>)
          %add3A_362 = arith.constant 1 : i32
          %add3A_363 = arith.addi %add3A_244, %add3A_362 : i32
          %dma_start3A_364 = arith.constant 0 : i32
          %dma_start3A_365 = arith.constant 0 : i32
          %dma_start3A_366 = arith.constant 0 : i32
          %dma_start3A_367 = arith.constant 0 : i32
          %dma_start3A_368 = arith.constant 0 : i32
          %dma_start3A_369 = tpu.memref_slice %arg11[%dma_start3A_366, %dma_start3A_367, %dma_start3A_368] : memref<2x32x128xf32, #tpu.memory_space<vmem>> -> memref<1x32x128xf32, #tpu.memory_space<vmem>>
          %dma_start3A_370 = tpu.memref_squeeze %dma_start3A_369 : memref<1x32x128xf32, #tpu.memory_space<vmem>> -> memref<32x128xf32, #tpu.memory_space<vmem>>
          %dma_start3A_371 = arith.constant 0 : i32
          %dma_start3A_372 = tpu.memref_slice %arg9[%dma_start3A_364, %dma_start3A_365, %dma_start3A_371] : memref<2x2x32xi32, #tpu.memory_space<vmem>> -> memref<1x1x32xi32, #tpu.memory_space<vmem>>
          %dma_start3A_373 = tpu.memref_squeeze %dma_start3A_372 : memref<1x1x32xi32, #tpu.memory_space<vmem>> -> memref<32xi32, #tpu.memory_space<vmem>>
          %dma_start3A_374 = arith.constant 0 : i32
          %dma_start3A_375 = arith.constant 0 : i32
          %dma_start3A_376 = tpu.memref_slice %arg3[%dma_start3A_374, %dma_start3A_375] : memref<10000x128xf32, #tpu.memory_space<hbm>> -> memref<10000x128xf32, #tpu.memory_space<hbm>>
          tpu.enqueue_indirect_dma source(%dma_start3A_376 : memref<10000x128xf32, #tpu.memory_space<hbm>>) target(%dma_start3A_370 : memref<32x128xf32, #tpu.memory_space<vmem>>) offsets(%dma_start3A_373 : memref<32xi32, #tpu.memory_space<vmem>>) semaphore(%arg16 : memref<!tpu.dma_semaphore, #tpu.memory_space<semaphore_mem>>)
          %add3A_377 = arith.constant 1 : i32
          %add3A_378 = arith.addi %add3A_244, %add3A_377 : i32
          %mul3A_379 = arith.constant 10240 : i32
          %mul3A_380 = arith.muli %arg1, %mul3A_379 : i32
          %mul3A_381 = arith.constant 32 : i32
          %mul3A_382 = arith.muli %add3A_378, %mul3A_381 : i32
          %add3A_383 = arith.addi %mul3A_380, %mul3A_382 : i32
          %multiple_of3A_384 = tpu.assume_multiple %add3A_383, 8 : i32
          %dma_start3A_385 = arith.constant 0 : i32
          %dma_start3A_386 = arith.constant 0 : i32
          %dma_start3A_387 = arith.constant 0 : i32
          %dma_start3A_388 = tpu.memref_slice %arg12[%dma_start3A_385, %dma_start3A_386, %dma_start3A_387] : memref<2x32x128xf32, #tpu.memory_space<vmem>> -> memref<1x32x128xf32, #tpu.memory_space<vmem>>
          %dma_start3A_389 = tpu.memref_squeeze %dma_start3A_388 : memref<1x32x128xf32, #tpu.memory_space<vmem>> -> memref<32x128xf32, #tpu.memory_space<vmem>>
          %dma_start3A_390 = arith.constant 0 : i32
          %dma_start3A_391 = tpu.memref_slice %arg5[%multiple_of3A_384, %dma_start3A_390] : memref<163840x128xf32, #tpu.memory_space<hbm>> -> memref<32x128xf32, #tpu.memory_space<hbm>>
          %dma_start3A_392 = arith.constant 0 : i32
          %dma_start3A_393 = arith.constant 0 : i32
          %dma_start3A_394 = tpu.memref_slice %arg12[%dma_start3A_385, %dma_start3A_392, %dma_start3A_393] : memref<2x32x128xf32, #tpu.memory_space<vmem>> -> memref<1x32x128xf32, #tpu.memory_space<vmem>>
          %dma_start3A_395 = tpu.memref_squeeze %dma_start3A_394 : memref<1x32x128xf32, #tpu.memory_space<vmem>> -> memref<32x128xf32, #tpu.memory_space<vmem>>
          %dma_start3A_396 = arith.constant 0 : i32
          %dma_start3A_397 = tpu.memref_slice %arg5[%multiple_of3A_384, %dma_start3A_396] : memref<163840x128xf32, #tpu.memory_space<hbm>> -> memref<32x128xf32, #tpu.memory_space<hbm>>
          tpu.enqueue_dma source(%dma_start3A_397 : memref<32x128xf32, #tpu.memory_space<hbm>>) target(%dma_start3A_395 : memref<32x128xf32, #tpu.memory_space<vmem>>) target_semaphore(%arg17 : memref<!tpu.dma_semaphore, #tpu.memory_space<semaphore_mem>>)
        } else {
        }
        %get3A_289 = arith.constant 1 : i32
        %get3A_290 = arith.constant 1 : i32
        %get3A_291 = arith.index_cast %get3A_289 : i32 to index
        %get3A_292 = arith.index_cast %get3A_290 : i32 to index
        %get3A_293 = arith.constant 0 : index
        %get3A_294 = tpu.vector_load %arg9[%get3A_291, %get3A_292, %get3A_293] {strides = array<i32>} : memref<2x2x32xi32, #tpu.memory_space<vmem>>, vector<1x1x16xi32>,
        %get3A_295 = vector.shape_cast %get3A_294 : vector<1x1x16xi32> to vector<16xi32>
        %swap3A_296 = arith.constant 1 : i32
        %swap3A_297 = arith.index_cast %swap3A_296 : i32 to index
        %swap3A_298 = arith.constant 0 : index
        %swap3A_299 = tpu.vector_load %arg10[%swap3A_297, %swap3A_298] {strides = array<i32>} : memref<2x32xi32, #tpu.memory_space<vmem>>, vector<1x16xi32>,
        %swap3A_300 = vector.shape_cast %swap3A_299 : vector<1x16xi32> to vector<16xi32>
        %swap3A_301 = vector.shape_cast %get3A_295 : vector<16xi32> to vector<1x16xi32>
        tpu.vector_store %arg10[%swap3A_297, %swap3A_298], %swap3A_301 {strides = array<i32>} : memref<2x32xi32, #tpu.memory_space<vmem>>, vector<1x16xi32>,
        %get3A_302 = arith.constant 1 : i32
        %get3A_303 = arith.constant 1 : i32
        %get3A_304 = arith.index_cast %get3A_302 : i32 to index
        %get3A_305 = arith.index_cast %get3A_303 : i32 to index
        %get3A_306 = arith.constant 16 : index
        %get3A_307 = tpu.vector_load %arg9[%get3A_304, %get3A_305, %get3A_306] {strides = array<i32>} : memref<2x2x32xi32, #tpu.memory_space<vmem>>, vector<1x1x16xi32>,
        %get3A_308 = vector.shape_cast %get3A_307 : vector<1x1x16xi32> to vector<16xi32>
        %swap3A_309 = arith.constant 1 : i32
        %swap3A_310 = arith.index_cast %swap3A_309 : i32 to index
        %swap3A_311 = arith.constant 16 : index
        %swap3A_312 = tpu.vector_load %arg10[%swap3A_310, %swap3A_311] {strides = array<i32>} : memref<2x32xi32, #tpu.memory_space<vmem>>, vector<1x16xi32>,
        %swap3A_313 = vector.shape_cast %swap3A_312 : vector<1x16xi32> to vector<16xi32>
        %swap3A_314 = vector.shape_cast %get3A_308 : vector<16xi32> to vector<1x16xi32>
        tpu.vector_store %arg10[%swap3A_310, %swap3A_311], %swap3A_314 {strides = array<i32>} : memref<2x32xi32, #tpu.memory_space<vmem>>, vector<1x16xi32>,
        %add3A_315 = arith.constant 2 : i32
        %add3A_316 = arith.addi %add3A_244, %add3A_315 : i32
        %lt3A_317 = arith.constant 320 : i32
        %lt3A_318 = arith.cmpi slt, %add3A_316, %lt3A_317 : i32
        %convert_element_type3A_319 = arith.extui %lt3A_318 : i1 to i32
        %cond3A_320 = arith.constant 0 : i32
        %cond3A_321 = arith.cmpi ne, %convert_element_type3A_319, %cond3A_320 : i32
        scf.if %cond3A_321 {
          %add3A_340 = arith.constant 2 : i32
          %add3A_341 = arith.addi %add3A_244, %add3A_340 : i32
          %mul3A_342 = arith.constant 320 : i32
          %mul3A_343 = arith.muli %arg1, %mul3A_342 : i32
          %add3A_344 = arith.addi %mul3A_343, %add3A_341 : i32
          %dma_start3A_345 = arith.constant 1 : i32
          %dma_start3A_346 = arith.constant 0 : i32
          %dma_start3A_347 = arith.constant 0 : i32
          %dma_start3A_348 = tpu.memref_slice %arg9[%dma_start3A_345, %dma_start3A_346, %dma_start3A_347] : memref<2x2x32xi32, #tpu.memory_space<vmem>> -> memref<1x2x32xi32, #tpu.memory_space<vmem>>
          %dma_start3A_349 = tpu.memref_squeeze %dma_start3A_348 : memref<1x2x32xi32, #tpu.memory_space<vmem>> -> memref<2x32xi32, #tpu.memory_space<vmem>>
          %dma_start3A_350 = arith.constant 0 : i32
          %dma_start3A_351 = arith.constant 0 : i32
          %dma_start3A_352 = tpu.memref_slice %arg6[%add3A_344, %dma_start3A_350, %dma_start3A_351] : memref<5120x2x32xi32, #tpu.memory_space<hbm>> -> memref<1x2x32xi32, #tpu.memory_space<hbm>>
          %dma_start3A_353 = tpu.memref_squeeze %dma_start3A_352 : memref<1x2x32xi32, #tpu.memory_space<hbm>> -> memref<2x32xi32, #tpu.memory_space<hbm>>
          %dma_start3A_354 = arith.constant 0 : i32
          %dma_start3A_355 = arith.constant 0 : i32
          %dma_start3A_356 = tpu.memref_slice %arg9[%dma_start3A_345, %dma_start3A_354, %dma_start3A_355] : memref<2x2x32xi32, #tpu.memory_space<vmem>> -> memref<1x2x32xi32, #tpu.memory_space<vmem>>
          %dma_start3A_357 = tpu.memref_squeeze %dma_start3A_356 : memref<1x2x32xi32, #tpu.memory_space<vmem>> -> memref<2x32xi32, #tpu.memory_space<vmem>>
          %dma_start3A_358 = arith.constant 0 : i32
          %dma_start3A_359 = arith.constant 0 : i32
          %dma_start3A_360 = tpu.memref_slice %arg6[%add3A_344, %dma_start3A_358, %dma_start3A_359] : memref<5120x2x32xi32, #tpu.memory_space<hbm>> -> memref<1x2x32xi32, #tpu.memory_space<hbm>>
          %dma_start3A_361 = tpu.memref_squeeze %dma_start3A_360 : memref<1x2x32xi32, #tpu.memory_space<hbm>> -> memref<2x32xi32, #tpu.memory_space<hbm>>
          tpu.enqueue_dma source(%dma_start3A_361 : memref<2x32xi32, #tpu.memory_space<hbm>>) target(%dma_start3A_357 : memref<2x32xi32, #tpu.memory_space<vmem>>) target_semaphore(%arg15 : memref<!tpu.dma_semaphore, #tpu.memory_space<semaphore_mem>>)
        } else {
        }
        %scan3A_322 = arith.constant 0 : i32
        %scan3A_323 = arith.constant 0 : i32
        %scan3A_324 = arith.constant 32 : i32
        %scan3A_325 = arith.addi %scan3A_323, %scan3A_324 : i32
        %scan3A_326 = arith.constant 1 : i32
        scf.for %scan3A_340 = %scan3A_323 to %scan3A_325 step %scan3A_326  : i32 {
          %get3A_341 = arith.constant 1 : i32
          %get3A_342 = arith.index_cast %get3A_341 : i32 to index
          %get3A_343 = arith.index_cast %scan3A_340 : i32 to index
          %get3A_344 = arith.constant 0 : index
          %get3A_345 = tpu.vector_load %arg11[%get3A_342, %get3A_343, %get3A_344] {strides = array<i32>} : memref<2x32x128xf32, #tpu.memory_space<vmem>>, vector<1x1x16xf32>,
          %get3A_346 = vector.shape_cast %get3A_345 : vector<1x1x16xf32> to vector<16xf32>
          %get3A_347 = arith.constant 1 : i32
          %get3A_348 = arith.index_cast %get3A_347 : i32 to index
          %get3A_349 = arith.index_cast %scan3A_340 : i32 to index
          %get3A_350 = arith.constant 0 : index
          %get3A_351 = tpu.vector_load %arg12[%get3A_348, %get3A_349, %get3A_350] {strides = array<i32>} : memref<2x32x128xf32, #tpu.memory_space<vmem>>, vector<1x1x16xf32>,
          %get3A_352 = vector.shape_cast %get3A_351 : vector<1x1x16xf32> to vector<16xf32>
          %add3A_353 = arith.addf %get3A_346, %get3A_352 : vector<16xf32>
          %max3A = arith.constant 0.000000e+00 : f32
          %max3A_354 = vector.broadcast %max3A : f32 to vector<16xf32>
          %max3A_355 = arith.maximumf %add3A_353, %max3A_354 : vector<16xf32>
          %swap3A_356 = arith.constant 1 : i32
          %swap3A_357 = arith.index_cast %swap3A_356 : i32 to index
          %swap3A_358 = arith.index_cast %scan3A_340 : i32 to index
          %swap3A_359 = arith.constant 0 : index
          %swap3A_360 = tpu.vector_load %arg13[%swap3A_357, %swap3A_358, %swap3A_359] {strides = array<i32>} : memref<2x32x128xf32, #tpu.memory_space<vmem>>, vector<1x1x16xf32>,
          %swap3A_361 = vector.shape_cast %swap3A_360 : vector<1x1x16xf32> to vector<16xf32>
          %swap3A_362 = vector.shape_cast %max3A_355 : vector<16xf32> to vector<1x1x16xf32>
          tpu.vector_store %arg13[%swap3A_357, %swap3A_358, %swap3A_359], %swap3A_362 {strides = array<i32>} : memref<2x32x128xf32, #tpu.memory_space<vmem>>, vector<1x1x16xf32>,
          %get3A_363 = arith.constant 1 : i32
          %get3A_364 = arith.index_cast %get3A_363 : i32 to index
          %get3A_365 = arith.index_cast %scan3A_340 : i32 to index
          %get3A_366 = arith.constant 16 : index
          %get3A_367 = tpu.vector_load %arg11[%get3A_364, %get3A_365, %get3A_366] {strides = array<i32>} : memref<2x32x128xf32, #tpu.memory_space<vmem>>, vector<1x1x16xf32>,
          %get3A_368 = vector.shape_cast %get3A_367 : vector<1x1x16xf32> to vector<16xf32>
          %get3A_369 = arith.constant 1 : i32
          %get3A_370 = arith.index_cast %get3A_369 : i32 to index
          %get3A_371 = arith.index_cast %scan3A_340 : i32 to index
          %get3A_372 = arith.constant 16 : index
          %get3A_373 = tpu.vector_load %arg12[%get3A_370, %get3A_371, %get3A_372] {strides = array<i32>} : memref<2x32x128xf32, #tpu.memory_space<vmem>>, vector<1x1x16xf32>,
          %get3A_374 = vector.shape_cast %get3A_373 : vector<1x1x16xf32> to vector<16xf32>
          %add3A_375 = arith.addf %get3A_368, %get3A_374 : vector<16xf32>
          %max3A_376 = arith.constant 0.000000e+00 : f32
          %max3A_377 = vector.broadcast %max3A_376 : f32 to vector<16xf32>
          %max3A_378 = arith.maximumf %add3A_375, %max3A_377 : vector<16xf32>
          %swap3A_379 = arith.constant 1 : i32
          %swap3A_380 = arith.index_cast %swap3A_379 : i32 to index
          %swap3A_381 = arith.index_cast %scan3A_340 : i32 to index
          %swap3A_382 = arith.constant 16 : index
          %swap3A_383 = tpu.vector_load %arg13[%swap3A_380, %swap3A_381, %swap3A_382] {strides = array<i32>} : memref<2x32x128xf32, #tpu.memory_space<vmem>>, vector<1x1x16xf32>,
          %swap3A_384 = vector.shape_cast %swap3A_383 : vector<1x1x16xf32> to vector<16xf32>
          %swap3A_385 = vector.shape_cast %max3A_378 : vector<16xf32> to vector<1x1x16xf32>
          tpu.vector_store %arg13[%swap3A_380, %swap3A_381, %swap3A_382], %swap3A_385 {strides = array<i32>} : memref<2x32x128xf32, #tpu.memory_space<vmem>>, vector<1x1x16xf32>,
          %get3A_386 = arith.constant 1 : i32
          %get3A_387 = arith.index_cast %get3A_386 : i32 to index
          %get3A_388 = arith.index_cast %scan3A_340 : i32 to index
          %get3A_389 = arith.constant 32 : index
          %get3A_390 = tpu.vector_load %arg11[%get3A_387, %get3A_388, %get3A_389] {strides = array<i32>} : memref<2x32x128xf32, #tpu.memory_space<vmem>>, vector<1x1x16xf32>,
          %get3A_391 = vector.shape_cast %get3A_390 : vector<1x1x16xf32> to vector<16xf32>
          %get3A_392 = arith.constant 1 : i32
          %get3A_393 = arith.index_cast %get3A_392 : i32 to index
          %get3A_394 = arith.index_cast %scan3A_340 : i32 to index
          %get3A_395 = arith.constant 32 : index
          %get3A_396 = tpu.vector_load %arg12[%get3A_393, %get3A_394, %get3A_395] {strides = array<i32>} : memref<2x32x128xf32, #tpu.memory_space<vmem>>, vector<1x1x16xf32>,
          %get3A_397 = vector.shape_cast %get3A_396 : vector<1x1x16xf32> to vector<16xf32>
          %add3A_398 = arith.addf %get3A_391, %get3A_397 : vector<16xf32>
          %max3A_399 = arith.constant 0.000000e+00 : f32
          %max3A_400 = vector.broadcast %max3A_399 : f32 to vector<16xf32>
          %max3A_401 = arith.maximumf %add3A_398, %max3A_400 : vector<16xf32>
          %swap3A_402 = arith.constant 1 : i32
          %swap3A_403 = arith.index_cast %swap3A_402 : i32 to index
          %swap3A_404 = arith.index_cast %scan3A_340 : i32 to index
          %swap3A_405 = arith.constant 32 : index
          %swap3A_406 = tpu.vector_load %arg13[%swap3A_403, %swap3A_404, %swap3A_405] {strides = array<i32>} : memref<2x32x128xf32, #tpu.memory_space<vmem>>, vector<1x1x16xf32>,
          %swap3A_407 = vector.shape_cast %swap3A_406 : vector<1x1x16xf32> to vector<16xf32>
          %swap3A_408 = vector.shape_cast %max3A_401 : vector<16xf32> to vector<1x1x16xf32>
          tpu.vector_store %arg13[%swap3A_403, %swap3A_404, %swap3A_405], %swap3A_408 {strides = array<i32>} : memref<2x32x128xf32, #tpu.memory_space<vmem>>, vector<1x1x16xf32>,
          %get3A_409 = arith.constant 1 : i32
          %get3A_410 = arith.index_cast %get3A_409 : i32 to index
          %get3A_411 = arith.index_cast %scan3A_340 : i32 to index
          %get3A_412 = arith.constant 48 : index
          %get3A_413 = tpu.vector_load %arg11[%get3A_410, %get3A_411, %get3A_412] {strides = array<i32>} : memref<2x32x128xf32, #tpu.memory_space<vmem>>, vector<1x1x16xf32>,
          %get3A_414 = vector.shape_cast %get3A_413 : vector<1x1x16xf32> to vector<16xf32>
          %get3A_415 = arith.constant 1 : i32
          %get3A_416 = arith.index_cast %get3A_415 : i32 to index
          %get3A_417 = arith.index_cast %scan3A_340 : i32 to index
          %get3A_418 = arith.constant 48 : index
          %get3A_419 = tpu.vector_load %arg12[%get3A_416, %get3A_417, %get3A_418] {strides = array<i32>} : memref<2x32x128xf32, #tpu.memory_space<vmem>>, vector<1x1x16xf32>,
          %get3A_420 = vector.shape_cast %get3A_419 : vector<1x1x16xf32> to vector<16xf32>
          %add3A_421 = arith.addf %get3A_414, %get3A_420 : vector<16xf32>
          %max3A_422 = arith.constant 0.000000e+00 : f32
          %max3A_423 = vector.broadcast %max3A_422 : f32 to vector<16xf32>
          %max3A_424 = arith.maximumf %add3A_421, %max3A_423 : vector<16xf32>
          %swap3A_425 = arith.constant 1 : i32
          %swap3A_426 = arith.index_cast %swap3A_425 : i32 to index
          %swap3A_427 = arith.index_cast %scan3A_340 : i32 to index
          %swap3A_428 = arith.constant 48 : index
          %swap3A_429 = tpu.vector_load %arg13[%swap3A_426, %swap3A_427, %swap3A_428] {strides = array<i32>} : memref<2x32x128xf32, #tpu.memory_space<vmem>>, vector<1x1x16xf32>,
          %swap3A_430 = vector.shape_cast %swap3A_429 : vector<1x1x16xf32> to vector<16xf32>
          %swap3A_431 = vector.shape_cast %max3A_424 : vector<16xf32> to vector<1x1x16xf32>
          tpu.vector_store %arg13[%swap3A_426, %swap3A_427, %swap3A_428], %swap3A_431 {strides = array<i32>} : memref<2x32x128xf32, #tpu.memory_space<vmem>>, vector<1x1x16xf32>,
          %get3A_432 = arith.constant 1 : i32
          %get3A_433 = arith.index_cast %get3A_432 : i32 to index
          %get3A_434 = arith.index_cast %scan3A_340 : i32 to index
          %get3A_435 = arith.constant 64 : index
          %get3A_436 = tpu.vector_load %arg11[%get3A_433, %get3A_434, %get3A_435] {strides = array<i32>} : memref<2x32x128xf32, #tpu.memory_space<vmem>>, vector<1x1x16xf32>,
          %get3A_437 = vector.shape_cast %get3A_436 : vector<1x1x16xf32> to vector<16xf32>
          %get3A_438 = arith.constant 1 : i32
          %get3A_439 = arith.index_cast %get3A_438 : i32 to index
          %get3A_440 = arith.index_cast %scan3A_340 : i32 to index
          %get3A_441 = arith.constant 64 : index
          %get3A_442 = tpu.vector_load %arg12[%get3A_439, %get3A_440, %get3A_441] {strides = array<i32>} : memref<2x32x128xf32, #tpu.memory_space<vmem>>, vector<1x1x16xf32>,
          %get3A_443 = vector.shape_cast %get3A_442 : vector<1x1x16xf32> to vector<16xf32>
          %add3A_444 = arith.addf %get3A_437, %get3A_443 : vector<16xf32>
          %max3A_445 = arith.constant 0.000000e+00 : f32
          %max3A_446 = vector.broadcast %max3A_445 : f32 to vector<16xf32>
          %max3A_447 = arith.maximumf %add3A_444, %max3A_446 : vector<16xf32>
          %swap3A_448 = arith.constant 1 : i32
          %swap3A_449 = arith.index_cast %swap3A_448 : i32 to index
          %swap3A_450 = arith.index_cast %scan3A_340 : i32 to index
          %swap3A_451 = arith.constant 64 : index
          %swap3A_452 = tpu.vector_load %arg13[%swap3A_449, %swap3A_450, %swap3A_451] {strides = array<i32>} : memref<2x32x128xf32, #tpu.memory_space<vmem>>, vector<1x1x16xf32>,
          %swap3A_453 = vector.shape_cast %swap3A_452 : vector<1x1x16xf32> to vector<16xf32>
          %swap3A_454 = vector.shape_cast %max3A_447 : vector<16xf32> to vector<1x1x16xf32>
          tpu.vector_store %arg13[%swap3A_449, %swap3A_450, %swap3A_451], %swap3A_454 {strides = array<i32>} : memref<2x32x128xf32, #tpu.memory_space<vmem>>, vector<1x1x16xf32>,
          %get3A_455 = arith.constant 1 : i32
          %get3A_456 = arith.index_cast %get3A_455 : i32 to index
          %get3A_457 = arith.index_cast %scan3A_340 : i32 to index
          %get3A_458 = arith.constant 80 : index
          %get3A_459 = tpu.vector_load %arg11[%get3A_456, %get3A_457, %get3A_458] {strides = array<i32>} : memref<2x32x128xf32, #tpu.memory_space<vmem>>, vector<1x1x16xf32>,
          %get3A_460 = vector.shape_cast %get3A_459 : vector<1x1x16xf32> to vector<16xf32>
          %get3A_461 = arith.constant 1 : i32
          %get3A_462 = arith.index_cast %get3A_461 : i32 to index
          %get3A_463 = arith.index_cast %scan3A_340 : i32 to index
          %get3A_464 = arith.constant 80 : index
          %get3A_465 = tpu.vector_load %arg12[%get3A_462, %get3A_463, %get3A_464] {strides = array<i32>} : memref<2x32x128xf32, #tpu.memory_space<vmem>>, vector<1x1x16xf32>,
          %get3A_466 = vector.shape_cast %get3A_465 : vector<1x1x16xf32> to vector<16xf32>
          %add3A_467 = arith.addf %get3A_460, %get3A_466 : vector<16xf32>
          %max3A_468 = arith.constant 0.000000e+00 : f32
          %max3A_469 = vector.broadcast %max3A_468 : f32 to vector<16xf32>
          %max3A_470 = arith.maximumf %add3A_467, %max3A_469 : vector<16xf32>
          %swap3A_471 = arith.constant 1 : i32
          %swap3A_472 = arith.index_cast %swap3A_471 : i32 to index
          %swap3A_473 = arith.index_cast %scan3A_340 : i32 to index
          %swap3A_474 = arith.constant 80 : index
          %swap3A_475 = tpu.vector_load %arg13[%swap3A_472, %swap3A_473, %swap3A_474] {strides = array<i32>} : memref<2x32x128xf32, #tpu.memory_space<vmem>>, vector<1x1x16xf32>,
          %swap3A_476 = vector.shape_cast %swap3A_475 : vector<1x1x16xf32> to vector<16xf32>
          %swap3A_477 = vector.shape_cast %max3A_470 : vector<16xf32> to vector<1x1x16xf32>
          tpu.vector_store %arg13[%swap3A_472, %swap3A_473, %swap3A_474], %swap3A_477 {strides = array<i32>} : memref<2x32x128xf32, #tpu.memory_space<vmem>>, vector<1x1x16xf32>,
          %get3A_478 = arith.constant 1 : i32
          %get3A_479 = arith.index_cast %get3A_478 : i32 to index
          %get3A_480 = arith.index_cast %scan3A_340 : i32 to index
          %get3A_481 = arith.constant 96 : index
          %get3A_482 = tpu.vector_load %arg11[%get3A_479, %get3A_480, %get3A_481] {strides = array<i32>} : memref<2x32x128xf32, #tpu.memory_space<vmem>>, vector<1x1x16xf32>,
          %get3A_483 = vector.shape_cast %get3A_482 : vector<1x1x16xf32> to vector<16xf32>
          %get3A_484 = arith.constant 1 : i32
          %get3A_485 = arith.index_cast %get3A_484 : i32 to index
          %get3A_486 = arith.index_cast %scan3A_340 : i32 to index
          %get3A_487 = arith.constant 96 : index
          %get3A_488 = tpu.vector_load %arg12[%get3A_485, %get3A_486, %get3A_487] {strides = array<i32>} : memref<2x32x128xf32, #tpu.memory_space<vmem>>, vector<1x1x16xf32>,
          %get3A_489 = vector.shape_cast %get3A_488 : vector<1x1x16xf32> to vector<16xf32>
          %add3A_490 = arith.addf %get3A_483, %get3A_489 : vector<16xf32>
          %max3A_491 = arith.constant 0.000000e+00 : f32
          %max3A_492 = vector.broadcast %max3A_491 : f32 to vector<16xf32>
          %max3A_493 = arith.maximumf %add3A_490, %max3A_492 : vector<16xf32>
          %swap3A_494 = arith.constant 1 : i32
          %swap3A_495 = arith.index_cast %swap3A_494 : i32 to index
          %swap3A_496 = arith.index_cast %scan3A_340 : i32 to index
          %swap3A_497 = arith.constant 96 : index
          %swap3A_498 = tpu.vector_load %arg13[%swap3A_495, %swap3A_496, %swap3A_497] {strides = array<i32>} : memref<2x32x128xf32, #tpu.memory_space<vmem>>, vector<1x1x16xf32>,
          %swap3A_499 = vector.shape_cast %swap3A_498 : vector<1x1x16xf32> to vector<16xf32>
          %swap3A_500 = vector.shape_cast %max3A_493 : vector<16xf32> to vector<1x1x16xf32>
          tpu.vector_store %arg13[%swap3A_495, %swap3A_496, %swap3A_497], %swap3A_500 {strides = array<i32>} : memref<2x32x128xf32, #tpu.memory_space<vmem>>, vector<1x1x16xf32>,
          %get3A_501 = arith.constant 1 : i32
          %get3A_502 = arith.index_cast %get3A_501 : i32 to index
          %get3A_503 = arith.index_cast %scan3A_340 : i32 to index
          %get3A_504 = arith.constant 112 : index
          %get3A_505 = tpu.vector_load %arg11[%get3A_502, %get3A_503, %get3A_504] {strides = array<i32>} : memref<2x32x128xf32, #tpu.memory_space<vmem>>, vector<1x1x16xf32>,
          %get3A_506 = vector.shape_cast %get3A_505 : vector<1x1x16xf32> to vector<16xf32>
          %get3A_507 = arith.constant 1 : i32
          %get3A_508 = arith.index_cast %get3A_507 : i32 to index
          %get3A_509 = arith.index_cast %scan3A_340 : i32 to index
          %get3A_510 = arith.constant 112 : index
          %get3A_511 = tpu.vector_load %arg12[%get3A_508, %get3A_509, %get3A_510] {strides = array<i32>} : memref<2x32x128xf32, #tpu.memory_space<vmem>>, vector<1x1x16xf32>,
          %get3A_512 = vector.shape_cast %get3A_511 : vector<1x1x16xf32> to vector<16xf32>
          %add3A_513 = arith.addf %get3A_506, %get3A_512 : vector<16xf32>
          %max3A_514 = arith.constant 0.000000e+00 : f32
          %max3A_515 = vector.broadcast %max3A_514 : f32 to vector<16xf32>
          %max3A_516 = arith.maximumf %add3A_513, %max3A_515 : vector<16xf32>
          %swap3A_517 = arith.constant 1 : i32
          %swap3A_518 = arith.index_cast %swap3A_517 : i32 to index
          %swap3A_519 = arith.index_cast %scan3A_340 : i32 to index
          %swap3A_520 = arith.constant 112 : index
          %swap3A_521 = tpu.vector_load %arg13[%swap3A_518, %swap3A_519, %swap3A_520] {strides = array<i32>} : memref<2x32x128xf32, #tpu.memory_space<vmem>>, vector<1x1x16xf32>,
          %swap3A_522 = vector.shape_cast %swap3A_521 : vector<1x1x16xf32> to vector<16xf32>
          %swap3A_523 = vector.shape_cast %max3A_516 : vector<16xf32> to vector<1x1x16xf32>
          tpu.vector_store %arg13[%swap3A_518, %swap3A_519, %swap3A_520], %swap3A_523 {strides = array<i32>} : memref<2x32x128xf32, #tpu.memory_space<vmem>>, vector<1x1x16xf32>,
        }
        %scan3A_327 = arith.constant 32 : i32
        %dma_start3A_328 = arith.constant 1 : i32
        %dma_start3A_329 = arith.constant 1 : i32
        %dma_start3A_330 = arith.constant 0 : i32
        %dma_start3A_331 = arith.constant 0 : i32
        %dma_start3A_332 = tpu.memref_slice %arg13[%dma_start3A_328, %dma_start3A_330, %dma_start3A_331] : memref<2x32x128xf32, #tpu.memory_space<vmem>> -> memref<1x32x128xf32, #tpu.memory_space<vmem>>
        %dma_start3A_333 = tpu.memref_squeeze %dma_start3A_332 : memref<1x32x128xf32, #tpu.memory_space<vmem>> -> memref<32x128xf32, #tpu.memory_space<vmem>>
        %dma_start3A_334 = arith.constant 0 : i32
        %dma_start3A_335 = tpu.memref_slice %arg10[%dma_start3A_329, %dma_start3A_334] : memref<2x32xi32, #tpu.memory_space<vmem>> -> memref<1x32xi32, #tpu.memory_space<vmem>>
        %dma_start3A_336 = tpu.memref_squeeze %dma_start3A_335 : memref<1x32xi32, #tpu.memory_space<vmem>> -> memref<32xi32, #tpu.memory_space<vmem>>
        %dma_start3A_337 = arith.constant 0 : i32
        %dma_start3A_338 = arith.constant 0 : i32
        %dma_start3A_339 = tpu.memref_slice %arg14[%dma_start3A_337, %dma_start3A_338] : memref<10240x128xf32, #tpu.memory_space<vmem_shared>> -> memref<10240x128xf32, #tpu.memory_space<vmem_shared>>
        tpu.enqueue_indirect_dma source(%dma_start3A_333 : memref<32x128xf32, #tpu.memory_space<vmem>>) target(%dma_start3A_339 : memref<10240x128xf32, #tpu.memory_space<vmem_shared>>) offsets(%dma_start3A_336 : memref<32xi32, #tpu.memory_space<vmem>>) semaphore(%arg19 : memref<!tpu.dma_semaphore, #tpu.memory_space<semaphore_mem>>) {add = true}
      }
      %scan3A_119 = arith.constant 160 : i32
      %dma_wait3A_120 = arith.constant 0 : i32
      %dma_wait3A_121 = arith.constant 0 : i32
      %dma_wait3A_122 = arith.constant 0 : i32
      %dma_wait3A_123 = arith.constant 0 : i32
      %dma_wait3A_124 = tpu.memref_slice %arg13[%dma_wait3A_120, %dma_wait3A_122, %dma_wait3A_123] : memref<2x32x128xf32, #tpu.memory_space<vmem>> -> memref<1x32x128xf32, #tpu.memory_space<vmem>>
      %dma_wait3A_125 = tpu.memref_squeeze %dma_wait3A_124 : memref<1x32x128xf32, #tpu.memory_space<vmem>> -> memref<32x128xf32, #tpu.memory_space<vmem>>
      %dma_wait3A_126 = arith.constant 0 : i32
      %dma_wait3A_127 = tpu.memref_slice %arg10[%dma_wait3A_121, %dma_wait3A_126] : memref<2x32xi32, #tpu.memory_space<vmem>> -> memref<1x32xi32, #tpu.memory_space<vmem>>
      %dma_wait3A_128 = tpu.memref_squeeze %dma_wait3A_127 : memref<1x32xi32, #tpu.memory_space<vmem>> -> memref<32xi32, #tpu.memory_space<vmem>>
      %dma_wait3A_129 = arith.constant 0 : i32
      %dma_wait3A_130 = arith.constant 0 : i32
      %dma_wait3A_131 = tpu.memref_slice %arg14[%dma_wait3A_129, %dma_wait3A_130] : memref<10240x128xf32, #tpu.memory_space<vmem_shared>> -> memref<10240x128xf32, #tpu.memory_space<vmem_shared>>
      tpu.wait_indirect_dma semaphore(%arg18 : memref<!tpu.dma_semaphore, #tpu.memory_space<semaphore_mem>>) src(%dma_wait3A_125 : memref<32x128xf32, #tpu.memory_space<vmem>>) dst(%dma_wait3A_131 : memref<10240x128xf32, #tpu.memory_space<vmem_shared>>)
      %dma_wait3A_132 = arith.constant 1 : i32
      %dma_wait3A_133 = arith.constant 1 : i32
      %dma_wait3A_134 = arith.constant 0 : i32
      %dma_wait3A_135 = arith.constant 0 : i32
      %dma_wait3A_136 = tpu.memref_slice %arg13[%dma_wait3A_132, %dma_wait3A_134, %dma_wait3A_135] : memref<2x32x128xf32, #tpu.memory_space<vmem>> -> memref<1x32x128xf32, #tpu.memory_space<vmem>>
      %dma_wait3A_137 = tpu.memref_squeeze %dma_wait3A_136 : memref<1x32x128xf32, #tpu.memory_space<vmem>> -> memref<32x128xf32, #tpu.memory_space<vmem>>
      %dma_wait3A_138 = arith.constant 0 : i32
      %dma_wait3A_139 = tpu.memref_slice %arg10[%dma_wait3A_133, %dma_wait3A_138] : memref<2x32xi32, #tpu.memory_space<vmem>> -> memref<1x32xi32, #tpu.memory_space<vmem>>
      %dma_wait3A_140 = tpu.memref_squeeze %dma_wait3A_139 : memref<1x32xi32, #tpu.memory_space<vmem>> -> memref<32xi32, #tpu.memory_space<vmem>>
      %dma_wait3A_141 = arith.constant 0 : i32
      %dma_wait3A_142 = arith.constant 0 : i32
      %dma_wait3A_143 = tpu.memref_slice %arg14[%dma_wait3A_141, %dma_wait3A_142] : memref<10240x128xf32, #tpu.memory_space<vmem_shared>> -> memref<10240x128xf32, #tpu.memory_space<vmem_shared>>
      tpu.wait_indirect_dma semaphore(%arg19 : memref<!tpu.dma_semaphore, #tpu.memory_space<semaphore_mem>>) src(%dma_wait3A_137 : memref<32x128xf32, #tpu.memory_space<vmem>>) dst(%dma_wait3A_143 : memref<10240x128xf32, #tpu.memory_space<vmem_shared>>)
    } else {
    }
    %barrier3A_8 = arith.constant 0 : index
    tpu.barrier barrier_id(%barrier3A_8)
    %mul3A_9 = arith.constant 640 : i32
    %mul3A_10 = arith.muli %arg1, %mul3A_9 : i32
    %multiple_of3A_11 = tpu.assume_multiple %mul3A_10, 8 : i32
    %mul3A_12 = arith.constant 128 : i32
    %mul3A_13 = arith.muli %arg0, %mul3A_12 : i32
    %multiple_of3A_14 = tpu.assume_multiple %mul3A_13, 128 : i32
    %lt3A = arith.constant 15 : i32
    %lt3A_15 = arith.cmpi slt, %arg1, %lt3A : i32
    %convert_element_type3A_16 = arith.extui %lt3A_15 : i1 to i32
    %cond3A_17 = arith.constant 0 : i32
    %cond3A_18 = arith.cmpi ne, %convert_element_type3A_16, %cond3A_17 : i32
    scf.if %cond3A_18 {
      "tpu.region"() ({
        %run_scoped3A = tpu.sem_alloc : memref<!tpu.dma_semaphore, #tpu.memory_space<semaphore_mem>>
        %dma_start3A = tpu.memref_slice %arg8[%multiple_of3A_11, %multiple_of3A_14] : memref<10000x256xf32, #tpu.memory_space<hbm>> -> memref<640x128xf32, #tpu.memory_space<hbm>>
        %dma_start3A_24 = arith.constant 0 : i32
        %dma_start3A_25 = tpu.memref_slice %arg14[%multiple_of3A_11, %dma_start3A_24] : memref<10240x128xf32, #tpu.memory_space<vmem_shared>> -> memref<640x128xf32, #tpu.memory_space<vmem_shared>>
        tpu.enqueue_dma source(%dma_start3A_25 : memref<640x128xf32, #tpu.memory_space<vmem_shared>>) target(%dma_start3A : memref<640x128xf32, #tpu.memory_space<hbm>>) target_semaphore(%run_scoped3A : memref<!tpu.dma_semaphore, #tpu.memory_space<semaphore_mem>>)
        %dma_wait3A = tpu.memref_slice %arg8[%multiple_of3A_11, %multiple_of3A_14] : memref<10000x256xf32, #tpu.memory_space<hbm>> -> memref<640x128xf32, #tpu.memory_space<hbm>>
        %dma_wait3A_26 = arith.constant 0 : i32
        %dma_wait3A_27 = tpu.memref_slice %arg14[%multiple_of3A_11, %dma_wait3A_26] : memref<10240x128xf32, #tpu.memory_space<vmem_shared>> -> memref<640x128xf32, #tpu.memory_space<vmem_shared>>
        tpu.wait_dma2 semaphore(%run_scoped3A : memref<!tpu.dma_semaphore, #tpu.memory_space<semaphore_mem>>) src(%dma_wait3A_27 : memref<640x128xf32, #tpu.memory_space<vmem_shared>>) dst(%dma_wait3A : memref<640x128xf32, #tpu.memory_space<hbm>>)
        tpu.yield
      }) : () -> ()
    } else {
    }
    %eq3A_19 = arith.constant 15 : i32
    %eq3A_20 = arith.cmpi eq, %arg1, %eq3A_19 : i32
    %convert_element_type3A_21 = arith.extui %eq3A_20 : i1 to i32
    %cond3A_22 = arith.constant 0 : i32
    %cond3A_23 = arith.cmpi ne, %convert_element_type3A_21, %cond3A_22 : i32
    scf.if %cond3A_23 {
      "tpu.region"() ({
        %run_scoped3A = tpu.sem_alloc : memref<!tpu.dma_semaphore, #tpu.memory_space<semaphore_mem>>
        %dma_start3A = tpu.memref_slice %arg8[%multiple_of3A_11, %multiple_of3A_14] : memref<10000x256xf32, #tpu.memory_space<hbm>> -> memref<400x128xf32, #tpu.memory_space<hbm>>
        %dma_start3A_24 = arith.constant 0 : i32
        %dma_start3A_25 = tpu.memref_slice %arg14[%multiple_of3A_11, %dma_start3A_24] : memref<10240x128xf32, #tpu.memory_space<vmem_shared>> -> memref<400x128xf32, #tpu.memory_space<vmem_shared>>
        tpu.enqueue_dma source(%dma_start3A_25 : memref<400x128xf32, #tpu.memory_space<vmem_shared>>) target(%dma_start3A : memref<400x128xf32, #tpu.memory_space<hbm>>) target_semaphore(%run_scoped3A : memref<!tpu.dma_semaphore, #tpu.memory_space<semaphore_mem>>)
        %dma_wait3A = tpu.memref_slice %arg8[%multiple_of3A_11, %multiple_of3A_14] : memref<10000x256xf32, #tpu.memory_space<hbm>> -> memref<400x128xf32, #tpu.memory_space<hbm>>
        %dma_wait3A_26 = arith.constant 0 : i32
        %dma_wait3A_27 = tpu.memref_slice %arg14[%multiple_of3A_11, %dma_wait3A_26] : memref<10240x128xf32, #tpu.memory_space<vmem_shared>> -> memref<400x128xf32, #tpu.memory_space<vmem_shared>>
        tpu.wait_dma2 semaphore(%run_scoped3A : memref<!tpu.dma_semaphore, #tpu.memory_space<semaphore_mem>>) src(%dma_wait3A_27 : memref<400x128xf32, #tpu.memory_space<vmem_shared>>) dst(%dma_wait3A : memref<400x128xf32, #tpu.memory_space<hbm>>)
        tpu.yield
      }) : () -> ()
    } else {
    }
    return
  }
}

module attributes {stable_mosaic.version = 14 : i64} {
  func.func @_enc_body(%arg0: i32, %arg1: memref<2048x8xf32, #tpu.memory_space<vmem>>, %arg2: memref<8x256xf32, #tpu.memory_space<vmem>>, %arg3: memref<1x256xf32, #tpu.memory_space<vmem>>, %arg4: memref<2048x128xf32, #tpu.memory_space<vmem>>, %arg5: memref<2048x128xf32, #tpu.memory_space<vmem>>) attributes {dimension_semantics = [#tpu.dimension_semantics<arbitrary>], iteration_bounds = array<i64: 80>, scalar_prefetch = 0 : i64, scratch_operands = 0 : i64, tpu.core_type = #tpu.core_type<tc>, window_params = [{transform_indices = @transform_0, window_bounds = array<i64: 2048, 8>}, {pipeline_mode = #tpu.pipeline_mode<synchronous>, transform_indices = @transform_1, window_bounds = array<i64: 8, 256>}, {pipeline_mode = #tpu.pipeline_mode<synchronous>, transform_indices = @transform_2, window_bounds = array<i64: 1, 256>}, {transform_indices = @transform_3, window_bounds = array<i64: 2048, 128>}, {transform_indices = @transform_4, window_bounds = array<i64: 2048, 128>}]} {
    %get3A = arith.constant 0 : index
    %get3A_0 = arith.constant 0 : index
    %get3A_1 = vector.load %arg1[%get3A, %get3A_0] : memref<2048x8xf32, #tpu.memory_space<vmem>>, vector<2048x8xf32>
    %get3A_2 = arith.constant 0 : index
    %get3A_3 = arith.constant 0 : index
    %get3A_4 = vector.load %arg2[%get3A_2, %get3A_3] : memref<8x256xf32, #tpu.memory_space<vmem>>, vector<8x256xf32>
    %dot_general3A = arith.constant dense<0.000000e+00> : vector<2048x256xf32>
    %dot_general3A_5 = tpu.matmul %get3A_1, %get3A_4, %dot_general3A {dimension_numbers = #tpu.dot_dimension_numbers<[1], [0], [0], [1], [0, 0, 1, 1], [], []>, transpose_lhs_hint = false} : vector<2048x8xf32>, vector<8x256xf32>, vector<2048x256xf32> -> vector<2048x256xf32>
    %get3A_6 = arith.constant 0 : index
    %get3A_7 = arith.constant 0 : index
    %get3A_8 = vector.load %arg3[%get3A_6, %get3A_7] : memref<1x256xf32, #tpu.memory_space<vmem>>, vector<1x256xf32>
    %add3A = vector.broadcast %get3A_8 : vector<1x256xf32> to vector<2048x256xf32>
    %add3A_9 = arith.addf %dot_general3A_5, %add3A : vector<2048x256xf32>
    %slice3A = vector.extract_strided_slice %add3A_9 {offsets = [0, 0], sizes = [2048, 128], strides = [1, 1]} : vector<2048x256xf32> to vector<2048x128xf32>
    %swap3A = arith.constant 0 : index
    %swap3A_10 = arith.constant 0 : index
    %swap3A_11 = vector.load %arg4[%swap3A, %swap3A_10] : memref<2048x128xf32, #tpu.memory_space<vmem>>, vector<2048x128xf32>
    tpu.vector_store %arg4[%swap3A, %swap3A_10], %slice3A {strides = array<i32>} : memref<2048x128xf32, #tpu.memory_space<vmem>>, vector<2048x128xf32>,
    %slice3A_12 = vector.extract_strided_slice %add3A_9 {offsets = [0, 128], sizes = [2048, 128], strides = [1, 1]} : vector<2048x256xf32> to vector<2048x128xf32>
    %swap3A_13 = arith.constant 0 : index
    %swap3A_14 = arith.constant 0 : index
    %swap3A_15 = vector.load %arg5[%swap3A_13, %swap3A_14] : memref<2048x128xf32, #tpu.memory_space<vmem>>, vector<2048x128xf32>
    tpu.vector_store %arg5[%swap3A_13, %swap3A_14], %slice3A_12 {strides = array<i32>} : memref<2048x128xf32, #tpu.memory_space<vmem>>, vector<2048x128xf32>,
    return
  }
  func.func @transform_0(%arg0: i32) -> (i32, i32) {
    %c0_i32 = arith.constant 0 : i32
    %c0_i32_0 = arith.constant 0 : i32
    return %arg0, %c0_i32 : i32, i32
  }
  func.func @transform_1(%arg0: i32) -> (i32, i32) {
    %c0_i32 = arith.constant 0 : i32
    %c0_i32_0 = arith.constant 0 : i32
    %c0_i32_1 = arith.constant 0 : i32
    return %c0_i32, %c0_i32_0 : i32, i32
  }
  func.func @transform_2(%arg0: i32) -> (i32, i32) {
    %c0_i32 = arith.constant 0 : i32
    %c0_i32_0 = arith.constant 0 : i32
    %c0_i32_1 = arith.constant 0 : i32
    return %c0_i32, %c0_i32_0 : i32, i32
  }
  func.func @transform_3(%arg0: i32) -> (i32, i32) {
    %c0_i32 = arith.constant 0 : i32
    %c0_i32_0 = arith.constant 0 : i32
    return %arg0, %c0_i32 : i32, i32
  }
  func.func @transform_4(%arg0: i32) -> (i32, i32) {
    %c0_i32 = arith.constant 0 : i32
    %c0_i32_0 = arith.constant 0 : i32
    return %arg0, %c0_i32 : i32, i32
  }
}

module attributes {stable_mosaic.version = 14 : i64} {
  func.func @_mlp_body(%arg0: i32, %arg1: memref<1x1xf32, #tpu.memory_space<smem>>, %arg2: memref<400x256xf32, #tpu.memory_space<vmem>>, %arg3: memref<400x256xf32, #tpu.memory_space<vmem>>, %arg4: memref<256x512xf32, #tpu.memory_space<vmem>>, %arg5: memref<1x512xf32, #tpu.memory_space<vmem>>, %arg6: memref<1x512xf32, #tpu.memory_space<vmem>>, %arg7: memref<1x512xf32, #tpu.memory_space<vmem>>, %arg8: memref<512x256xf32, #tpu.memory_space<vmem>>, %arg9: memref<1x256xf32, #tpu.memory_space<vmem>>, %arg10: memref<400x256xf32, #tpu.memory_space<vmem>>, %arg11: memref<10000x512xf32, #tpu.memory_space<vmem>>, %arg12: memref<1x512xf32, #tpu.memory_space<vmem>>, %arg13: memref<1x512xf32, #tpu.memory_space<vmem>>) attributes {dimension_semantics = [#tpu.dimension_semantics<arbitrary>], iteration_bounds = array<i64: 50>, scalar_prefetch = 0 : i64, scratch_operands = 3 : i64, tpu.core_type = #tpu.core_type<tc>, window_params = [{transform_indices = @transform_0, window_bounds = array<i64: 1, 1>}, {transform_indices = @transform_1, window_bounds = array<i64: 400, 256>}, {transform_indices = @transform_2, window_bounds = array<i64: 400, 256>}, {pipeline_mode = #tpu.pipeline_mode<synchronous>, transform_indices = @transform_3, window_bounds = array<i64: 256, 512>}, {pipeline_mode = #tpu.pipeline_mode<synchronous>, transform_indices = @transform_4, window_bounds = array<i64: 1, 512>}, {pipeline_mode = #tpu.pipeline_mode<synchronous>, transform_indices = @transform_5, window_bounds = array<i64: 1, 512>}, {pipeline_mode = #tpu.pipeline_mode<synchronous>, transform_indices = @transform_6, window_bounds = array<i64: 1, 512>}, {pipeline_mode = #tpu.pipeline_mode<synchronous>, transform_indices = @transform_7, window_bounds = array<i64: 512, 256>}, {pipeline_mode = #tpu.pipeline_mode<synchronous>, transform_indices = @transform_8, window_bounds = array<i64: 1, 256>}, {transform_indices = @transform_9, window_bounds = array<i64: 400, 256>}]} {
    %eq3A = arith.constant 0 : i32
    %eq3A_0 = arith.cmpi eq, %arg0, %eq3A : i32
    %convert_element_type3A = arith.extui %eq3A_0 : i1 to i32
    %cond3A = arith.constant 0 : i32
    %cond3A_1 = arith.cmpi ne, %convert_element_type3A, %cond3A : i32
    scf.if %cond3A_1 {
      %broadcast_in_dim3A = arith.constant 0.000000e+00 : f32
      %broadcast_in_dim3A_10 = vector.broadcast %broadcast_in_dim3A : f32 to vector<1x512xf32>
      %swap3A = arith.constant 0 : index
      %swap3A_11 = arith.constant 0 : index
      %swap3A_12 = vector.load %arg12[%swap3A, %swap3A_11] : memref<1x512xf32, #tpu.memory_space<vmem>>, vector<1x512xf32>
      tpu.vector_store %arg12[%swap3A, %swap3A_11], %broadcast_in_dim3A_10 {strides = array<i32>} : memref<1x512xf32, #tpu.memory_space<vmem>>, vector<1x512xf32>,
      %broadcast_in_dim3A_13 = arith.constant 0.000000e+00 : f32
      %broadcast_in_dim3A_14 = vector.broadcast %broadcast_in_dim3A_13 : f32 to vector<1x512xf32>
      %swap3A_15 = arith.constant 0 : index
      %swap3A_16 = arith.constant 0 : index
      %swap3A_17 = vector.load %arg13[%swap3A_15, %swap3A_16] : memref<1x512xf32, #tpu.memory_space<vmem>>, vector<1x512xf32>
      tpu.vector_store %arg13[%swap3A_15, %swap3A_16], %broadcast_in_dim3A_14 {strides = array<i32>} : memref<1x512xf32, #tpu.memory_space<vmem>>, vector<1x512xf32>,
    } else {
    }
    %lt3A = arith.constant 25 : i32
    %lt3A_2 = arith.cmpi slt, %arg0, %lt3A : i32
    %convert_element_type3A_3 = arith.extui %lt3A_2 : i1 to i32
    %cond3A_4 = arith.constant 0 : i32
    %cond3A_5 = arith.cmpi ne, %convert_element_type3A_3, %cond3A_4 : i32
    scf.if %cond3A_5 {
      %get3A = arith.constant 0 : index
      %get3A_10 = arith.constant 0 : index
      %get3A_11 = memref.load %arg1[%get3A, %get3A_10] : memref<1x1xf32, #tpu.memory_space<smem>>
      %get3A_12 = arith.constant 0 : index
      %get3A_13 = arith.constant 0 : index
      %get3A_14 = vector.load %arg2[%get3A_12, %get3A_13] : memref<400x256xf32, #tpu.memory_space<vmem>>, vector<400x256xf32>
      %mul3A = vector.broadcast %get3A_11 : f32 to vector<400x256xf32>
      %mul3A_15 = arith.mulf %mul3A, %get3A_14 : vector<400x256xf32>
      %get3A_16 = arith.constant 0 : index
      %get3A_17 = arith.constant 0 : index
      %get3A_18 = vector.load %arg3[%get3A_16, %get3A_17] : memref<400x256xf32, #tpu.memory_space<vmem>>, vector<400x256xf32>
      %add3A = arith.addf %mul3A_15, %get3A_18 : vector<400x256xf32>
      %get3A_19 = arith.constant 0 : index
      %get3A_20 = arith.constant 0 : index
      %get3A_21 = vector.load %arg4[%get3A_19, %get3A_20] : memref<256x512xf32, #tpu.memory_space<vmem>>, vector<256x512xf32>
      %dot_general3A = arith.constant dense<0.000000e+00> : vector<400x512xf32>
      %dot_general3A_22 = tpu.matmul %add3A, %get3A_21, %dot_general3A {dimension_numbers = #tpu.dot_dimension_numbers<[1], [0], [0], [1], [0, 0, 1, 1], [], []>, transpose_lhs_hint = false} : vector<400x256xf32>, vector<256x512xf32>, vector<400x512xf32> -> vector<400x512xf32>
      %get3A_23 = arith.constant 0 : index
      %get3A_24 = arith.constant 0 : index
      %get3A_25 = vector.load %arg5[%get3A_23, %get3A_24] : memref<1x512xf32, #tpu.memory_space<vmem>>, vector<1x512xf32>
      %add3A_26 = vector.broadcast %get3A_25 : vector<1x512xf32> to vector<400x512xf32>
      %add3A_27 = arith.addf %dot_general3A_22, %add3A_26 : vector<400x512xf32>
      %mul3A_28 = arith.constant 400 : i32
      %mul3A_29 = arith.muli %arg0, %mul3A_28 : i32
      %swap3A = arith.index_cast %mul3A_29 : i32 to index
      %swap3A_30 = arith.constant 0 : index
      %swap3A_31 = vector.load %arg11[%swap3A, %swap3A_30] : memref<10000x512xf32, #tpu.memory_space<vmem>>, vector<400x512xf32>
      tpu.vector_store %arg11[%swap3A, %swap3A_30], %add3A_27 {strides = array<i32>} : memref<10000x512xf32, #tpu.memory_space<vmem>>, vector<400x512xf32>,
      %get3A_32 = arith.constant 0 : index
      %get3A_33 = arith.constant 0 : index
      %get3A_34 = vector.load %arg12[%get3A_32, %get3A_33] : memref<1x512xf32, #tpu.memory_space<vmem>>, vector<1x512xf32>
      %reduce_sum3A = arith.constant dense<0.000000e+00> : vector<512xf32>
      %reduce_sum3A_35 = vector.multi_reduction <add>, %add3A_27, %reduce_sum3A [0] : vector<400x512xf32> to vector<512xf32>
      %broadcast_in_dim3A = vector.shape_cast %reduce_sum3A_35 : vector<512xf32> to vector<1x512xf32>
      %add3A_36 = arith.addf %get3A_34, %broadcast_in_dim3A : vector<1x512xf32>
      %swap3A_37 = arith.constant 0 : index
      %swap3A_38 = arith.constant 0 : index
      %swap3A_39 = vector.load %arg12[%swap3A_37, %swap3A_38] : memref<1x512xf32, #tpu.memory_space<vmem>>, vector<1x512xf32>
      tpu.vector_store %arg12[%swap3A_37, %swap3A_38], %add3A_36 {strides = array<i32>} : memref<1x512xf32, #tpu.memory_space<vmem>>, vector<1x512xf32>,
      %get3A_40 = arith.constant 0 : index
      %get3A_41 = arith.constant 0 : index
      %get3A_42 = vector.load %arg13[%get3A_40, %get3A_41] : memref<1x512xf32, #tpu.memory_space<vmem>>, vector<1x512xf32>
      %mul3A_43 = arith.mulf %add3A_27, %add3A_27 : vector<400x512xf32>
      %reduce_sum3A_44 = arith.constant dense<0.000000e+00> : vector<512xf32>
      %reduce_sum3A_45 = vector.multi_reduction <add>, %mul3A_43, %reduce_sum3A_44 [0] : vector<400x512xf32> to vector<512xf32>
      %broadcast_in_dim3A_46 = vector.shape_cast %reduce_sum3A_45 : vector<512xf32> to vector<1x512xf32>
      %add3A_47 = arith.addf %get3A_42, %broadcast_in_dim3A_46 : vector<1x512xf32>
      %swap3A_48 = arith.constant 0 : index
      %swap3A_49 = arith.constant 0 : index
      %swap3A_50 = vector.load %arg13[%swap3A_48, %swap3A_49] : memref<1x512xf32, #tpu.memory_space<vmem>>, vector<1x512xf32>
      tpu.vector_store %arg13[%swap3A_48, %swap3A_49], %add3A_47 {strides = array<i32>} : memref<1x512xf32, #tpu.memory_space<vmem>>, vector<1x512xf32>,
    } else {
    }
    %ge3A = arith.constant 25 : i32
    %ge3A_6 = arith.cmpi sge, %arg0, %ge3A : i32
    %convert_element_type3A_7 = arith.extui %ge3A_6 : i1 to i32
    %cond3A_8 = arith.constant 0 : i32
    %cond3A_9 = arith.cmpi ne, %convert_element_type3A_7, %cond3A_8 : i32
    scf.if %cond3A_9 {
      %get3A = arith.constant 0 : index
      %get3A_10 = arith.constant 0 : index
      %get3A_11 = vector.load %arg12[%get3A, %get3A_10] : memref<1x512xf32, #tpu.memory_space<vmem>>, vector<1x512xf32>
      %div3A = arith.constant 1.000000e+04 : f32
      %div3A_12 = vector.broadcast %div3A : f32 to vector<1x512xf32>
      %div3A_13 = arith.divf %get3A_11, %div3A_12 : vector<1x512xf32>
      %get3A_14 = arith.constant 0 : index
      %get3A_15 = arith.constant 0 : index
      %get3A_16 = vector.load %arg13[%get3A_14, %get3A_15] : memref<1x512xf32, #tpu.memory_space<vmem>>, vector<1x512xf32>
      %div3A_17 = arith.constant 1.000000e+04 : f32
      %div3A_18 = vector.broadcast %div3A_17 : f32 to vector<1x512xf32>
      %div3A_19 = arith.divf %get3A_16, %div3A_18 : vector<1x512xf32>
      %mul3A = arith.mulf %div3A_13, %div3A_13 : vector<1x512xf32>
      %sub3A = arith.subf %div3A_19, %mul3A : vector<1x512xf32>
      %get3A_20 = arith.constant 0 : index
      %get3A_21 = arith.constant 0 : index
      %get3A_22 = vector.load %arg6[%get3A_20, %get3A_21] : memref<1x512xf32, #tpu.memory_space<vmem>>, vector<1x512xf32>
      %add3A = arith.constant 9.99999974E-6 : f32
      %add3A_23 = vector.broadcast %add3A : f32 to vector<1x512xf32>
      %add3A_24 = arith.addf %sub3A, %add3A_23 : vector<1x512xf32>
      %rsqrt3A = math.rsqrt %add3A_24 : vector<1x512xf32>
      %mul3A_25 = arith.mulf %get3A_22, %rsqrt3A : vector<1x512xf32>
      %get3A_26 = arith.constant 0 : index
      %get3A_27 = arith.constant 0 : index
      %get3A_28 = vector.load %arg7[%get3A_26, %get3A_27] : memref<1x512xf32, #tpu.memory_space<vmem>>, vector<1x512xf32>
      %mul3A_29 = arith.mulf %div3A_13, %mul3A_25 : vector<1x512xf32>
      %sub3A_30 = arith.subf %get3A_28, %mul3A_29 : vector<1x512xf32>
      %sub3A_31 = arith.constant 25 : i32
      %sub3A_32 = arith.subi %arg0, %sub3A_31 : i32
      %mul3A_33 = arith.constant 400 : i32
      %mul3A_34 = arith.muli %sub3A_32, %mul3A_33 : i32
      %get3A_35 = arith.index_cast %mul3A_34 : i32 to index
      %get3A_36 = arith.constant 0 : index
      %get3A_37 = vector.load %arg11[%get3A_35, %get3A_36] : memref<10000x512xf32, #tpu.memory_space<vmem>>, vector<400x512xf32>
      %mul3A_38 = vector.broadcast %mul3A_25 : vector<1x512xf32> to vector<400x512xf32>
      %mul3A_39 = arith.mulf %get3A_37, %mul3A_38 : vector<400x512xf32>
      %add3A_40 = vector.broadcast %sub3A_30 : vector<1x512xf32> to vector<400x512xf32>
      %add3A_41 = arith.addf %mul3A_39, %add3A_40 : vector<400x512xf32>
      %max3A = arith.constant 0.000000e+00 : f32
      %max3A_42 = vector.broadcast %max3A : f32 to vector<400x512xf32>
      %max3A_43 = arith.maximumf %add3A_41, %max3A_42 : vector<400x512xf32>
      %get3A_44 = arith.constant 0 : index
      %get3A_45 = arith.constant 0 : index
      %get3A_46 = vector.load %arg8[%get3A_44, %get3A_45] : memref<512x256xf32, #tpu.memory_space<vmem>>, vector<512x256xf32>
      %dot_general3A = arith.constant dense<0.000000e+00> : vector<400x256xf32>
      %dot_general3A_47 = tpu.matmul %max3A_43, %get3A_46, %dot_general3A {dimension_numbers = #tpu.dot_dimension_numbers<[1], [0], [0], [1], [0, 0, 1, 1], [], []>, transpose_lhs_hint = false} : vector<400x512xf32>, vector<512x256xf32>, vector<400x256xf32> -> vector<400x256xf32>
      %get3A_48 = arith.constant 0 : index
      %get3A_49 = arith.constant 0 : index
      %get3A_50 = vector.load %arg9[%get3A_48, %get3A_49] : memref<1x256xf32, #tpu.memory_space<vmem>>, vector<1x256xf32>
      %add3A_51 = vector.broadcast %get3A_50 : vector<1x256xf32> to vector<400x256xf32>
      %add3A_52 = arith.addf %dot_general3A_47, %add3A_51 : vector<400x256xf32>
      %swap3A = arith.constant 0 : index
      %swap3A_53 = arith.constant 0 : index
      %swap3A_54 = vector.load %arg10[%swap3A, %swap3A_53] : memref<400x256xf32, #tpu.memory_space<vmem>>, vector<400x256xf32>
      tpu.vector_store %arg10[%swap3A, %swap3A_53], %add3A_52 {strides = array<i32>} : memref<400x256xf32, #tpu.memory_space<vmem>>, vector<400x256xf32>,
    } else {
    }
    return
  }
  func.func @transform_0(%arg0: i32) -> (i32, i32) {
    %c0_i32 = arith.constant 0 : i32
    %c0_i32_0 = arith.constant 0 : i32
    %c0_i32_1 = arith.constant 0 : i32
    return %c0_i32, %c0_i32_0 : i32, i32
  }
  func.func @transform_1(%arg0: i32) -> (i32, i32) {
    %lt3A = arith.constant 25 : i32
    %lt3A_0 = arith.cmpi slt, %arg0, %lt3A : i32
    %jit3A = arith.constant 0 : i32
    %select_n3A = arith.select %lt3A_0, %arg0, %jit3A : i32
    %c0_i32 = arith.constant 0 : i32
    %c0_i32_1 = arith.constant 0 : i32
    return %select_n3A, %c0_i32 : i32, i32
  }
  func.func @transform_2(%arg0: i32) -> (i32, i32) {
    %lt3A = arith.constant 25 : i32
    %lt3A_0 = arith.cmpi slt, %arg0, %lt3A : i32
    %jit3A = arith.constant 0 : i32
    %select_n3A = arith.select %lt3A_0, %arg0, %jit3A : i32
    %c0_i32 = arith.constant 0 : i32
    %c0_i32_1 = arith.constant 0 : i32
    return %select_n3A, %c0_i32 : i32, i32
  }
  func.func @transform_3(%arg0: i32) -> (i32, i32) {
    %c0_i32 = arith.constant 0 : i32
    %c0_i32_0 = arith.constant 0 : i32
    %c0_i32_1 = arith.constant 0 : i32
    return %c0_i32, %c0_i32_0 : i32, i32
  }
  func.func @transform_4(%arg0: i32) -> (i32, i32) {
    %c0_i32 = arith.constant 0 : i32
    %c0_i32_0 = arith.constant 0 : i32
    %c0_i32_1 = arith.constant 0 : i32
    return %c0_i32, %c0_i32_0 : i32, i32
  }
  func.func @transform_5(%arg0: i32) -> (i32, i32) {
    %c0_i32 = arith.constant 0 : i32
    %c0_i32_0 = arith.constant 0 : i32
    %c0_i32_1 = arith.constant 0 : i32
    return %c0_i32, %c0_i32_0 : i32, i32
  }
  func.func @transform_6(%arg0: i32) -> (i32, i32) {
    %c0_i32 = arith.constant 0 : i32
    %c0_i32_0 = arith.constant 0 : i32
    %c0_i32_1 = arith.constant 0 : i32
    return %c0_i32, %c0_i32_0 : i32, i32
  }
  func.func @transform_7(%arg0: i32) -> (i32, i32) {
    %c0_i32 = arith.constant 0 : i32
    %c0_i32_0 = arith.constant 0 : i32
    %c0_i32_1 = arith.constant 0 : i32
    return %c0_i32, %c0_i32_0 : i32, i32
  }
  func.func @transform_8(%arg0: i32) -> (i32, i32) {
    %c0_i32 = arith.constant 0 : i32
    %c0_i32_0 = arith.constant 0 : i32
    %c0_i32_1 = arith.constant 0 : i32
    return %c0_i32, %c0_i32_0 : i32, i32
  }
  func.func @transform_9(%arg0: i32) -> (i32, i32) {
    %rem3A = arith.constant 25 : i32
    %rem3A_0 = arith.remsi %arg0, %rem3A : i32
    %c0_i32 = arith.constant 0 : i32
    %c0_i32_1 = arith.constant 0 : i32
    return %rem3A_0, %c0_i32 : i32, i32
  }
}

</mosaic_0001>

<sc_bundles>
// kernel: kernel.5.cloned.1.call-start
scs
__scs_entry_jumppad:
0x0: {  	(pc) =	sbr.rel $0x88, $3  }
0x1: {  	(tag) =	ssettag $0x0;
	lr =	simm.s32 $0x1  }
0x2: {  	[smem:$0x3F95] =	sst lr;
	_ =	strace $0xD0000000  }
0x3: {  	_ = 	snop  }
0x4: {  	_ = 	snop  }
0x5: {  	_ = 	snop  }
0x6: {  	_ = 	snop  }
0x7: {  	_ = 	snop  }
__scs_overlays_trampoline_lowered:
0x8: {  	[smem:$0x3FA4] =	sst s0  }
0x9: {  	[smem:$0x3FA5] =	sst s1  }
0xa: {  	[smem:$0x3FA6] =	sst s2  }
0xb: {  	[smem:$0x3FA7] =	sst s3  }
0xc: {  	[smem:$0x3FA8] =	sst s4  }
0xd: {  	[smem:$0x3FA9] =	sst s5  }
0xe: {  	[smem:$0x3FAA] =	sst s6  }
0xf: {  	[smem:$0x3FAB] =	sst s7  }
0x10: {  	[smem:$0x3FAC] =	sst s8  }
0x11: {  	[smem:$0x3FAD] =	sst s9;
	s0 =	simm.s32 @!p0 $0x0  }
0x12: {  	s1 =	sld [smem:$0x3F93];
	s0 =	simm.s32 @p0 $0x1  }
0x13: {  	[smem:$0x3FAE] =	sst s0;
	s0 =	simm.s32 @!p1 $0x0  }
0x14: {  	s2 =	sld [smem:$0x3F92];
	s0 =	simm.s32 @p1 $0x1  }
0x15: {  	[smem:$0x3FAF] =	sst s0;
	s0 =	simm.s32 @!p2 $0x0  }
0x16: {  	s3 =	sld [smem:$0x3FDB];
	s0 =	simm.s32 @p2 $0x1  }
0x17: {  	s4 =	simm.s32 $0x1BF5;
	[smem:$0x3FB1] =	sst s0  }
0x18: {  	s0 =	sld [smem:$0x3F94];
	_ =	swait.ge [sflag:s4], $0x0  }
0x19: {  	s7 =	sld [smem:$0x3F95]  }
0x1a: {  	s8 =	sadd.s32 $0xFFFFE003, lr  }
0x1b: {  	s9 =	sadd.s32 $0xFFFFFEF7, lr;
	s5 =	simm.s32 $0xFFFFFFFF;
	p2 =	slt.u32 s8, $0xFFFFF086  }
0x1c: {  	p1 =	slt.u32 s9, $0xF7A;
	s5 =	simm.s32 @!p2 $0x0  }
0x1d: {  	s5 =	simm.s32 @p1 $0x1;
	p0 =	seq.s32 s7, s2  }
0x1e: {  	s7 =	smul.u32 @!p0 $0xF7A, s2;
	p2 =	seq.s32 @!p0 s5, $0x0  }
0x1f: {  	s9 =	smul.u32 $0xF7A, s1;
	s8 =	simm.s32 @!p0 $0x1BF5;
	p2 =	por !p2, p0  }
0x20: {  	[sflag:s8] =	ssyncset.s32 @!p0 $0xFFFFF086;
	s6 =	sadd.s32 @!p0 s3, s7;
	s7 =	simm.s32 @!p0 $0x108  }
0x21: {  	s3 =	sadd.s32 s3, s9;
	s6 =	sadd.s32 @!p0 $0x88, s6;
	s7 =	simm.s32 @p2 $0x1082  }
0x22: {  	[simem:s7], [sflag:s8] =	dma.local @!p0 [hbm:s6], $0xF7A  }
0x23: {  	s9 =	sor.u32 $0xD0000000, s2;
	s6 =	simm.s32 $0x108;
	_ =	swait.ge @!p0 [sflag:s8], $0x0  }
0x24: {  	s3 =	sadd.s32 $0x88, s3;
	s6 =	simm.s32 @!p1 $0x1082;
	[sflag:s4] =	ssyncset.s32 $0xFFFFF086  }
0x25: {  	[simem:s6], [sflag:s4] =	dma.local [hbm:s3], $0xF7A  }
0x26: {  	[smem:$0x3F95] =	sst s1;
	(tag) =	ssettag s2;
	_ =	strace s9  }
0x27: {  	s1 =	sld [smem:$0x3FA5]  }
0x28: {  	s2 =	sld [smem:$0x3FA6]  }
0x29: {  	s4 =	sld [smem:$0x3FA8]  }
0x2a: {  	p0 =	seq.s32 s5, $0x0;
	s5 =	sld [smem:$0x3FA9]  }
0x2b: {  	s6 =	sld [smem:$0x3FAA]  }
0x2c: {  	s7 =	sld [smem:$0x3FAB]  }
0x2d: {  	s3 =	simm.s32 $0x108;
	s8 =	sld [smem:$0x3FAC]  }
0x2e: {  	s3 =	simm.s32 @!p0 $0x1082;
	s9 =	sld [smem:$0x3FAD]  }
0x2f: {  	lr =	sadd.s32 s0, s3;
	s0 =	sld [smem:$0x3FA4]  }
0x30: {  	s3 =	sld [smem:$0x3FA7]  }
0x31: {  	[smem:$0x3FB0] =	sst s10  }
0x32: {  	s10 =	sld [smem:$0x3FAE];
	_ =	sdelay $0x3  }
0x33: {  	p0 =	seq.s32 s10, $0x1;
	s10 =	sld [smem:$0x3FB0];
	_ =	sdelay $0x3  }
0x34: {  	[smem:$0x3FB0] =	sst s10  }
0x35: {  	s10 =	sld [smem:$0x3FAF];
	_ =	sdelay $0x3  }
0x36: {  	p1 =	seq.s32 s10, $0x1;
	s10 =	sld [smem:$0x3FB0];
	_ =	sdelay $0x3  }
0x37: {  	[smem:$0x3FB0] =	sst s10  }
0x38: {  	s10 =	sld [smem:$0x3FB1]  }
0x39: {  	_ = 	snop;
	(pc) =	sbr.ind lr, $3  }
0x3a: {  	_ = 	snop  }
0x3b: {  	_ = 	snop  }
0x3c: {  	p2 =	seq.s32 s10, $0x1;
	s10 =	sld [smem:$0x3FB0]  }
0x3d: {  	_ =	shalt  }
0x3e: {  	_ =	shalt  }
0x3f: {  	_ =	shalt  }
0x40: {  	_ =	shalt  }
0x41: {  	_ =	shalt  }
0x42: {  	_ =	shalt  }
0x43: {  	_ =	shalt  }
0x44: {  	_ =	shalt  }
0x45: {  	_ =	shalt  }
0x46: {  	_ =	shalt  }
0x47: {  	_ =	shalt  }
0x48: {  	_ =	shalt  }
0x49: {  	_ =	shalt  }
0x4a: {  	_ =	shalt  }
0x4b: {  	_ =	shalt  }
0x4c: {  	_ =	shalt  }
0x4d: {  	_ =	shalt  }
0x4e: {  	_ =	shalt  }
0x4f: {  	_ =	shalt  }
0x50: {  	_ =	shalt  }
0x51: {  	_ =	shalt  }
0x52: {  	_ =	shalt  }
0x53: {  	_ =	shalt  }
0x54: {  	_ =	shalt  }
0x55: {  	_ =	shalt  }
0x56: {  	_ =	shalt  }
0x57: {  	_ =	shalt  }
0x58: {  	_ =	shalt  }
0x59: {  	_ =	shalt  }
0x5a: {  	_ =	shalt  }
0x5b: {  	_ =	shalt  }
0x5c: {  	_ =	shalt  }
0x5d: {  	_ =	shalt  }
0x5e: {  	_ =	shalt  }
0x5f: {  	_ =	shalt  }
0x60: {  	_ =	shalt  }
0x61: {  	_ =	shalt  }
0x62: {  	_ =	shalt  }
0x63: {  	_ =	shalt  }
0x64: {  	_ =	shalt  }
0x65: {  	_ =	shalt  }
0x66: {  	_ =	shalt  }
0x67: {  	_ =	shalt  }
0x68: {  	_ =	shalt  }
0x69: {  	_ =	shalt  }
0x6a: {  	_ =	shalt  }
0x6b: {  	_ =	shalt  }
0x6c: {  	_ =	shalt  }
0x6d: {  	_ =	shalt  }
0x6e: {  	_ =	shalt  }
0x6f: {  	_ =	shalt  }
0x70: {  	_ =	shalt  }
0x71: {  	_ =	shalt  }
0x72: {  	_ =	shalt  }
0x73: {  	_ =	shalt  }
0x74: {  	_ =	shalt  }
0x75: {  	_ =	shalt  }
0x76: {  	_ =	shalt  }
0x77: {  	_ =	shalt  }
0x78: {  	_ =	shalt  }
0x79: {  	_ =	shalt  }
0x7a: {  	_ =	shalt  }
0x7b: {  	_ =	shalt  }
0x7c: {  	_ =	shalt  }
0x7d: {  	_ =	shalt  }
0x7e: {  	_ =	shalt  }
0x7f: {  	_ =	shalt  }
0x80: {  	_ =	shalt  }
0x81: {  	_ =	shalt  }
0x82: {  	_ =	shalt  }
0x83: {  	_ =	shalt  }
0x84: {  	_ =	shalt  }
0x85: {  	_ =	shalt  }
0x86: {  	_ =	shalt  }
0x87: {  	_ =	shalt  }
.Lfunc_end0:
.L_simem_size_0:
called_computation_lowered:
.L_overlay_start_0:
0x88: {  	s2 =	sld [smem:$0x3FD9]  }
0x89: {  	s3 =	sld [smem:$0x3FFE];
	_ =	sdelay $0x1  }
0x8a: {  	s1 =	srdreg.scid  }
0x8b: {  	s0 =	sand.u32 $0x1, s1  }
0x8c: {  	s17 =	sshll.u32 s0, $0xA;
	s2 =	sadd.s32 s3, s2  }
0x8d: {  	s2 =	sadd.s32 s2, s17  }
0x8e: {  	[smem:$0x3FBC] =	sst s2  }
0x8f: {  	_ = 	snop  }
0x90: {  	s2 =	sld [smem:$0x3FD0];
	(tm) =	ssettm $0x1  }
0x91: {  	s18 =	sld [smem:$0x3FFB];
	_ =	sdelay $0x3  }
0x92: {  	_ =	strace s18  }
0x93: {  	s3 =	sld [smem:$0x3FFC];
	_ =	sdelay $0x3  }
0x94: {  	_ =	strace s3  }
0x95: {  	s3 =	sld [smem:$0x3FFD];
	_ =	sdelay $0x3  }
0x96: {  	_ =	strace s3  }
0x97: {  	_ =	strace $0x8FFFFFFF  }
0x98: {  	s19 =	sld [smem:$0x3FDB];
	_ =	sdelay $0x1  }
0x99: {  	s4 =	simm.s32 $_scs_section_size  }
0x9a: {  	s5 =	simm.s32 $_size__tile_overlayer_lowered;
	s6 =	simm.s32 $_tile_overlayer_lowered  }
0x9b: {  	s22 =	simm.s32 $0x1BFF;
	s21 =	sshll.u32 s6, $0x1;
	s3 =	sadd.s32 s4, s19  }
0x9c: {  	s7 =	simm.s32 $0x0;
	s20 =	sshll.u32 s5, $0x1;
	s5 =	sadd.s32 s21, s3  }
0x9d: {  	[timem:s7], [sflag:s22] =	dma.local [hbm:s5], s20  }
0x9e: {  	_ =	swait.ge [sflag:s22], s20  }
0x9f: {  	s4 =	ssub.s32 $0x0, s20;
	[sflag:s22] =	ssyncset.done $0x0  }
0xa0: {  	[sflag:s22] =	ssyncadd.s32 s4;
	_ =	sdelay $0x1  }
0xa1: {  	s23 =	simm.s32 $0x1B8B  }
0xa2: {  	_ =	swait.ge [sflag:s23], $0x1  }
0xa3: {  	[sflag:s23] =	ssyncset.done $0x0  }
0xa4: {  	s25 =	simm.s32 $0x1B8E;
	s24 =	sld [smem:$0x3FFE];
	[sflag:s23] =	ssyncadd.s32 $0xFFFFFFFF  }
0xa5: {  	s26 =	simm.s32 $execute0_lowered;
	[smem:$0x3FD2] =	sst s25  }
0xa6: {  	s5 =	sshll.u32 s26, $0x1;
	_ =	strace $0x80000046;
	[dreg:$0x1] =	wrdreg $0xFFFFFFFF  }
0xa7: {  	s28 =	simm.s32 $_size_execute0_lowered;
	s3 =	sadd.s32 s3, s5;
	[dreg:$0x0] =	wrdreg $0x0  }
0xa8: {  	s5 =	sshll.u32 s28, $0x1;
	[dreg:$0x2] =	wrdreg s3  }
0xa9: {  	[dreg:$0x3] =	wrdreg s5  }
0xaa: {  	[dreg:$0x4] =	wrdreg $0xC0  }
0xab: {  	_ =	task [dreg:s7], $0x5FFFF  }
0xac: {  	[dreg:$0x1] =	wrdreg $0xFFFFFFFF  }
0xad: {  	[dreg:$0x0] =	wrdreg $0x60  }
0xae: {  	[dreg:$0x2] =	wrdreg s24  }
0xaf: {  	[dreg:$0x3] =	wrdreg s2  }
0xb0: {  	[dreg:$0x4] =	wrdreg $0x63000  }
0xb1: {  	[dreg:$0x5] =	wrdreg $0x9  }
0xb2: {  	_ =	task.clear_ibuf [dreg:s7], $0x6FFFF;
	_ =	strace $0x90000046  }
0xb3: {  	s29 =	simm.s32 $0x9;
	_ =	strace $0x80000048  }
0xb4: {  	_ =	swait.ge [sflag:s29], $0x1  }
0xb5: {  	[sflag:s29] =	ssyncadd.s32 $0xFFFFFFFF  }
0xb6: {  	_ =	strace $0x90000048  }
0xb7: {  	_ =	sfence  }
0xb8: {  	s30 =	sld [smem:$0x0];
	_ =	sdelay $0x2  }
0xb9: {  	s31 =	sshll.u32 s1, $0xD;
	s1 =	sshrl.u32 s1, $0x2  }
0xba: {  	s3 =	sand.u32 $0x4000, s31;
	s1 =	sadd.s32 s1, s30  }
0xbb: {  	s0 =	sor.u32 s3, s0;
	s1 =	sshll.u32 s1, $0x11  }
0xbc: {  	s0 =	sor.u32 s1, s0  }
0xbd: {  	s0 =	sadd.s32 $0x8F2B, s0  }
0xbe: {  	[sflag:s0] =	ssyncadd.remote.s32 $0x1  }
0xbf: {  	_ =	sfence.sel $0xFFFF  }
0xc0: {  	[dreg:$0x0] =	wrdreg $0xFFFFFFFF;
	(pc) =	sbr.abs _section_cstart, $3  }
0xc1: {  	[dreg:$0x1] =	wrdreg $0xFFFFFFFF  }
0xc2: {  	_ =	task.clear_ibuf [dreg:s7], $0x2FFFF;
	_ =	strace $0x9FFFFFFF  }
0xc3: {  	(tm) =	ssettm $0x7FFFFFFF  }
tec
execute0_lowered:
.L_overlay_start_1:
0x0: {  	(tag) =	ssettag $0x1  }
0x1: {  	s0 =	rddreg [dreg:$0x0]  }
0x2: {  	s4 =	rddreg [dreg:$0x1]  }
0x3: {  	s1 =	rddreg [dreg:$0x2];
	s2 =	simm.s32 $0x0  }
0x4: {  	s8 =	srdreg.scid;
	s15 =	stileid.u32;
	s28 =	simm.s32 $0x300  }
0x5: {  	s29 =	simm.s32 $0x2300;
	s30 =	simm.s32 $0x100;
	s31 =	simm.s32 $0x2  }
0x6: {  	[smem:$0x7FF] =	sst s2;
	s3 =	sadd.s32 $0x29A00, s0;
	s12 =	smul.u32 $0x50000, s15  }
0x7: {  	s5 =	sadd.s32 $0x2800, s0;
	s6 =	sadd.s32 $0x4F3800, s0;
	s10 =	smul.u32 $0x140, s15  }
0x8: {  	s7 =	sadd.s32 $0x773800, s0;
	s9 =	sand.u32 $0x1, s8;
	s20 =	smul.u32 $0x2800, s15  }
0x9: {  	s8 =	sadd.s32 $0x50C00, s0;
	s0 =	sadd.s32 $0x78C00, s0;
	s14 =	smul.u32 $0x28000, s15  }
0xa: {  	s22 =	sshll.u32 s15, $0x6;
	s13 =	smul.u32 $0x140000, s15;
	p1 =	seq.s32 s15, $0xF  }
0xb: {  	s15 =	simm.s32 $0x3300;
	_ =	strace $0x80000047;
	s11 =	ssub.s32 $0x2, s9  }
0xc: {  	[dreg:$0x4] =	wrdreg s0;
	s21 =	sor.u32 $0x1C06, s22;
	p0 =	seq.s32 s9, $0x1  }
0xd: {  	s24 =	sshll.u32 s9, $0xA;
	s9 =	sshll.u32 s9, $0x7;
	s18 =	sshrl.u32 s11, $0x1  }
0xe: {  	s19 =	sshrl.u32 s12, $0x2;
	s12 =	sadd.s32 s8, s20;
	s23 =	sadd.s32 s6, s14  }
0xf: {  	s17 =	sor.u32 $0x1000, s13;
	s25 =	sadd.s32 s7, s14;
	[dreg:$0x6] =	wrdreg s21  }
0x10: {  	s20 =	simm.s32 $0x5300;
	s0 =	ssub.s32 s11, s18;
	[dreg:$0x8] =	wrdreg s23  }
0x11: {  	s16 =	sadd.s32 s19, s1;
	[dreg:$0x7] =	wrdreg s12;
	s12 =	sadd.s32 $0x20, s12  }
0x12: {  	s11 =	sor.u32 s24, s14;
	s18 =	sor.u32 $0x3, s10;
	[dreg:$0xa] =	wrdreg s25  }
0x13: {  	s25 =	simm.s32 $0x1;
	s19 =	simm.s32 $0x200;
	s14 =	simm.s32 $0x0  }
0x14: {  	[dreg:$0x9] =	wrdreg s12;
	s11 =	sshrl.u32 s11, $0x3;
	s0 =	smax.u32 s0, $0x1  }
.Ltmp0:
0x15: {  	[dreg:$0x5] =	wrdreg s16;
	s26 =	sshrl.u32 s16, $0x3;
	(pc) =	sbr.rel .LBB2_1-.Ltmp0, $4  }
0x16: {  	s16 =	simm.s32 $0x280;
	s11 =	sadd.s32 s4, s11;
	[dreg:$0xd] =	wrdreg s0  }
0x17: {  	s4 =	sadd.s32 s9, s4;
	[dreg:$0xe] =	wrdreg s26;
	s26 =	simm.s32 $0x20  }
0x18: {  	s0 =	simm.s32 $0x3;
	[dreg:$0xb] =	wrdreg s11;
	s4 =	sadd.s32 $0x4B000, s4  }
0x19: {  	s9 =	simm.s32 $0x4300;
	[dreg:$0xc] =	wrdreg s4;
	s4 =	simm.s32 $0x1300  }
.LBB2_14:
0x1a: {  	s11 =	simm.s32 $0x4  }
0x1b: {  	_ =	swait.ge [sflag:s11], $0x1000  }
0x1c: {  	[sflag:s11] =	ssyncset.done $0x0  }
0x1d: {  	s22 =	simm.s32 $0x5;
	[sflag:s11] =	ssyncadd.s32 $0xFFFFF000  }
0x1e: {  	_ =	swait.ge [sflag:s22], $0x1000  }
0x1f: {  	[sflag:s22] =	ssyncset.done $0x0  }
0x20: {  	[sflag:s22] =	ssyncadd.s32 $0xFFFFF000  }
0x21: {  	[bflag:$0x0] =	sbarrier.arrive $0xFFFF  }
0x22: {  	s22 =	rddreg [dreg:$0x5]  }
0x23: {  	s12 =	simm.s32 @p1 $0x8;
	s14 =	simm.s32 @p1 $0x100;
	s24 =	rddreg [dreg:$0x6]  }
0x24: {  	s21 =	simm.s32 @p1 $0x80;
	s23 =	rddreg [dreg:$0xc];
	s11 =	sshrl.u32 @p1 s22, $0x3  }
0x25: {  	[hbm:s23@s14], [sflag:s24] =	dma.strided @p1 [spmem:s11@s21], $0x1900, s12, $0x10   }
0x26: {  	s11 =	simm.s32 @p1 $0x6  }
0x27: {  	s12 =	simm.s32 @!p1 $0x8;
	_ =	swait.ge @p1 [sflag:s11], $0x1900  }
0x28: {  	s14 =	simm.s32 @!p1 $0x100;
	s21 =	simm.s32 @!p1 $0x80;
	[sflag:s11] =	ssyncset.done @p1 $0x0  }
0x29: {  	[sflag:s11] =	ssyncadd.s32 @p1 $0xFFFFE700;
	s11 =	sshrl.u32 @!p1 s22, $0x3;
	s22 =	rddreg [dreg:$0xb]  }
0x2a: {  	[hbm:s22@s14], [sflag:s24] =	dma.strided @!p1 [spmem:s11@s21], $0x2800, s12, $0x10   }
0x2b: {  	s11 =	simm.s32 @!p1 $0x6  }
0x2c: {  	_ =	swait.ge @!p1 [sflag:s11], $0x2800  }
0x2d: {  	s23 =	rddreg [dreg:$0xf]  }
0x2e: {  	s21 =	smov.u32 s24;
	s24 =	rddreg [dreg:$0xd];
	s14 =	sadd.s32 $0x1, s23  }
0x2f: {  	p2 =	sne.s32 s14, s24  }
.Ltmp1:
0x30: {  	_ = 	snop;
	(pc) =	sbr.rel @!p2 .LBB2_15-.Ltmp1, $3  }
0x31: {  	_ =	sdelay $0x1  }
0x32: {  	[sflag:s11] =	ssyncset.done @!p1 $0x0  }
0x33: {  	[sflag:s11] =	ssyncadd.s32 @!p1 $0xFFFFD800  }
.LBB2_1:
0x34: {  	[dreg:$0xf] =	wrdreg s14  }
0x35: {  	s11 =	rddreg [dreg:$0x4]  }
0x36: {  	s12 =	rddreg [dreg:$0xe];
	s23 =	simm.s32 $0x6  }
0x37: {  	[spmem:s12], [sflag:s21] =	dma.local [hbm:s11], $0x2800  }
0x38: {  	_ =	swait.ge [sflag:s23], $0x2800  }
0x39: {  	[sflag:s23] =	ssyncset.done $0x0  }
0x3a: {  	[sflag:s23] =	ssyncadd.s32 $0xFFFFD800  }
0x3b: {  	[bflag:$0x0] =	sbarrier.arrive $0xFFFF  }
.Ltmp2:
0x3c: {  	s24 =	rddreg [dreg:$0x7];
	(pc) =	sbr.rel @!p0 .LBB2_2-.Ltmp2, $4  }
0x3d: {  	[tilespmem:s2], [sflag:$0x1] =	stream.linear.gather [hbm4b:s24+s2], $0x100, $0x38;
	[tilespmem:$0x1A300] =	vst v63  }
0x3e: {  	_ =	swait.ge [sflag:s25], $0x100  }
0x3f: {  	[sflag:s25] =	ssyncset.done $0x0  }
0x40: {  	s14 =	simm.s32 $0x0;
	[sflag:s25] =	ssyncadd.s32 $0xFFFFFF00  }
0x41: {  	[tilespmem:s28], [sflag:$0x2] =	stream.indirect.gather [hbm4b:s5+s26], $0x80, s14, s26, $0xb8;
	[tilespmem:$0x1A300] =	vst v63  }
0x42: {  	s11 =	rddreg [dreg:$0xa]  }
0x43: {  	[tilespmem:s29], [sflag:$0x3] =	stream.linear.gather [hbm4b:s11+s14], $0x1000, $0x38;
	[tilespmem:$0x1A300] =	vst v63  }
0x44: {  	s24 =	rddreg [dreg:$0x9]  }
0x45: {  	[tilespmem:s30], [sflag:$0x1] =	stream.linear.gather [hbm4b:s24+s14], $0x100, $0x38;
	[tilespmem:$0x1A300] =	vst v63  }
.LBB2_9:
0x46: {  	_ =	swait.ge [sflag:s31], $0x1000  }
0x47: {  	[sflag:s31] =	ssyncset.done $0x0  }
0x48: {  	[sflag:s31] =	ssyncadd.s32 $0xFFFFF000  }
0x49: {  	_ =	swait.ge [sflag:s0], $0x1000  }
0x4a: {  	p2 =	seq.s32 s14, $0x0;
	[sflag:s0] =	ssyncset.done $0x0  }
0x4b: {  	s11 =	simm.s32 @!p2 $0x4;
	[sflag:s0] =	ssyncadd.s32 $0xFFFFF000  }
0x4c: {  	_ =	swait.ge @!p2 [sflag:s11], $0x1000  }
0x4d: {  	[sflag:s11] =	ssyncset.done @!p2 $0x0  }
0x4e: {  	[sflag:s11] =	ssyncadd.s32 @!p2 $0xFFFFF000  }
0x4f: {  	s24 =	sshll.u32 s14, $0xD;
	_ =	swait.ge [sflag:s25], $0x100  }
0x50: {  	s11 =	sadd.s32 s24, s17;
	[sflag:s25] =	ssyncset.done $0x0  }
0x51: {  	s11 =	sshrl.u32 s11, $0x3;
	[sflag:s25] =	ssyncadd.s32 $0xFFFFFF00  }
0x52: {  	[tilespmem:s4], [sflag:$0x2] =	stream.indirect.gather [hbm4b:s5+s26], $0x80, s30, s26, $0xb8;
	[tilespmem:$0x1A300] =	vst v63  }
0x53: {  	s11 =	sadd.s32 s7, s11  }
0x54: {  	[tilespmem:s15], [sflag:$0x3] =	stream.linear.gather [hbm4b:s11+s2], $0x1000, $0x38;
	[tilespmem:$0x1A300] =	vst v63  }
0x55: {  	v0 =	vld [tilespmem:$0x80]  }
0x56: {  	v1 =	vld [tilespmem:$0x90]  }
0x57: {  	s24 =	sshll.u32 s14, $0x1  }
0x58: {  	p3 =	seq.s32 s14, $0x9F;
	s21 =	sadd.s32 $0x2, s24  }
0x59: {  	s11 =	sadd.s32 @!p3 s10, s21  }
0x5a: {  	s11 =	sshll.u32 @!p3 s11, $0x5;
	[tilespmem:$0x200] =	vst v0  }
0x5b: {  	s22 =	simm.s32 $0x0;
	s12 =	simm.s32 @!p3 $0x0;
	s11 =	sadd.s32 @!p3 s8, s11;
	[tilespmem:$0x210] =	vst v1  }
0x5c: {  	[tilespmem:s12], [sflag:$0x1] =	stream.linear.gather @!p3 [hbm4b:s11+s12], $0x100, $0x38;
	[tilespmem:$0x1A300] =	vst v63  }
0x5d: {  	v0 =	vld [tilespmem:s22+$0x370]  }
0x5e: {  	v1 =	vld [tilespmem:s22+$0x2370]  }
0x5f: {  	v2 =	vld [tilespmem:s22+$0x300]  }
0x60: {  	v3 =	vld [tilespmem:s22+$0x2300]  }
0x61: {  	v4 =	vld [tilespmem:s22+$0x310]  }
0x62: {  	v5 =	vld [tilespmem:s22+$0x2310]  }
0x63: {  	v6 =	vld [tilespmem:s22+$0x320]  }
0x64: {  	v0 =	vadd.f32 v1, v0;
	v1 =	vld [tilespmem:s22+$0x2320]  }
0x65: {  	v7 =	vld [tilespmem:s22+$0x330]  }
0x66: {  	v8 =	vld [tilespmem:s22+$0x2330];
	v2 =	vadd.f32 v3, v2  }
0x67: {  	v9 =	vld [tilespmem:s22+$0x340];
	v0 =	vmax.f32 v0, $0.0e+00  }
0x68: {  	[tilespmem:s22+$0x4370] =	vst v0;
	v0 =	vmax.f32 v2, $0.0e+00;
	v2 =	vadd.f32 v5, v4;
	v5 =	vld [tilespmem:s22+$0x2340]  }
0x69: {  	v3 =	vld [tilespmem:s22+$0x2350];
	v1 =	vadd.f32 v1, v6  }
0x6a: {  	[tilespmem:s22+$0x4300] =	vst v0;
	v0 =	vld [tilespmem:s22+$0x350];
	v2 =	vmax.f32 v2, $0.0e+00  }
0x6b: {  	v4 =	vld [tilespmem:s22+$0x2360];
	v6 =	vadd.f32 v8, v7;
	[tilespmem:s22+$0x4310] =	vst v2;
	v2 =	vmax.f32 v1, $0.0e+00  }
0x6c: {  	s11 =	simm.s32 $0x80;
	v1 =	vld [tilespmem:s22+$0x360];
	[tilespmem:s22+$0x4320] =	vst v2  }
0x6d: {  	s12 =	simm.s32 $0x400;
	v6 =	vmax.f32 v6, $0.0e+00;
	v5 =	vadd.f32 v5, v9;
	v2 =	vld [tilespmem:s11+$0x370]  }
.LBB2_10:
0x6e: {  	p3 =	sne.s32 s12, $0x3E00;
	v7 =	vld [tilespmem:s11+$0x2370];
	[tilespmem:s22+$0x4330] =	vst v6  }
0x6f: {  	v6 =	vld [tilespmem:s11+$0x300];
	v5 =	vmax.f32 v5, $0.0e+00;
	v0 =	vadd.f32 v3, v0  }
0x70: {  	v3 =	vld [tilespmem:s11+$0x2300];
	[tilespmem:s22+$0x4340] =	vst v5  }
0x71: {  	v5 =	vld [tilespmem:s11+$0x310];
	v0 =	vmax.f32 v0, $0.0e+00;
	v1 =	vadd.f32 v4, v1  }
0x72: {  	v4 =	vld [tilespmem:s11+$0x2310];
	[tilespmem:s22+$0x4350] =	vst v0  }
0x73: {  	v0 =	vld [tilespmem:s11+$0x320];
	v2 =	vadd.f32 v7, v2;
	v1 =	vmax.f32 v1, $0.0e+00  }
0x74: {  	v7 =	vld [tilespmem:s11+$0x2320];
	[tilespmem:s22+$0x4360] =	vst v1;
	s22 =	smov.u32 s11  }
0x75: {  	v1 =	vadd.f32 v3, v6;
	v6 =	vld [tilespmem:s22+$0x330];
	v2 =	vmax.f32 v2, $0.0e+00  }
0x76: {  	v8 =	vld [tilespmem:s22+$0x2330];
	[tilespmem:s22+$0x4370] =	vst v2  }
0x77: {  	v1 =	vmax.f32 v1, $0.0e+00;
	v2 =	vadd.f32 v4, v5;
	v5 =	vld [tilespmem:s22+$0x340]  }
0x78: {  	[tilespmem:s22+$0x4300] =	vst v1;
	v9 =	vld [tilespmem:s22+$0x2340]  }
.Ltmp3:
0x79: {  	v1 =	vmax.f32 v2, $0.0e+00;
	v2 =	vadd.f32 v7, v0;
	v0 =	vld [tilespmem:s22+$0x350];
	(pc) =	sbr.rel @p3 .LBB2_10-.Ltmp3, $4  }
0x7a: {  	[tilespmem:s22+$0x4310] =	vst v1;
	v3 =	vld [tilespmem:s22+$0x2350]  }
0x7b: {  	v2 =	vmax.f32 v2, $0.0e+00;
	v6 =	vadd.f32 v8, v6;
	v1 =	vld [tilespmem:s22+$0x360]  }
0x7c: {  	s11 =	sshra.s32 s12, $0x2;
	[tilespmem:s22+$0x4320] =	vst v2;
	v4 =	vld [tilespmem:s22+$0x2360]  }
0x7d: {  	s12 =	sadd.s32 $0x200, s12;
	v2 =	vld [tilespmem:s11+$0x370];
	v6 =	vmax.f32 v6, $0.0e+00;
	v5 =	vadd.f32 v9, v5  }
0x7e: {  	v7 =	vld [tilespmem:s11+$0x2370];
	[tilespmem:s22+$0x4330] =	vst v6  }
0x7f: {  	v6 =	vld [tilespmem:s11+$0x300];
	v5 =	vmax.f32 v5, $0.0e+00;
	v0 =	vadd.f32 v3, v0  }
0x80: {  	v8 =	vld [tilespmem:s11+$0x2300];
	[tilespmem:s22+$0x4340] =	vst v5  }
0x81: {  	v3 =	vld [tilespmem:s11+$0x310];
	v0 =	vmax.f32 v0, $0.0e+00;
	v1 =	vadd.f32 v4, v1  }
0x82: {  	v5 =	vld [tilespmem:s11+$0x2310];
	[tilespmem:s22+$0x4350] =	vst v0  }
0x83: {  	v0 =	vld [tilespmem:s11+$0x320];
	v1 =	vmax.f32 v1, $0.0e+00  }
0x84: {  	v4 =	vld [tilespmem:s11+$0x2320];
	v2 =	vadd.f32 v7, v2;
	[tilespmem:s22+$0x4360] =	vst v1  }
0x85: {  	v6 =	vadd.f32 v8, v6;
	v1 =	vld [tilespmem:s11+$0x330]  }
0x86: {  	v2 =	vmax.f32 v2, $0.0e+00;
	v7 =	vld [tilespmem:s11+$0x2330]  }
0x87: {  	[tilespmem:s11+$0x4370] =	vst v2;
	v2 =	vmax.f32 v6, $0.0e+00;
	v6 =	vld [tilespmem:s11+$0x340]  }
0x88: {  	v3 =	vadd.f32 v5, v3;
	v5 =	vld [tilespmem:s11+$0x350]  }
0x89: {  	[tilespmem:s11+$0x4300] =	vst v2;
	v2 =	vld [tilespmem:s11+$0x2340];
	v0 =	vadd.f32 v4, v0  }
0x8a: {  	v3 =	vmax.f32 v3, $0.0e+00;
	v4 =	vld [tilespmem:s11+$0x360]  }
0x8b: {  	[tilespmem:s11+$0x4310] =	vst v3;
	v3 =	vld [tilespmem:s11+$0x2350];
	v0 =	vmax.f32 v0, $0.0e+00  }
0x8c: {  	[tilespmem:s11+$0x4320] =	vst v0;
	v0 =	vld [tilespmem:s11+$0x2360];
	_ =	sdelay $0x1  }
0x8d: {  	v1 =	vadd.f32 v7, v1  }
0x8e: {  	v2 =	vadd.f32 v2, v6  }
0x8f: {  	v1 =	vmax.f32 v1, $0.0e+00;
	v3 =	vadd.f32 v3, v5  }
0x90: {  	[tilespmem:s11+$0x4330] =	vst v1;
	v1 =	vmax.f32 v2, $0.0e+00;
	v0 =	vadd.f32 v0, v4  }
0x91: {  	[tilespmem:s11+$0x4340] =	vst v1;
	v1 =	vmax.f32 v3, $0.0e+00  }
0x92: {  	[tilespmem:s11+$0x4350] =	vst v1;
	v0 =	vmax.f32 v0, $0.0e+00  }
0x93: {  	[tilespmem:s11+$0x4360] =	vst v0  }
0x94: {  	[spmem:s1] =	stream.indirect.scatter.add.f32 [tilespmem:s9], [sflag:$0x4], $0x80, s19, s26, $0xb8;
	[tilespmem:$0x1A300] =	vst v63  }
0x95: {  	_ =	swait.ge [sflag:s31], $0x1000  }
0x96: {  	[sflag:s31] =	ssyncset.done $0x0  }
0x97: {  	[sflag:s31] =	ssyncadd.s32 $0xFFFFF000  }
0x98: {  	_ =	swait.ge [sflag:s0], $0x1000  }
0x99: {  	[sflag:s0] =	ssyncset.done $0x0  }
0x9a: {  	s11 =	simm.s32 @!p2 $0x5;
	[sflag:s0] =	ssyncadd.s32 $0xFFFFF000  }
0x9b: {  	_ =	swait.ge @!p2 [sflag:s11], $0x1000  }
0x9c: {  	p3 =	sne.s32 @!p2 s14, $0x9F;
	[sflag:s11] =	ssyncset.done @!p2 $0x0  }
0x9d: {  	p3 =	por p2, p3;
	[sflag:s11] =	ssyncadd.s32 @!p2 $0xFFFFF000  }
0x9e: {  	v0 =	vld @!p3 [tilespmem:$0x180]  }
0x9f: {  	v1 =	vld @!p3 [tilespmem:$0x190];
	_ =	sdelay $0x3  }
0xa0: {  	[tilespmem:$0x280] =	vst @!p3 v0  }
0xa1: {  	[tilespmem:$0x290] =	vst @!p3 v1  }
0xa2: {  	s11 =	sshll.u32 @p3 s21, $0xC;
	_ =	swait.ge @p3 [sflag:s25], $0x100  }
0xa3: {  	s11 =	sadd.s32 @p3 s13, s11;
	[sflag:s25] =	ssyncset.done @p3 $0x0  }
0xa4: {  	s11 =	sshrl.u32 @p3 s11, $0x3;
	[sflag:s25] =	ssyncadd.s32 @p3 $0xFFFFFF00  }
0xa5: {  	[tilespmem:s28], [sflag:$0x2] =	stream.indirect.gather @p3 [hbm4b:s5+s26], $0x80, s2, s26, $0xb8;
	[tilespmem:$0x1A300] =	vst v63  }
0xa6: {  	s11 =	sadd.s32 @p3 s7, s11  }
0xa7: {  	[tilespmem:s29], [sflag:$0x3] =	stream.linear.gather @p3 [hbm4b:s11+s2], $0x1000, $0x38;
	[tilespmem:$0x1A300] =	vst v63  }
0xa8: {  	v0 =	vld @p3 [tilespmem:$0x180]  }
0xa9: {  	v1 =	vld @p3 [tilespmem:$0x190];
	_ =	sdelay $0x2  }
0xaa: {  	s11 =	sadd.s32 @p3 s24, s18  }
0xab: {  	s11 =	sshll.u32 @p3 s11, $0x5;
	[tilespmem:$0x280] =	vst @p3 v0  }
0xac: {  	s21 =	simm.s32 $0x0;
	s11 =	sadd.s32 @p3 s8, s11;
	[tilespmem:$0x290] =	vst @p3 v1  }
0xad: {  	[tilespmem:s30], [sflag:$0x1] =	stream.linear.gather @p3 [hbm4b:s11+s2], $0x100, $0x38;
	[tilespmem:$0x1A300] =	vst v63  }
0xae: {  	v0 =	vld [tilespmem:s21+$0x1370]  }
0xaf: {  	v1 =	vld [tilespmem:s21+$0x3370]  }
0xb0: {  	v2 =	vld [tilespmem:s21+$0x1300]  }
0xb1: {  	v3 =	vld [tilespmem:s21+$0x3300]  }
0xb2: {  	v4 =	vld [tilespmem:s21+$0x1310]  }
0xb3: {  	v5 =	vld [tilespmem:s21+$0x3310]  }
0xb4: {  	v6 =	vld [tilespmem:s21+$0x1320]  }
0xb5: {  	v0 =	vadd.f32 v1, v0;
	v1 =	vld [tilespmem:s21+$0x3320]  }
0xb6: {  	v7 =	vld [tilespmem:s21+$0x1330]  }
0xb7: {  	v8 =	vld [tilespmem:s21+$0x3330];
	v2 =	vadd.f32 v3, v2  }
0xb8: {  	v9 =	vld [tilespmem:s21+$0x1340];
	v0 =	vmax.f32 v0, $0.0e+00  }
0xb9: {  	[tilespmem:s21+$0x5370] =	vst v0;
	v0 =	vmax.f32 v2, $0.0e+00;
	v2 =	vadd.f32 v5, v4;
	v5 =	vld [tilespmem:s21+$0x3340]  }
0xba: {  	v3 =	vld [tilespmem:s21+$0x3350];
	v1 =	vadd.f32 v1, v6  }
0xbb: {  	[tilespmem:s21+$0x5300] =	vst v0;
	v0 =	vld [tilespmem:s21+$0x1350];
	v2 =	vmax.f32 v2, $0.0e+00  }
0xbc: {  	v4 =	vld [tilespmem:s21+$0x3360];
	v6 =	vadd.f32 v8, v7;
	[tilespmem:s21+$0x5310] =	vst v2;
	v2 =	vmax.f32 v1, $0.0e+00  }
0xbd: {  	s11 =	simm.s32 $0x80;
	v1 =	vld [tilespmem:s21+$0x1360];
	[tilespmem:s21+$0x5320] =	vst v2  }
0xbe: {  	s12 =	simm.s32 $0x400;
	v6 =	vmax.f32 v6, $0.0e+00;
	v5 =	vadd.f32 v5, v9;
	v2 =	vld [tilespmem:s11+$0x1370]  }
.LBB2_12:
0xbf: {  	p2 =	sne.s32 s12, $0x3E00;
	v7 =	vld [tilespmem:s11+$0x3370];
	[tilespmem:s21+$0x5330] =	vst v6  }
0xc0: {  	v6 =	vld [tilespmem:s11+$0x1300];
	v5 =	vmax.f32 v5, $0.0e+00;
	v0 =	vadd.f32 v3, v0  }
0xc1: {  	v3 =	vld [tilespmem:s11+$0x3300];
	[tilespmem:s21+$0x5340] =	vst v5  }
0xc2: {  	v5 =	vld [tilespmem:s11+$0x1310];
	v0 =	vmax.f32 v0, $0.0e+00;
	v1 =	vadd.f32 v4, v1  }
0xc3: {  	v4 =	vld [tilespmem:s11+$0x3310];
	[tilespmem:s21+$0x5350] =	vst v0  }
0xc4: {  	v0 =	vld [tilespmem:s11+$0x1320];
	v2 =	vadd.f32 v7, v2;
	v1 =	vmax.f32 v1, $0.0e+00  }
0xc5: {  	v7 =	vld [tilespmem:s11+$0x3320];
	[tilespmem:s21+$0x5360] =	vst v1;
	s21 =	smov.u32 s11  }
0xc6: {  	v1 =	vadd.f32 v3, v6;
	v6 =	vld [tilespmem:s21+$0x1330];
	v2 =	vmax.f32 v2, $0.0e+00  }
0xc7: {  	v8 =	vld [tilespmem:s21+$0x3330];
	[tilespmem:s21+$0x5370] =	vst v2  }
0xc8: {  	v1 =	vmax.f32 v1, $0.0e+00;
	v2 =	vadd.f32 v4, v5;
	v5 =	vld [tilespmem:s21+$0x1340]  }
0xc9: {  	[tilespmem:s21+$0x5300] =	vst v1;
	v9 =	vld [tilespmem:s21+$0x3340]  }
.Ltmp4:
0xca: {  	v1 =	vmax.f32 v2, $0.0e+00;
	v2 =	vadd.f32 v7, v0;
	v0 =	vld [tilespmem:s21+$0x1350];
	(pc) =	sbr.rel @p2 .LBB2_12-.Ltmp4, $4  }
0xcb: {  	[tilespmem:s21+$0x5310] =	vst v1;
	v3 =	vld [tilespmem:s21+$0x3350]  }
0xcc: {  	v2 =	vmax.f32 v2, $0.0e+00;
	v6 =	vadd.f32 v8, v6;
	v1 =	vld [tilespmem:s21+$0x1360]  }
0xcd: {  	s11 =	sshra.s32 s12, $0x2;
	[tilespmem:s21+$0x5320] =	vst v2;
	v4 =	vld [tilespmem:s21+$0x3360]  }
0xce: {  	s12 =	sadd.s32 $0x200, s12;
	v2 =	vld [tilespmem:s11+$0x1370];
	v6 =	vmax.f32 v6, $0.0e+00;
	v5 =	vadd.f32 v9, v5  }
0xcf: {  	v7 =	vld [tilespmem:s11+$0x3370];
	[tilespmem:s21+$0x5330] =	vst v6  }
0xd0: {  	v6 =	vld [tilespmem:s11+$0x1300];
	v5 =	vmax.f32 v5, $0.0e+00;
	v0 =	vadd.f32 v3, v0  }
0xd1: {  	v8 =	vld [tilespmem:s11+$0x3300];
	[tilespmem:s21+$0x5340] =	vst v5  }
0xd2: {  	v52 =	vld [tilespmem:s11+$0x1310];
	v0 =	vmax.f32 v0, $0.0e+00;
	v1 =	vadd.f32 v4, v1  }
0xd3: {  	v5 =	vld [tilespmem:s11+$0x3310];
	[tilespmem:s21+$0x5350] =	vst v0  }
0xd4: {  	v0 =	vld [tilespmem:s11+$0x1320];
	v1 =	vmax.f32 v1, $0.0e+00  }
0xd5: {  	v53 =	vld [tilespmem:s11+$0x3320];
	[tilespmem:s21+$0x5360] =	vst v1  }
0xd6: {  	v1 =	vld [tilespmem:s11+$0x1330]  }
0xd7: {  	v54 =	vld [tilespmem:s11+$0x3330]  }
0xd8: {  	v56 =	vld [tilespmem:s11+$0x1340]  }
0xd9: {  	v57 =	vld [tilespmem:s11+$0x3340]  }
0xda: {  	v58 =	vld [tilespmem:s11+$0x1350]  }
0xdb: {  	v2 =	vadd.f32 v7, v2;
	v59 =	vld [tilespmem:s11+$0x3350]  }
0xdc: {  	v6 =	vadd.f32 v8, v6;
	v60 =	vld [tilespmem:s11+$0x1360]  }
0xdd: {  	v2 =	vmax.f32 v2, $0.0e+00;
	v61 =	vld [tilespmem:s11+$0x3360];
	v3 =	vadd.f32 v5, v52  }
0xde: {  	[tilespmem:s11+$0x5370] =	vst v2;
	v55 =	vmax.f32 v6, $0.0e+00;
	v0 =	vadd.f32 v53, v0  }
0xdf: {  	[tilespmem:s11+$0x5300] =	vst v55;
	v3 =	vmax.f32 v3, $0.0e+00;
	v1 =	vadd.f32 v54, v1  }
0xe0: {  	s14 =	sadd.s32 $0x1, s14;
	[tilespmem:s11+$0x5310] =	vst v3;
	v0 =	vmax.f32 v0, $0.0e+00;
	v2 =	vadd.f32 v57, v56  }
0xe1: {  	p2 =	sne.s32 s14, $0xA0;
	v3 =	vadd.f32 v59, v58;
	[tilespmem:s11+$0x5320] =	vst v0;
	v1 =	vmax.f32 v1, $0.0e+00  }
.Ltmp5:
0xe2: {  	v0 =	vadd.f32 v61, v60;
	v62 =	vmax.f32 v2, $0.0e+00;
	[tilespmem:s11+$0x5330] =	vst v1;
	(pc) =	sbr.rel @p2 .LBB2_9-.Ltmp5, $4  }
.Ltmp6:
0xe3: {  	v63 =	vmax.f32 v3, $0.0e+00;
	[tilespmem:s11+$0x5340] =	vst v62;
	(pc) =	sbr.rel @!p2 .LBB2_14-.Ltmp6, $4  }
0xe4: {  	[tilespmem:s11+$0x5350] =	vst v63;
	v0 =	vmax.f32 v0, $0.0e+00  }
0xe5: {  	[tilespmem:s11+$0x5360] =	vst v0  }
0xe6: {  	[spmem:s1] =	stream.indirect.scatter.add.f32 [tilespmem:s20], [sflag:$0x5], $0x80, s16, s26, $0xb8;
	[tilespmem:$0x1A300] =	vst v63  }
0xe7: {  	_ = 	snop  }
.LBB2_2:
0xe8: {  	[tilespmem:s28], [sflag:$0x2] =	stream.indirect.gather [hbm4b:s3+s26], $0x80, s14, s26, $0xb8;
	[tilespmem:$0x1A300] =	vst v63  }
0xe9: {  	s11 =	rddreg [dreg:$0x8]  }
0xea: {  	[tilespmem:s29], [sflag:$0x3] =	stream.linear.gather [hbm4b:s11+s14], $0x1000, $0x38;
	[tilespmem:$0x1A300] =	vst v63  }
0xeb: {  	s24 =	rddreg [dreg:$0x9]  }
0xec: {  	[tilespmem:s30], [sflag:$0x1] =	stream.linear.gather [hbm4b:s24+s14], $0x100, $0x38;
	[tilespmem:$0x1A300] =	vst v63  }
.LBB2_3:
0xed: {  	_ =	swait.ge [sflag:s31], $0x1000  }
0xee: {  	[sflag:s31] =	ssyncset.done $0x0  }
0xef: {  	[sflag:s31] =	ssyncadd.s32 $0xFFFFF000  }
0xf0: {  	_ =	swait.ge [sflag:s0], $0x1000  }
0xf1: {  	p2 =	seq.s32 s14, $0x0;
	[sflag:s0] =	ssyncset.done $0x0  }
0xf2: {  	s11 =	simm.s32 @!p2 $0x4;
	[sflag:s0] =	ssyncadd.s32 $0xFFFFF000  }
0xf3: {  	_ =	swait.ge @!p2 [sflag:s11], $0x1000  }
0xf4: {  	[sflag:s11] =	ssyncset.done @!p2 $0x0  }
0xf5: {  	[sflag:s11] =	ssyncadd.s32 @!p2 $0xFFFFF000  }
0xf6: {  	s24 =	sshll.u32 s14, $0xD;
	_ =	swait.ge [sflag:s25], $0x100  }
0xf7: {  	s11 =	sadd.s32 s24, s17;
	[sflag:s25] =	ssyncset.done $0x0  }
0xf8: {  	s11 =	sshrl.u32 s11, $0x3;
	[sflag:s25] =	ssyncadd.s32 $0xFFFFFF00  }
0xf9: {  	[tilespmem:s4], [sflag:$0x2] =	stream.indirect.gather [hbm4b:s3+s26], $0x80, s30, s26, $0xb8;
	[tilespmem:$0x1A300] =	vst v63  }
0xfa: {  	s11 =	sadd.s32 s6, s11  }
0xfb: {  	[tilespmem:s15], [sflag:$0x3] =	stream.linear.gather [hbm4b:s11+s2], $0x1000, $0x38;
	[tilespmem:$0x1A300] =	vst v63  }
0xfc: {  	v0 =	vld [tilespmem:$0x80]  }
0xfd: {  	v1 =	vld [tilespmem:$0x90]  }
0xfe: {  	s24 =	sshll.u32 s14, $0x1  }
0xff: {  	p3 =	seq.s32 s14, $0x9F;
	s21 =	sadd.s32 $0x2, s24  }
0x100: {  	s11 =	sadd.s32 @!p3 s10, s21  }
0x101: {  	s11 =	sshll.u32 @!p3 s11, $0x5;
	[tilespmem:$0x200] =	vst v0  }
0x102: {  	s22 =	simm.s32 $0x0;
	s12 =	simm.s32 @!p3 $0x0;
	s11 =	sadd.s32 @!p3 s8, s11;
	[tilespmem:$0x210] =	vst v1  }
0x103: {  	[tilespmem:s12], [sflag:$0x1] =	stream.linear.gather @!p3 [hbm4b:s11+s12], $0x100, $0x38;
	[tilespmem:$0x1A300] =	vst v63  }
0x104: {  	v0 =	vld [tilespmem:s22+$0x370]  }
0x105: {  	v1 =	vld [tilespmem:s22+$0x2370]  }
0x106: {  	v2 =	vld [tilespmem:s22+$0x300]  }
0x107: {  	v3 =	vld [tilespmem:s22+$0x2300]  }
0x108: {  	v4 =	vld [tilespmem:s22+$0x310]  }
0x109: {  	v5 =	vld [tilespmem:s22+$0x2310]  }
0x10a: {  	v6 =	vld [tilespmem:s22+$0x320]  }
0x10b: {  	v0 =	vadd.f32 v1, v0;
	v1 =	vld [tilespmem:s22+$0x2320]  }
0x10c: {  	v7 =	vld [tilespmem:s22+$0x330]  }
0x10d: {  	v8 =	vld [tilespmem:s22+$0x2330];
	v2 =	vadd.f32 v3, v2  }
0x10e: {  	v9 =	vld [tilespmem:s22+$0x340];
	v0 =	vmax.f32 v0, $0.0e+00  }
0x10f: {  	[tilespmem:s22+$0x4370] =	vst v0;
	v0 =	vmax.f32 v2, $0.0e+00;
	v2 =	vadd.f32 v5, v4;
	v5 =	vld [tilespmem:s22+$0x2340]  }
0x110: {  	v3 =	vld [tilespmem:s22+$0x2350];
	v1 =	vadd.f32 v1, v6  }
0x111: {  	[tilespmem:s22+$0x4300] =	vst v0;
	v0 =	vld [tilespmem:s22+$0x350];
	v2 =	vmax.f32 v2, $0.0e+00  }
0x112: {  	v4 =	vld [tilespmem:s22+$0x2360];
	v6 =	vadd.f32 v8, v7;
	[tilespmem:s22+$0x4310] =	vst v2;
	v2 =	vmax.f32 v1, $0.0e+00  }
0x113: {  	s11 =	simm.s32 $0x80;
	v1 =	vld [tilespmem:s22+$0x360];
	[tilespmem:s22+$0x4320] =	vst v2  }
0x114: {  	s12 =	simm.s32 $0x400;
	v6 =	vmax.f32 v6, $0.0e+00;
	v5 =	vadd.f32 v5, v9;
	v2 =	vld [tilespmem:s11+$0x370]  }
.LBB2_4:
0x115: {  	p3 =	sne.s32 s12, $0x3E00;
	v7 =	vld [tilespmem:s11+$0x2370];
	[tilespmem:s22+$0x4330] =	vst v6  }
0x116: {  	v6 =	vld [tilespmem:s11+$0x300];
	v5 =	vmax.f32 v5, $0.0e+00;
	v0 =	vadd.f32 v3, v0  }
0x117: {  	v3 =	vld [tilespmem:s11+$0x2300];
	[tilespmem:s22+$0x4340] =	vst v5  }
0x118: {  	v5 =	vld [tilespmem:s11+$0x310];
	v0 =	vmax.f32 v0, $0.0e+00;
	v1 =	vadd.f32 v4, v1  }
0x119: {  	v4 =	vld [tilespmem:s11+$0x2310];
	[tilespmem:s22+$0x4350] =	vst v0  }
0x11a: {  	v0 =	vld [tilespmem:s11+$0x320];
	v2 =	vadd.f32 v7, v2;
	v1 =	vmax.f32 v1, $0.0e+00  }
0x11b: {  	v7 =	vld [tilespmem:s11+$0x2320];
	[tilespmem:s22+$0x4360] =	vst v1;
	s22 =	smov.u32 s11  }
0x11c: {  	v1 =	vadd.f32 v3, v6;
	v6 =	vld [tilespmem:s22+$0x330];
	v2 =	vmax.f32 v2, $0.0e+00  }
0x11d: {  	v8 =	vld [tilespmem:s22+$0x2330];
	[tilespmem:s22+$0x4370] =	vst v2  }
0x11e: {  	v1 =	vmax.f32 v1, $0.0e+00;
	v2 =	vadd.f32 v4, v5;
	v5 =	vld [tilespmem:s22+$0x340]  }
0x11f: {  	[tilespmem:s22+$0x4300] =	vst v1;
	v9 =	vld [tilespmem:s22+$0x2340]  }
.Ltmp7:
0x120: {  	v1 =	vmax.f32 v2, $0.0e+00;
	v2 =	vadd.f32 v7, v0;
	v0 =	vld [tilespmem:s22+$0x350];
	(pc) =	sbr.rel @p3 .LBB2_4-.Ltmp7, $4  }
0x121: {  	[tilespmem:s22+$0x4310] =	vst v1;
	v3 =	vld [tilespmem:s22+$0x2350]  }
0x122: {  	v2 =	vmax.f32 v2, $0.0e+00;
	v6 =	vadd.f32 v8, v6;
	v1 =	vld [tilespmem:s22+$0x360]  }
0x123: {  	s11 =	sshra.s32 s12, $0x2;
	[tilespmem:s22+$0x4320] =	vst v2;
	v4 =	vld [tilespmem:s22+$0x2360]  }
0x124: {  	s12 =	sadd.s32 $0x200, s12;
	v2 =	vld [tilespmem:s11+$0x370];
	v6 =	vmax.f32 v6, $0.0e+00;
	v5 =	vadd.f32 v9, v5  }
0x125: {  	v7 =	vld [tilespmem:s11+$0x2370];
	[tilespmem:s22+$0x4330] =	vst v6  }
0x126: {  	v6 =	vld [tilespmem:s11+$0x300];
	v5 =	vmax.f32 v5, $0.0e+00;
	v0 =	vadd.f32 v3, v0  }
0x127: {  	v8 =	vld [tilespmem:s11+$0x2300];
	[tilespmem:s22+$0x4340] =	vst v5  }
0x128: {  	v3 =	vld [tilespmem:s11+$0x310];
	v0 =	vmax.f32 v0, $0.0e+00;
	v1 =	vadd.f32 v4, v1  }
0x129: {  	v5 =	vld [tilespmem:s11+$0x2310];
	[tilespmem:s22+$0x4350] =	vst v0  }
0x12a: {  	v0 =	vld [tilespmem:s11+$0x320];
	v1 =	vmax.f32 v1, $0.0e+00  }
0x12b: {  	v4 =	vld [tilespmem:s11+$0x2320];
	v2 =	vadd.f32 v7, v2;
	[tilespmem:s22+$0x4360] =	vst v1  }
0x12c: {  	v6 =	vadd.f32 v8, v6;
	v1 =	vld [tilespmem:s11+$0x330]  }
0x12d: {  	v2 =	vmax.f32 v2, $0.0e+00;
	v7 =	vld [tilespmem:s11+$0x2330]  }
0x12e: {  	[tilespmem:s11+$0x4370] =	vst v2;
	v2 =	vmax.f32 v6, $0.0e+00;
	v6 =	vld [tilespmem:s11+$0x340]  }
0x12f: {  	v3 =	vadd.f32 v5, v3;
	v5 =	vld [tilespmem:s11+$0x350]  }
0x130: {  	[tilespmem:s11+$0x4300] =	vst v2;
	v2 =	vld [tilespmem:s11+$0x2340];
	v0 =	vadd.f32 v4, v0  }
0x131: {  	v3 =	vmax.f32 v3, $0.0e+00;
	v4 =	vld [tilespmem:s11+$0x360]  }
0x132: {  	[tilespmem:s11+$0x4310] =	vst v3;
	v3 =	vld [tilespmem:s11+$0x2350];
	v0 =	vmax.f32 v0, $0.0e+00  }
0x133: {  	[tilespmem:s11+$0x4320] =	vst v0;
	v0 =	vld [tilespmem:s11+$0x2360];
	_ =	sdelay $0x1  }
0x134: {  	v1 =	vadd.f32 v7, v1  }
0x135: {  	v2 =	vadd.f32 v2, v6  }
0x136: {  	v1 =	vmax.f32 v1, $0.0e+00;
	v3 =	vadd.f32 v3, v5  }
0x137: {  	[tilespmem:s11+$0x4330] =	vst v1;
	v1 =	vmax.f32 v2, $0.0e+00;
	v0 =	vadd.f32 v0, v4  }
0x138: {  	[tilespmem:s11+$0x4340] =	vst v1;
	v1 =	vmax.f32 v3, $0.0e+00  }
0x139: {  	[tilespmem:s11+$0x4350] =	vst v1;
	v0 =	vmax.f32 v0, $0.0e+00  }
0x13a: {  	[tilespmem:s11+$0x4360] =	vst v0  }
0x13b: {  	[spmem:s1] =	stream.indirect.scatter.add.f32 [tilespmem:s9], [sflag:$0x4], $0x80, s19, s26, $0xb8;
	[tilespmem:$0x1A300] =	vst v63  }
0x13c: {  	_ =	swait.ge [sflag:s31], $0x1000  }
0x13d: {  	[sflag:s31] =	ssyncset.done $0x0  }
0x13e: {  	[sflag:s31] =	ssyncadd.s32 $0xFFFFF000  }
0x13f: {  	_ =	swait.ge [sflag:s0], $0x1000  }
0x140: {  	[sflag:s0] =	ssyncset.done $0x0  }
0x141: {  	s11 =	simm.s32 @!p2 $0x5;
	[sflag:s0] =	ssyncadd.s32 $0xFFFFF000  }
0x142: {  	_ =	swait.ge @!p2 [sflag:s11], $0x1000  }
0x143: {  	p3 =	sne.s32 @!p2 s14, $0x9F;
	[sflag:s11] =	ssyncset.done @!p2 $0x0  }
0x144: {  	p3 =	por p2, p3;
	[sflag:s11] =	ssyncadd.s32 @!p2 $0xFFFFF000  }
0x145: {  	v0 =	vld @!p3 [tilespmem:$0x180]  }
0x146: {  	v1 =	vld @!p3 [tilespmem:$0x190];
	_ =	sdelay $0x3  }
0x147: {  	[tilespmem:$0x280] =	vst @!p3 v0  }
0x148: {  	[tilespmem:$0x290] =	vst @!p3 v1  }
0x149: {  	s11 =	sshll.u32 @p3 s21, $0xC;
	_ =	swait.ge @p3 [sflag:s25], $0x100  }
0x14a: {  	s11 =	sadd.s32 @p3 s13, s11;
	[sflag:s25] =	ssyncset.done @p3 $0x0  }
0x14b: {  	s11 =	sshrl.u32 @p3 s11, $0x3;
	[sflag:s25] =	ssyncadd.s32 @p3 $0xFFFFFF00  }
0x14c: {  	[tilespmem:s28], [sflag:$0x2] =	stream.indirect.gather @p3 [hbm4b:s3+s26], $0x80, s2, s26, $0xb8;
	[tilespmem:$0x1A300] =	vst v63  }
0x14d: {  	s11 =	sadd.s32 @p3 s6, s11  }
0x14e: {  	[tilespmem:s29], [sflag:$0x3] =	stream.linear.gather @p3 [hbm4b:s11+s2], $0x1000, $0x38;
	[tilespmem:$0x1A300] =	vst v63  }
0x14f: {  	v0 =	vld @p3 [tilespmem:$0x180]  }
0x150: {  	v1 =	vld @p3 [tilespmem:$0x190];
	_ =	sdelay $0x2  }
0x151: {  	s11 =	sadd.s32 @p3 s24, s18  }
0x152: {  	s11 =	sshll.u32 @p3 s11, $0x5;
	[tilespmem:$0x280] =	vst @p3 v0  }
0x153: {  	s21 =	simm.s32 $0x0;
	s11 =	sadd.s32 @p3 s8, s11;
	[tilespmem:$0x290] =	vst @p3 v1  }
0x154: {  	[tilespmem:s30], [sflag:$0x1] =	stream.linear.gather @p3 [hbm4b:s11+s2], $0x100, $0x38;
	[tilespmem:$0x1A300] =	vst v63  }
0x155: {  	v0 =	vld [tilespmem:s21+$0x1370]  }
0x156: {  	v1 =	vld [tilespmem:s21+$0x3370]  }
0x157: {  	v2 =	vld [tilespmem:s21+$0x1300]  }
0x158: {  	v3 =	vld [tilespmem:s21+$0x3300]  }
0x159: {  	v4 =	vld [tilespmem:s21+$0x1310]  }
0x15a: {  	v5 =	vld [tilespmem:s21+$0x3310]  }
0x15b: {  	v6 =	vld [tilespmem:s21+$0x1320]  }
0x15c: {  	v0 =	vadd.f32 v1, v0;
	v1 =	vld [tilespmem:s21+$0x3320]  }
0x15d: {  	v7 =	vld [tilespmem:s21+$0x1330]  }
0x15e: {  	v8 =	vld [tilespmem:s21+$0x3330];
	v2 =	vadd.f32 v3, v2  }
0x15f: {  	v9 =	vld [tilespmem:s21+$0x1340];
	v0 =	vmax.f32 v0, $0.0e+00  }
0x160: {  	[tilespmem:s21+$0x5370] =	vst v0;
	v0 =	vmax.f32 v2, $0.0e+00;
	v2 =	vadd.f32 v5, v4;
	v5 =	vld [tilespmem:s21+$0x3340]  }
0x161: {  	v3 =	vld [tilespmem:s21+$0x3350];
	v1 =	vadd.f32 v1, v6  }
0x162: {  	[tilespmem:s21+$0x5300] =	vst v0;
	v0 =	vld [tilespmem:s21+$0x1350];
	v2 =	vmax.f32 v2, $0.0e+00  }
0x163: {  	v4 =	vld [tilespmem:s21+$0x3360];
	v6 =	vadd.f32 v8, v7;
	[tilespmem:s21+$0x5310] =	vst v2;
	v2 =	vmax.f32 v1, $0.0e+00  }
0x164: {  	s11 =	simm.s32 $0x80;
	v1 =	vld [tilespmem:s21+$0x1360];
	[tilespmem:s21+$0x5320] =	vst v2  }
0x165: {  	s12 =	simm.s32 $0x400;
	v6 =	vmax.f32 v6, $0.0e+00;
	v5 =	vadd.f32 v5, v9;
	v2 =	vld [tilespmem:s11+$0x1370]  }
.LBB2_6:
0x166: {  	p2 =	sne.s32 s12, $0x3E00;
	v7 =	vld [tilespmem:s11+$0x3370];
	[tilespmem:s21+$0x5330] =	vst v6  }
0x167: {  	v6 =	vld [tilespmem:s11+$0x1300];
	v5 =	vmax.f32 v5, $0.0e+00;
	v0 =	vadd.f32 v3, v0  }
0x168: {  	v3 =	vld [tilespmem:s11+$0x3300];
	[tilespmem:s21+$0x5340] =	vst v5  }
0x169: {  	v5 =	vld [tilespmem:s11+$0x1310];
	v0 =	vmax.f32 v0, $0.0e+00;
	v1 =	vadd.f32 v4, v1  }
0x16a: {  	v4 =	vld [tilespmem:s11+$0x3310];
	[tilespmem:s21+$0x5350] =	vst v0  }
0x16b: {  	v0 =	vld [tilespmem:s11+$0x1320];
	v2 =	vadd.f32 v7, v2;
	v1 =	vmax.f32 v1, $0.0e+00  }
0x16c: {  	v7 =	vld [tilespmem:s11+$0x3320];
	[tilespmem:s21+$0x5360] =	vst v1;
	s21 =	smov.u32 s11  }
0x16d: {  	v1 =	vadd.f32 v3, v6;
	v6 =	vld [tilespmem:s21+$0x1330];
	v2 =	vmax.f32 v2, $0.0e+00  }
0x16e: {  	v8 =	vld [tilespmem:s21+$0x3330];
	[tilespmem:s21+$0x5370] =	vst v2  }
0x16f: {  	v1 =	vmax.f32 v1, $0.0e+00;
	v2 =	vadd.f32 v4, v5;
	v5 =	vld [tilespmem:s21+$0x1340]  }
0x170: {  	[tilespmem:s21+$0x5300] =	vst v1;
	v9 =	vld [tilespmem:s21+$0x3340]  }
.Ltmp8:
0x171: {  	v1 =	vmax.f32 v2, $0.0e+00;
	v2 =	vadd.f32 v7, v0;
	v0 =	vld [tilespmem:s21+$0x1350];
	(pc) =	sbr.rel @p2 .LBB2_6-.Ltmp8, $4  }
0x172: {  	[tilespmem:s21+$0x5310] =	vst v1;
	v3 =	vld [tilespmem:s21+$0x3350]  }
0x173: {  	v2 =	vmax.f32 v2, $0.0e+00;
	v6 =	vadd.f32 v8, v6;
	v1 =	vld [tilespmem:s21+$0x1360]  }
0x174: {  	s11 =	sshra.s32 s12, $0x2;
	[tilespmem:s21+$0x5320] =	vst v2;
	v4 =	vld [tilespmem:s21+$0x3360]  }
0x175: {  	s12 =	sadd.s32 $0x200, s12;
	v2 =	vld [tilespmem:s11+$0x1370];
	v6 =	vmax.f32 v6, $0.0e+00;
	v5 =	vadd.f32 v9, v5  }
0x176: {  	v7 =	vld [tilespmem:s11+$0x3370];
	[tilespmem:s21+$0x5330] =	vst v6  }
0x177: {  	v6 =	vld [tilespmem:s11+$0x1300];
	v5 =	vmax.f32 v5, $0.0e+00;
	v0 =	vadd.f32 v3, v0  }
0x178: {  	v8 =	vld [tilespmem:s11+$0x3300];
	[tilespmem:s21+$0x5340] =	vst v5  }
0x179: {  	v52 =	vld [tilespmem:s11+$0x1310];
	v0 =	vmax.f32 v0, $0.0e+00;
	v1 =	vadd.f32 v4, v1  }
0x17a: {  	v5 =	vld [tilespmem:s11+$0x3310];
	[tilespmem:s21+$0x5350] =	vst v0  }
0x17b: {  	v0 =	vld [tilespmem:s11+$0x1320];
	v1 =	vmax.f32 v1, $0.0e+00  }
0x17c: {  	v53 =	vld [tilespmem:s11+$0x3320];
	[tilespmem:s21+$0x5360] =	vst v1  }
0x17d: {  	v1 =	vld [tilespmem:s11+$0x1330]  }
0x17e: {  	v54 =	vld [tilespmem:s11+$0x3330]  }
0x17f: {  	v56 =	vld [tilespmem:s11+$0x1340]  }
0x180: {  	v57 =	vld [tilespmem:s11+$0x3340]  }
0x181: {  	v58 =	vld [tilespmem:s11+$0x1350]  }
0x182: {  	v2 =	vadd.f32 v7, v2;
	v59 =	vld [tilespmem:s11+$0x3350]  }
0x183: {  	v6 =	vadd.f32 v8, v6;
	v60 =	vld [tilespmem:s11+$0x1360]  }
0x184: {  	v2 =	vmax.f32 v2, $0.0e+00;
	v61 =	vld [tilespmem:s11+$0x3360];
	v3 =	vadd.f32 v5, v52  }
0x185: {  	[tilespmem:s11+$0x5370] =	vst v2;
	v55 =	vmax.f32 v6, $0.0e+00;
	v0 =	vadd.f32 v53, v0  }
0x186: {  	[tilespmem:s11+$0x5300] =	vst v55;
	v3 =	vmax.f32 v3, $0.0e+00;
	v1 =	vadd.f32 v54, v1  }
0x187: {  	s14 =	sadd.s32 $0x1, s14;
	[tilespmem:s11+$0x5310] =	vst v3;
	v0 =	vmax.f32 v0, $0.0e+00;
	v2 =	vadd.f32 v57, v56  }
0x188: {  	p2 =	seq.s32 s14, $0xA0;
	v3 =	vadd.f32 v59, v58;
	[tilespmem:s11+$0x5320] =	vst v0;
	v1 =	vmax.f32 v1, $0.0e+00  }
.Ltmp9:
0x189: {  	v0 =	vadd.f32 v61, v60;
	v62 =	vmax.f32 v2, $0.0e+00;
	[tilespmem:s11+$0x5330] =	vst v1;
	(pc) =	sbr.rel @!p2 .LBB2_3-.Ltmp9, $4  }
.Ltmp10:
0x18a: {  	v63 =	vmax.f32 v3, $0.0e+00;
	[tilespmem:s11+$0x5340] =	vst v62;
	(pc) =	sbr.rel @p2 .LBB2_14-.Ltmp10, $4  }
0x18b: {  	[tilespmem:s11+$0x5350] =	vst v63;
	v0 =	vmax.f32 v0, $0.0e+00  }
0x18c: {  	[tilespmem:s11+$0x5360] =	vst v0  }
0x18d: {  	[spmem:s1] =	stream.indirect.scatter.add.f32 [tilespmem:s20], [sflag:$0x5], $0x80, s16, s26, $0xb8;
	[tilespmem:$0x1A300] =	vst v63  }
0x18e: {  	_ = 	snop  }
.LBB2_15:
0x18f: {  	_ =	sfence.sel $0x180000  }
0x190: {  	[bflag:$0x0] =	sbarrier.arrive $0xFFFF  }
0x191: {  	_ =	strace $0x90000047  }
0x192: {  	s0 =	stileid.u32;
	[bflag:$0x2] =	sbarrier.arrive $0xFFFF  }
0x193: {  	p0 =	sne.s32 s0, $0x0;
	s0 =	rddreg [dreg:$0x3]  }
0x194: {  	s0 =	sadd.s32 @!p0 $0x100000, s0  }
0x195: {  	[sflag:s0] =	ssyncadd.tile.s32 @!p0 $0x1;
	_ =	shalt  }
.Lfunc_end2:
_tile_overlayer_lowered:
.L_overlay_start_2:
0x196: {  	(tag) =	ssettag $0x2  }
0x197: {  	s0 =	rddreg [dreg:$0x0];
	s2 =	stileid.u32  }
0x198: {  	s1 =	rddreg [dreg:$0x1];
	p0 =	sne.s32 s2, $0x0  }
0x199: {  	s3 =	rddreg [dreg:$0x2];
	[bflag:$0x3] =	sbarrier.arrive $0xFFFF;
	s2 =	simm.s32 @!p0 $0x1C06  }
0x19a: {  	[timem:s3], [sflag:s2] =	dma.local @!p0 [hbm:s0], s1  }
0x19b: {  	s0 =	simm.s32 @!p0 $0x6  }
0x19c: {  	_ =	swait.ge @!p0 [sflag:s0], s1  }
0x19d: {  	s1 =	ssub.s32 @!p0 $0x0, s1;
	[sflag:s0] =	ssyncset.done @!p0 $0x0  }
0x19e: {  	[sflag:s0] =	ssyncadd.s32 @!p0 s1  }
0x19f: {  	[bflag:$0x3] =	sbarrier.arrive $0xFFFF  }
0x1a0: {  	_ =	shalt  }

</sc_bundles>
